<compile_context>
chip_gen: v7x
topology: tpu7x:2x2x1
jax: 0.10.2.dev20260603
libtpu: 0.0.44.dev20260713+nightly
codegen_flags: <defaults>
</compile_context>

<pallas_src>
import jax
import jax.numpy as jnp
from jax import lax
from jax.experimental import pallas as pl
from jax.experimental.pallas import tpu as pltpu
from jax.experimental.pallas import tpu_sc as plsc

DICT_SIZE = 5120
EMBED_DIM = 512
B_TOTAL = 1024 * 50

NC = 2
NS = 16
NW = NC * NS

B_PER_W = B_TOTAL // NW
CHUNK = 80
N_CHUNKS = B_PER_W // CHUNK


def _embed_body(x_hbm, table_hbm, out_hbm, idx_v, rows0, rows1, gsem, osem):
    wid = lax.axis_index("s") * NC + lax.axis_index("c")
    base = wid * B_PER_W
    pltpu.sync_copy(x_hbm.at[pl.ds(base, B_PER_W)], idx_v)

    bufs = (rows0, rows1)

    def gather(j):
        idx_slice = idx_v.at[pl.ds(j * CHUNK, CHUNK)]
        return pltpu.async_copy(table_hbm.at[idx_slice], bufs[j % 2], gsem)

    def put(j):
        return pltpu.async_copy(
            bufs[j % 2], out_hbm.at[pl.ds(base + j * CHUNK, CHUNK)], osem
        )

    g = [None] * N_CHUNKS
    o = [None] * N_CHUNKS
    g[0] = gather(0)
    for j in range(N_CHUNKS):
        if j + 1 < N_CHUNKS:
            if j >= 1:
                o[j - 1].wait()
            g[j + 1] = gather(j + 1)
        g[j].wait()
        o[j] = put(j)
    o[N_CHUNKS - 2].wait()
    o[N_CHUNKS - 1].wait()


@jax.jit
def _embed(x_flat, table):
    mesh = plsc.VectorSubcoreMesh(core_axis_name="c", subcore_axis_name="s")
    k = pl.kernel(
        _embed_body,
        out_type=jax.ShapeDtypeStruct((B_TOTAL, EMBED_DIM), jnp.float32),
        mesh=mesh,
        scratch_types=[
            pltpu.VMEM((B_PER_W,), jnp.int32),
            pltpu.VMEM((CHUNK, EMBED_DIM), jnp.float32),
            pltpu.VMEM((CHUNK, EMBED_DIM), jnp.float32),
            pltpu.SemaphoreType.DMA,
            pltpu.SemaphoreType.DMA,
        ],
    )
    return k(x_flat, table)


def kernel(x, table):
    x_flat = x.reshape(-1).astype(jnp.int32)
    out = _embed(x_flat, table)
    return out.reshape(x.shape[0], x.shape[1], EMBED_DIM)

# --- scband reference (transcript-rebuilt; emitter-appended) ---
"""Pipeline reference for scband-word-embedder-73203422593307 (READ-ONLY COPY).

The authoritative reference and input builder live on the scoring server;
editing this copy changes nothing except your own understanding.
"""

import jax, jax.numpy as jnp
import numpy as np

DICT_SIZE = 5120
EMBED_DIM = 512

def setup_inputs(seed: int = 0) -> dict:
    key = jax.random.key(seed)
    k1, k2 = jax.random.split(key)
    x = jax.random.randint(k1, (1024, 50), 0, DICT_SIZE, dtype=jnp.int64 if jax.config.jax_enable_x64 else jnp.int32)
    table = jax.random.normal(k2, (DICT_SIZE, EMBED_DIM), dtype=jnp.float32)
    return {"x": x, "table": table}

def reference(x, table):
    # nn.Embedding forward: row gather from the embedding table
    return jnp.take(table, x, axis=0)

if __name__ == "__main__":
    import jax
    _d = setup_inputs()
    print(jax.jit(kernel)(*tuple(_d.values())))

</pallas_src>

<mosaic_0001>
#map = affine_map<(d0, d1) -> (0)>
#map1 = affine_map<(d0, d1) -> (0, 0)>
module attributes {stable_mosaic.version = 14 : i64} {
  func.func @_embed_body(%arg0: i32, %arg1: i32, %arg2: memref<51200xi32, #tpu.memory_space<hbm>>, %arg3: memref<5120x512xf32, #tpu.memory_space<hbm>>, %arg4: memref<51200x512xf32, #tpu.memory_space<hbm>>, %arg5: memref<1600xi32, #tpu.memory_space<vmem>>, %arg6: memref<80x512xf32, #tpu.memory_space<vmem>>, %arg7: memref<80x512xf32, #tpu.memory_space<vmem>>, %arg8: memref<!tpu.dma_semaphore, #tpu.memory_space<semaphore_mem>>, %arg9: memref<!tpu.dma_semaphore, #tpu.memory_space<semaphore_mem>>) attributes {dimension_semantics = [#tpu.dimension_semantics<core_parallel>, #tpu.dimension_semantics<subcore_parallel>], iteration_bounds = array<i64: 2, 16>, scalar_prefetch = 0 : i64, scratch_operands = 5 : i64, tpu.core_type = #tpu.core_type<sc_vector_subcore>, window_params = [{transform_indices = #map}, {transform_indices = #map1}, {transform_indices = #map1}]} {
    %mul3A = arith.constant 2 : i32
    %mul3A_0 = arith.muli %arg1, %mul3A : i32
    %add3A = arith.addi %mul3A_0, %arg0 : i32
    %mul3A_1 = arith.constant 1600 : i32
    %mul3A_2 = arith.muli %add3A, %mul3A_1 : i32
    "tpu.region"() ({
      %run_scoped3A = tpu.sem_alloc : memref<!tpu.dma_semaphore, #tpu.memory_space<semaphore_mem>>
      %dma_start3A_401 = tpu.memref_slice %arg2[%mul3A_2] : memref<51200xi32, #tpu.memory_space<hbm>> -> memref<1600xi32, #tpu.memory_space<hbm>>
      %dma_start3A_402 = tpu.memref_slice %arg2[%mul3A_2] : memref<51200xi32, #tpu.memory_space<hbm>> -> memref<1600xi32, #tpu.memory_space<hbm>>
      tpu.enqueue_dma source(%dma_start3A_402 : memref<1600xi32, #tpu.memory_space<hbm>>) target(%arg5 : memref<1600xi32, #tpu.memory_space<vmem>>) target_semaphore(%run_scoped3A : memref<!tpu.dma_semaphore, #tpu.memory_space<semaphore_mem>>)
      %dma_wait3A_403 = tpu.memref_slice %arg2[%mul3A_2] : memref<51200xi32, #tpu.memory_space<hbm>> -> memref<1600xi32, #tpu.memory_space<hbm>>
      %dma_wait3A_404 = tpu.memref_slice %arg2[%mul3A_2] : memref<51200xi32, #tpu.memory_space<hbm>> -> memref<1600xi32, #tpu.memory_space<hbm>>
      tpu.wait_dma2 semaphore(%run_scoped3A : memref<!tpu.dma_semaphore, #tpu.memory_space<semaphore_mem>>) src(%dma_wait3A_404 : memref<1600xi32, #tpu.memory_space<hbm>>) dst(%arg5 : memref<1600xi32, #tpu.memory_space<vmem>>)
      tpu.yield
    }) : () -> ()
    %dma_start3A = arith.constant 0 : i32
    %dma_start3A_3 = tpu.memref_slice %arg5[%dma_start3A] : memref<1600xi32, #tpu.memory_space<vmem>> -> memref<80xi32, #tpu.memory_space<vmem>>
    %dma_start3A_4 = arith.constant 0 : i32
    %dma_start3A_5 = arith.constant 0 : i32
    %dma_start3A_6 = tpu.memref_slice %arg3[%dma_start3A_4, %dma_start3A_5] : memref<5120x512xf32, #tpu.memory_space<hbm>> -> memref<5120x512xf32, #tpu.memory_space<hbm>>
    tpu.enqueue_indirect_dma source(%dma_start3A_6 : memref<5120x512xf32, #tpu.memory_space<hbm>>) target(%arg6 : memref<80x512xf32, #tpu.memory_space<vmem>>) offsets(%dma_start3A_3 : memref<80xi32, #tpu.memory_space<vmem>>) semaphore(%arg8 : memref<!tpu.dma_semaphore, #tpu.memory_space<semaphore_mem>>)
    %dma_start3A_7 = arith.constant 80 : i32
    %dma_start3A_8 = tpu.memref_slice %arg5[%dma_start3A_7] : memref<1600xi32, #tpu.memory_space<vmem>> -> memref<80xi32, #tpu.memory_space<vmem>>
    %dma_start3A_9 = arith.constant 0 : i32
    %dma_start3A_10 = arith.constant 0 : i32
    %dma_start3A_11 = tpu.memref_slice %arg3[%dma_start3A_9, %dma_start3A_10] : memref<5120x512xf32, #tpu.memory_space<hbm>> -> memref<5120x512xf32, #tpu.memory_space<hbm>>
    tpu.enqueue_indirect_dma source(%dma_start3A_11 : memref<5120x512xf32, #tpu.memory_space<hbm>>) target(%arg7 : memref<80x512xf32, #tpu.memory_space<vmem>>) offsets(%dma_start3A_8 : memref<80xi32, #tpu.memory_space<vmem>>) semaphore(%arg8 : memref<!tpu.dma_semaphore, #tpu.memory_space<semaphore_mem>>)
    %dma_wait3A = arith.constant 0 : i32
    %dma_wait3A_12 = tpu.memref_slice %arg5[%dma_wait3A] : memref<1600xi32, #tpu.memory_space<vmem>> -> memref<80xi32, #tpu.memory_space<vmem>>
    %dma_wait3A_13 = arith.constant 0 : i32
    %dma_wait3A_14 = arith.constant 0 : i32
    %dma_wait3A_15 = tpu.memref_slice %arg3[%dma_wait3A_13, %dma_wait3A_14] : memref<5120x512xf32, #tpu.memory_space<hbm>> -> memref<5120x512xf32, #tpu.memory_space<hbm>>
    tpu.wait_indirect_dma semaphore(%arg8 : memref<!tpu.dma_semaphore, #tpu.memory_space<semaphore_mem>>) src(%dma_wait3A_15 : memref<5120x512xf32, #tpu.memory_space<hbm>>) dst(%arg6 : memref<80x512xf32, #tpu.memory_space<vmem>>)
    %add3A_16 = arith.constant 0 : i32
    %add3A_17 = arith.addi %mul3A_2, %add3A_16 : i32
    %dma_start3A_18 = arith.constant 0 : i32
    %dma_start3A_19 = tpu.memref_slice %arg4[%add3A_17, %dma_start3A_18] : memref<51200x512xf32, #tpu.memory_space<hbm>> -> memref<80x512xf32, #tpu.memory_space<hbm>>
    %dma_start3A_20 = arith.constant 0 : i32
    %dma_start3A_21 = tpu.memref_slice %arg4[%add3A_17, %dma_start3A_20] : memref<51200x512xf32, #tpu.memory_space<hbm>> -> memref<80x512xf32, #tpu.memory_space<hbm>>
    tpu.enqueue_dma source(%arg6 : memref<80x512xf32, #tpu.memory_space<vmem>>) target(%dma_start3A_21 : memref<80x512xf32, #tpu.memory_space<hbm>>) target_semaphore(%arg9 : memref<!tpu.dma_semaphore, #tpu.memory_space<semaphore_mem>>)
    %dma_wait3A_22 = arith.constant 0 : i32
    %dma_wait3A_23 = tpu.memref_slice %arg4[%add3A_17, %dma_wait3A_22] : memref<51200x512xf32, #tpu.memory_space<hbm>> -> memref<80x512xf32, #tpu.memory_space<hbm>>
    %dma_wait3A_24 = arith.constant 0 : i32
    %dma_wait3A_25 = tpu.memref_slice %arg4[%add3A_17, %dma_wait3A_24] : memref<51200x512xf32, #tpu.memory_space<hbm>> -> memref<80x512xf32, #tpu.memory_space<hbm>>
    tpu.wait_dma2 semaphore(%arg9 : memref<!tpu.dma_semaphore, #tpu.memory_space<semaphore_mem>>) src(%arg6 : memref<80x512xf32, #tpu.memory_space<vmem>>) dst(%dma_wait3A_25 : memref<80x512xf32, #tpu.memory_space<hbm>>)
    %dma_start3A_26 = arith.constant 160 : i32
    %dma_start3A_27 = tpu.memref_slice %arg5[%dma_start3A_26] : memref<1600xi32, #tpu.memory_space<vmem>> -> memref<80xi32, #tpu.memory_space<vmem>>
    %dma_start3A_28 = arith.constant 0 : i32
    %dma_start3A_29 = arith.constant 0 : i32
    %dma_start3A_30 = tpu.memref_slice %arg3[%dma_start3A_28, %dma_start3A_29] : memref<5120x512xf32, #tpu.memory_space<hbm>> -> memref<5120x512xf32, #tpu.memory_space<hbm>>
    tpu.enqueue_indirect_dma source(%dma_start3A_30 : memref<5120x512xf32, #tpu.memory_space<hbm>>) target(%arg6 : memref<80x512xf32, #tpu.memory_space<vmem>>) offsets(%dma_start3A_27 : memref<80xi32, #tpu.memory_space<vmem>>) semaphore(%arg8 : memref<!tpu.dma_semaphore, #tpu.memory_space<semaphore_mem>>)
    %dma_wait3A_31 = arith.constant 80 : i32
    %dma_wait3A_32 = tpu.memref_slice %arg5[%dma_wait3A_31] : memref<1600xi32, #tpu.memory_space<vmem>> -> memref<80xi32, #tpu.memory_space<vmem>>
    %dma_wait3A_33 = arith.constant 0 : i32
    %dma_wait3A_34 = arith.constant 0 : i32
    %dma_wait3A_35 = tpu.memref_slice %arg3[%dma_wait3A_33, %dma_wait3A_34] : memref<5120x512xf32, #tpu.memory_space<hbm>> -> memref<5120x512xf32, #tpu.memory_space<hbm>>
    tpu.wait_indirect_dma semaphore(%arg8 : memref<!tpu.dma_semaphore, #tpu.memory_space<semaphore_mem>>) src(%dma_wait3A_35 : memref<5120x512xf32, #tpu.memory_space<hbm>>) dst(%arg7 : memref<80x512xf32, #tpu.memory_space<vmem>>)
    %add3A_36 = arith.constant 80 : i32
    %add3A_37 = arith.addi %mul3A_2, %add3A_36 : i32
    %dma_start3A_38 = arith.constant 0 : i32
    %dma_start3A_39 = tpu.memref_slice %arg4[%add3A_37, %dma_start3A_38] : memref<51200x512xf32, #tpu.memory_space<hbm>> -> memref<80x512xf32, #tpu.memory_space<hbm>>
    %dma_start3A_40 = arith.constant 0 : i32
    %dma_start3A_41 = tpu.memref_slice %arg4[%add3A_37, %dma_start3A_40] : memref<51200x512xf32, #tpu.memory_space<hbm>> -> memref<80x512xf32, #tpu.memory_space<hbm>>
    tpu.enqueue_dma source(%arg7 : memref<80x512xf32, #tpu.memory_space<vmem>>) target(%dma_start3A_41 : memref<80x512xf32, #tpu.memory_space<hbm>>) target_semaphore(%arg9 : memref<!tpu.dma_semaphore, #tpu.memory_space<semaphore_mem>>)
    %dma_wait3A_42 = arith.constant 0 : i32
    %dma_wait3A_43 = tpu.memref_slice %arg4[%add3A_37, %dma_wait3A_42] : memref<51200x512xf32, #tpu.memory_space<hbm>> -> memref<80x512xf32, #tpu.memory_space<hbm>>
    %dma_wait3A_44 = arith.constant 0 : i32
    %dma_wait3A_45 = tpu.memref_slice %arg4[%add3A_37, %dma_wait3A_44] : memref<51200x512xf32, #tpu.memory_space<hbm>> -> memref<80x512xf32, #tpu.memory_space<hbm>>
    tpu.wait_dma2 semaphore(%arg9 : memref<!tpu.dma_semaphore, #tpu.memory_space<semaphore_mem>>) src(%arg7 : memref<80x512xf32, #tpu.memory_space<vmem>>) dst(%dma_wait3A_45 : memref<80x512xf32, #tpu.memory_space<hbm>>)
    %dma_start3A_46 = arith.constant 240 : i32
    %dma_start3A_47 = tpu.memref_slice %arg5[%dma_start3A_46] : memref<1600xi32, #tpu.memory_space<vmem>> -> memref<80xi32, #tpu.memory_space<vmem>>
    %dma_start3A_48 = arith.constant 0 : i32
    %dma_start3A_49 = arith.constant 0 : i32
    %dma_start3A_50 = tpu.memref_slice %arg3[%dma_start3A_48, %dma_start3A_49] : memref<5120x512xf32, #tpu.memory_space<hbm>> -> memref<5120x512xf32, #tpu.memory_space<hbm>>
    tpu.enqueue_indirect_dma source(%dma_start3A_50 : memref<5120x512xf32, #tpu.memory_space<hbm>>) target(%arg7 : memref<80x512xf32, #tpu.memory_space<vmem>>) offsets(%dma_start3A_47 : memref<80xi32, #tpu.memory_space<vmem>>) semaphore(%arg8 : memref<!tpu.dma_semaphore, #tpu.memory_space<semaphore_mem>>)
    %dma_wait3A_51 = arith.constant 160 : i32
    %dma_wait3A_52 = tpu.memref_slice %arg5[%dma_wait3A_51] : memref<1600xi32, #tpu.memory_space<vmem>> -> memref<80xi32, #tpu.memory_space<vmem>>
    %dma_wait3A_53 = arith.constant 0 : i32
    %dma_wait3A_54 = arith.constant 0 : i32
    %dma_wait3A_55 = tpu.memref_slice %arg3[%dma_wait3A_53, %dma_wait3A_54] : memref<5120x512xf32, #tpu.memory_space<hbm>> -> memref<5120x512xf32, #tpu.memory_space<hbm>>
    tpu.wait_indirect_dma semaphore(%arg8 : memref<!tpu.dma_semaphore, #tpu.memory_space<semaphore_mem>>) src(%dma_wait3A_55 : memref<5120x512xf32, #tpu.memory_space<hbm>>) dst(%arg6 : memref<80x512xf32, #tpu.memory_space<vmem>>)
    %add3A_56 = arith.constant 160 : i32
    %add3A_57 = arith.addi %mul3A_2, %add3A_56 : i32
    %dma_start3A_58 = arith.constant 0 : i32
    %dma_start3A_59 = tpu.memref_slice %arg4[%add3A_57, %dma_start3A_58] : memref<51200x512xf32, #tpu.memory_space<hbm>> -> memref<80x512xf32, #tpu.memory_space<hbm>>
    %dma_start3A_60 = arith.constant 0 : i32
    %dma_start3A_61 = tpu.memref_slice %arg4[%add3A_57, %dma_start3A_60] : memref<51200x512xf32, #tpu.memory_space<hbm>> -> memref<80x512xf32, #tpu.memory_space<hbm>>
    tpu.enqueue_dma source(%arg6 : memref<80x512xf32, #tpu.memory_space<vmem>>) target(%dma_start3A_61 : memref<80x512xf32, #tpu.memory_space<hbm>>) target_semaphore(%arg9 : memref<!tpu.dma_semaphore, #tpu.memory_space<semaphore_mem>>)
    %dma_wait3A_62 = arith.constant 0 : i32
    %dma_wait3A_63 = tpu.memref_slice %arg4[%add3A_57, %dma_wait3A_62] : memref<51200x512xf32, #tpu.memory_space<hbm>> -> memref<80x512xf32, #tpu.memory_space<hbm>>
    %dma_wait3A_64 = arith.constant 0 : i32
    %dma_wait3A_65 = tpu.memref_slice %arg4[%add3A_57, %dma_wait3A_64] : memref<51200x512xf32, #tpu.memory_space<hbm>> -> memref<80x512xf32, #tpu.memory_space<hbm>>
    tpu.wait_dma2 semaphore(%arg9 : memref<!tpu.dma_semaphore, #tpu.memory_space<semaphore_mem>>) src(%arg6 : memref<80x512xf32, #tpu.memory_space<vmem>>) dst(%dma_wait3A_65 : memref<80x512xf32, #tpu.memory_space<hbm>>)
    %dma_start3A_66 = arith.constant 320 : i32
    %dma_start3A_67 = tpu.memref_slice %arg5[%dma_start3A_66] : memref<1600xi32, #tpu.memory_space<vmem>> -> memref<80xi32, #tpu.memory_space<vmem>>
    %dma_start3A_68 = arith.constant 0 : i32
    %dma_start3A_69 = arith.constant 0 : i32
    %dma_start3A_70 = tpu.memref_slice %arg3[%dma_start3A_68, %dma_start3A_69] : memref<5120x512xf32, #tpu.memory_space<hbm>> -> memref<5120x512xf32, #tpu.memory_space<hbm>>
    tpu.enqueue_indirect_dma source(%dma_start3A_70 : memref<5120x512xf32, #tpu.memory_space<hbm>>) target(%arg6 : memref<80x512xf32, #tpu.memory_space<vmem>>) offsets(%dma_start3A_67 : memref<80xi32, #tpu.memory_space<vmem>>) semaphore(%arg8 : memref<!tpu.dma_semaphore, #tpu.memory_space<semaphore_mem>>)
    %dma_wait3A_71 = arith.constant 240 : i32
    %dma_wait3A_72 = tpu.memref_slice %arg5[%dma_wait3A_71] : memref<1600xi32, #tpu.memory_space<vmem>> -> memref<80xi32, #tpu.memory_space<vmem>>
    %dma_wait3A_73 = arith.constant 0 : i32
    %dma_wait3A_74 = arith.constant 0 : i32
    %dma_wait3A_75 = tpu.memref_slice %arg3[%dma_wait3A_73, %dma_wait3A_74] : memref<5120x512xf32, #tpu.memory_space<hbm>> -> memref<5120x512xf32, #tpu.memory_space<hbm>>
    tpu.wait_indirect_dma semaphore(%arg8 : memref<!tpu.dma_semaphore, #tpu.memory_space<semaphore_mem>>) src(%dma_wait3A_75 : memref<5120x512xf32, #tpu.memory_space<hbm>>) dst(%arg7 : memref<80x512xf32, #tpu.memory_space<vmem>>)
    %add3A_76 = arith.constant 240 : i32
    %add3A_77 = arith.addi %mul3A_2, %add3A_76 : i32
    %dma_start3A_78 = arith.constant 0 : i32
    %dma_start3A_79 = tpu.memref_slice %arg4[%add3A_77, %dma_start3A_78] : memref<51200x512xf32, #tpu.memory_space<hbm>> -> memref<80x512xf32, #tpu.memory_space<hbm>>
    %dma_start3A_80 = arith.constant 0 : i32
    %dma_start3A_81 = tpu.memref_slice %arg4[%add3A_77, %dma_start3A_80] : memref<51200x512xf32, #tpu.memory_space<hbm>> -> memref<80x512xf32, #tpu.memory_space<hbm>>
    tpu.enqueue_dma source(%arg7 : memref<80x512xf32, #tpu.memory_space<vmem>>) target(%dma_start3A_81 : memref<80x512xf32, #tpu.memory_space<hbm>>) target_semaphore(%arg9 : memref<!tpu.dma_semaphore, #tpu.memory_space<semaphore_mem>>)
    %dma_wait3A_82 = arith.constant 0 : i32
    %dma_wait3A_83 = tpu.memref_slice %arg4[%add3A_77, %dma_wait3A_82] : memref<51200x512xf32, #tpu.memory_space<hbm>> -> memref<80x512xf32, #tpu.memory_space<hbm>>
    %dma_wait3A_84 = arith.constant 0 : i32
    %dma_wait3A_85 = tpu.memref_slice %arg4[%add3A_77, %dma_wait3A_84] : memref<51200x512xf32, #tpu.memory_space<hbm>> -> memref<80x512xf32, #tpu.memory_space<hbm>>
    tpu.wait_dma2 semaphore(%arg9 : memref<!tpu.dma_semaphore, #tpu.memory_space<semaphore_mem>>) src(%arg7 : memref<80x512xf32, #tpu.memory_space<vmem>>) dst(%dma_wait3A_85 : memref<80x512xf32, #tpu.memory_space<hbm>>)
    %dma_start3A_86 = arith.constant 400 : i32
    %dma_start3A_87 = tpu.memref_slice %arg5[%dma_start3A_86] : memref<1600xi32, #tpu.memory_space<vmem>> -> memref<80xi32, #tpu.memory_space<vmem>>
    %dma_start3A_88 = arith.constant 0 : i32
    %dma_start3A_89 = arith.constant 0 : i32
    %dma_start3A_90 = tpu.memref_slice %arg3[%dma_start3A_88, %dma_start3A_89] : memref<5120x512xf32, #tpu.memory_space<hbm>> -> memref<5120x512xf32, #tpu.memory_space<hbm>>
    tpu.enqueue_indirect_dma source(%dma_start3A_90 : memref<5120x512xf32, #tpu.memory_space<hbm>>) target(%arg7 : memref<80x512xf32, #tpu.memory_space<vmem>>) offsets(%dma_start3A_87 : memref<80xi32, #tpu.memory_space<vmem>>) semaphore(%arg8 : memref<!tpu.dma_semaphore, #tpu.memory_space<semaphore_mem>>)
    %dma_wait3A_91 = arith.constant 320 : i32
    %dma_wait3A_92 = tpu.memref_slice %arg5[%dma_wait3A_91] : memref<1600xi32, #tpu.memory_space<vmem>> -> memref<80xi32, #tpu.memory_space<vmem>>
    %dma_wait3A_93 = arith.constant 0 : i32
    %dma_wait3A_94 = arith.constant 0 : i32
    %dma_wait3A_95 = tpu.memref_slice %arg3[%dma_wait3A_93, %dma_wait3A_94] : memref<5120x512xf32, #tpu.memory_space<hbm>> -> memref<5120x512xf32, #tpu.memory_space<hbm>>
    tpu.wait_indirect_dma semaphore(%arg8 : memref<!tpu.dma_semaphore, #tpu.memory_space<semaphore_mem>>) src(%dma_wait3A_95 : memref<5120x512xf32, #tpu.memory_space<hbm>>) dst(%arg6 : memref<80x512xf32, #tpu.memory_space<vmem>>)
    %add3A_96 = arith.constant 320 : i32
    %add3A_97 = arith.addi %mul3A_2, %add3A_96 : i32
    %dma_start3A_98 = arith.constant 0 : i32
    %dma_start3A_99 = tpu.memref_slice %arg4[%add3A_97, %dma_start3A_98] : memref<51200x512xf32, #tpu.memory_space<hbm>> -> memref<80x512xf32, #tpu.memory_space<hbm>>
    %dma_start3A_100 = arith.constant 0 : i32
    %dma_start3A_101 = tpu.memref_slice %arg4[%add3A_97, %dma_start3A_100] : memref<51200x512xf32, #tpu.memory_space<hbm>> -> memref<80x512xf32, #tpu.memory_space<hbm>>
    tpu.enqueue_dma source(%arg6 : memref<80x512xf32, #tpu.memory_space<vmem>>) target(%dma_start3A_101 : memref<80x512xf32, #tpu.memory_space<hbm>>) target_semaphore(%arg9 : memref<!tpu.dma_semaphore, #tpu.memory_space<semaphore_mem>>)
    %dma_wait3A_102 = arith.constant 0 : i32
    %dma_wait3A_103 = tpu.memref_slice %arg4[%add3A_97, %dma_wait3A_102] : memref<51200x512xf32, #tpu.memory_space<hbm>> -> memref<80x512xf32, #tpu.memory_space<hbm>>
    %dma_wait3A_104 = arith.constant 0 : i32
    %dma_wait3A_105 = tpu.memref_slice %arg4[%add3A_97, %dma_wait3A_104] : memref<51200x512xf32, #tpu.memory_space<hbm>> -> memref<80x512xf32, #tpu.memory_space<hbm>>
    tpu.wait_dma2 semaphore(%arg9 : memref<!tpu.dma_semaphore, #tpu.memory_space<semaphore_mem>>) src(%arg6 : memref<80x512xf32, #tpu.memory_space<vmem>>) dst(%dma_wait3A_105 : memref<80x512xf32, #tpu.memory_space<hbm>>)
    %dma_start3A_106 = arith.constant 480 : i32
    %dma_start3A_107 = tpu.memref_slice %arg5[%dma_start3A_106] : memref<1600xi32, #tpu.memory_space<vmem>> -> memref<80xi32, #tpu.memory_space<vmem>>
    %dma_start3A_108 = arith.constant 0 : i32
    %dma_start3A_109 = arith.constant 0 : i32
    %dma_start3A_110 = tpu.memref_slice %arg3[%dma_start3A_108, %dma_start3A_109] : memref<5120x512xf32, #tpu.memory_space<hbm>> -> memref<5120x512xf32, #tpu.memory_space<hbm>>
    tpu.enqueue_indirect_dma source(%dma_start3A_110 : memref<5120x512xf32, #tpu.memory_space<hbm>>) target(%arg6 : memref<80x512xf32, #tpu.memory_space<vmem>>) offsets(%dma_start3A_107 : memref<80xi32, #tpu.memory_space<vmem>>) semaphore(%arg8 : memref<!tpu.dma_semaphore, #tpu.memory_space<semaphore_mem>>)
    %dma_wait3A_111 = arith.constant 400 : i32
    %dma_wait3A_112 = tpu.memref_slice %arg5[%dma_wait3A_111] : memref<1600xi32, #tpu.memory_space<vmem>> -> memref<80xi32, #tpu.memory_space<vmem>>
    %dma_wait3A_113 = arith.constant 0 : i32
    %dma_wait3A_114 = arith.constant 0 : i32
    %dma_wait3A_115 = tpu.memref_slice %arg3[%dma_wait3A_113, %dma_wait3A_114] : memref<5120x512xf32, #tpu.memory_space<hbm>> -> memref<5120x512xf32, #tpu.memory_space<hbm>>
    tpu.wait_indirect_dma semaphore(%arg8 : memref<!tpu.dma_semaphore, #tpu.memory_space<semaphore_mem>>) src(%dma_wait3A_115 : memref<5120x512xf32, #tpu.memory_space<hbm>>) dst(%arg7 : memref<80x512xf32, #tpu.memory_space<vmem>>)
    %add3A_116 = arith.constant 400 : i32
    %add3A_117 = arith.addi %mul3A_2, %add3A_116 : i32
    %dma_start3A_118 = arith.constant 0 : i32
    %dma_start3A_119 = tpu.memref_slice %arg4[%add3A_117, %dma_start3A_118] : memref<51200x512xf32, #tpu.memory_space<hbm>> -> memref<80x512xf32, #tpu.memory_space<hbm>>
    %dma_start3A_120 = arith.constant 0 : i32
    %dma_start3A_121 = tpu.memref_slice %arg4[%add3A_117, %dma_start3A_120] : memref<51200x512xf32, #tpu.memory_space<hbm>> -> memref<80x512xf32, #tpu.memory_space<hbm>>
    tpu.enqueue_dma source(%arg7 : memref<80x512xf32, #tpu.memory_space<vmem>>) target(%dma_start3A_121 : memref<80x512xf32, #tpu.memory_space<hbm>>) target_semaphore(%arg9 : memref<!tpu.dma_semaphore, #tpu.memory_space<semaphore_mem>>)
    %dma_wait3A_122 = arith.constant 0 : i32
    %dma_wait3A_123 = tpu.memref_slice %arg4[%add3A_117, %dma_wait3A_122] : memref<51200x512xf32, #tpu.memory_space<hbm>> -> memref<80x512xf32, #tpu.memory_space<hbm>>
    %dma_wait3A_124 = arith.constant 0 : i32
    %dma_wait3A_125 = tpu.memref_slice %arg4[%add3A_117, %dma_wait3A_124] : memref<51200x512xf32, #tpu.memory_space<hbm>> -> memref<80x512xf32, #tpu.memory_space<hbm>>
    tpu.wait_dma2 semaphore(%arg9 : memref<!tpu.dma_semaphore, #tpu.memory_space<semaphore_mem>>) src(%arg7 : memref<80x512xf32, #tpu.memory_space<vmem>>) dst(%dma_wait3A_125 : memref<80x512xf32, #tpu.memory_space<hbm>>)
    %dma_start3A_126 = arith.constant 560 : i32
    %dma_start3A_127 = tpu.memref_slice %arg5[%dma_start3A_126] : memref<1600xi32, #tpu.memory_space<vmem>> -> memref<80xi32, #tpu.memory_space<vmem>>
    %dma_start3A_128 = arith.constant 0 : i32
    %dma_start3A_129 = arith.constant 0 : i32
    %dma_start3A_130 = tpu.memref_slice %arg3[%dma_start3A_128, %dma_start3A_129] : memref<5120x512xf32, #tpu.memory_space<hbm>> -> memref<5120x512xf32, #tpu.memory_space<hbm>>
    tpu.enqueue_indirect_dma source(%dma_start3A_130 : memref<5120x512xf32, #tpu.memory_space<hbm>>) target(%arg7 : memref<80x512xf32, #tpu.memory_space<vmem>>) offsets(%dma_start3A_127 : memref<80xi32, #tpu.memory_space<vmem>>) semaphore(%arg8 : memref<!tpu.dma_semaphore, #tpu.memory_space<semaphore_mem>>)
    %dma_wait3A_131 = arith.constant 480 : i32
    %dma_wait3A_132 = tpu.memref_slice %arg5[%dma_wait3A_131] : memref<1600xi32, #tpu.memory_space<vmem>> -> memref<80xi32, #tpu.memory_space<vmem>>
    %dma_wait3A_133 = arith.constant 0 : i32
    %dma_wait3A_134 = arith.constant 0 : i32
    %dma_wait3A_135 = tpu.memref_slice %arg3[%dma_wait3A_133, %dma_wait3A_134] : memref<5120x512xf32, #tpu.memory_space<hbm>> -> memref<5120x512xf32, #tpu.memory_space<hbm>>
    tpu.wait_indirect_dma semaphore(%arg8 : memref<!tpu.dma_semaphore, #tpu.memory_space<semaphore_mem>>) src(%dma_wait3A_135 : memref<5120x512xf32, #tpu.memory_space<hbm>>) dst(%arg6 : memref<80x512xf32, #tpu.memory_space<vmem>>)
    %add3A_136 = arith.constant 480 : i32
    %add3A_137 = arith.addi %mul3A_2, %add3A_136 : i32
    %dma_start3A_138 = arith.constant 0 : i32
    %dma_start3A_139 = tpu.memref_slice %arg4[%add3A_137, %dma_start3A_138] : memref<51200x512xf32, #tpu.memory_space<hbm>> -> memref<80x512xf32, #tpu.memory_space<hbm>>
    %dma_start3A_140 = arith.constant 0 : i32
    %dma_start3A_141 = tpu.memref_slice %arg4[%add3A_137, %dma_start3A_140] : memref<51200x512xf32, #tpu.memory_space<hbm>> -> memref<80x512xf32, #tpu.memory_space<hbm>>
    tpu.enqueue_dma source(%arg6 : memref<80x512xf32, #tpu.memory_space<vmem>>) target(%dma_start3A_141 : memref<80x512xf32, #tpu.memory_space<hbm>>) target_semaphore(%arg9 : memref<!tpu.dma_semaphore, #tpu.memory_space<semaphore_mem>>)
    %dma_wait3A_142 = arith.constant 0 : i32
    %dma_wait3A_143 = tpu.memref_slice %arg4[%add3A_137, %dma_wait3A_142] : memref<51200x512xf32, #tpu.memory_space<hbm>> -> memref<80x512xf32, #tpu.memory_space<hbm>>
    %dma_wait3A_144 = arith.constant 0 : i32
    %dma_wait3A_145 = tpu.memref_slice %arg4[%add3A_137, %dma_wait3A_144] : memref<51200x512xf32, #tpu.memory_space<hbm>> -> memref<80x512xf32, #tpu.memory_space<hbm>>
    tpu.wait_dma2 semaphore(%arg9 : memref<!tpu.dma_semaphore, #tpu.memory_space<semaphore_mem>>) src(%arg6 : memref<80x512xf32, #tpu.memory_space<vmem>>) dst(%dma_wait3A_145 : memref<80x512xf32, #tpu.memory_space<hbm>>)
    %dma_start3A_146 = arith.constant 640 : i32
    %dma_start3A_147 = tpu.memref_slice %arg5[%dma_start3A_146] : memref<1600xi32, #tpu.memory_space<vmem>> -> memref<80xi32, #tpu.memory_space<vmem>>
    %dma_start3A_148 = arith.constant 0 : i32
    %dma_start3A_149 = arith.constant 0 : i32
    %dma_start3A_150 = tpu.memref_slice %arg3[%dma_start3A_148, %dma_start3A_149] : memref<5120x512xf32, #tpu.memory_space<hbm>> -> memref<5120x512xf32, #tpu.memory_space<hbm>>
    tpu.enqueue_indirect_dma source(%dma_start3A_150 : memref<5120x512xf32, #tpu.memory_space<hbm>>) target(%arg6 : memref<80x512xf32, #tpu.memory_space<vmem>>) offsets(%dma_start3A_147 : memref<80xi32, #tpu.memory_space<vmem>>) semaphore(%arg8 : memref<!tpu.dma_semaphore, #tpu.memory_space<semaphore_mem>>)
    %dma_wait3A_151 = arith.constant 560 : i32
    %dma_wait3A_152 = tpu.memref_slice %arg5[%dma_wait3A_151] : memref<1600xi32, #tpu.memory_space<vmem>> -> memref<80xi32, #tpu.memory_space<vmem>>
    %dma_wait3A_153 = arith.constant 0 : i32
    %dma_wait3A_154 = arith.constant 0 : i32
    %dma_wait3A_155 = tpu.memref_slice %arg3[%dma_wait3A_153, %dma_wait3A_154] : memref<5120x512xf32, #tpu.memory_space<hbm>> -> memref<5120x512xf32, #tpu.memory_space<hbm>>
    tpu.wait_indirect_dma semaphore(%arg8 : memref<!tpu.dma_semaphore, #tpu.memory_space<semaphore_mem>>) src(%dma_wait3A_155 : memref<5120x512xf32, #tpu.memory_space<hbm>>) dst(%arg7 : memref<80x512xf32, #tpu.memory_space<vmem>>)
    %add3A_156 = arith.constant 560 : i32
    %add3A_157 = arith.addi %mul3A_2, %add3A_156 : i32
    %dma_start3A_158 = arith.constant 0 : i32
    %dma_start3A_159 = tpu.memref_slice %arg4[%add3A_157, %dma_start3A_158] : memref<51200x512xf32, #tpu.memory_space<hbm>> -> memref<80x512xf32, #tpu.memory_space<hbm>>
    %dma_start3A_160 = arith.constant 0 : i32
    %dma_start3A_161 = tpu.memref_slice %arg4[%add3A_157, %dma_start3A_160] : memref<51200x512xf32, #tpu.memory_space<hbm>> -> memref<80x512xf32, #tpu.memory_space<hbm>>
    tpu.enqueue_dma source(%arg7 : memref<80x512xf32, #tpu.memory_space<vmem>>) target(%dma_start3A_161 : memref<80x512xf32, #tpu.memory_space<hbm>>) target_semaphore(%arg9 : memref<!tpu.dma_semaphore, #tpu.memory_space<semaphore_mem>>)
    %dma_wait3A_162 = arith.constant 0 : i32
    %dma_wait3A_163 = tpu.memref_slice %arg4[%add3A_157, %dma_wait3A_162] : memref<51200x512xf32, #tpu.memory_space<hbm>> -> memref<80x512xf32, #tpu.memory_space<hbm>>
    %dma_wait3A_164 = arith.constant 0 : i32
    %dma_wait3A_165 = tpu.memref_slice %arg4[%add3A_157, %dma_wait3A_164] : memref<51200x512xf32, #tpu.memory_space<hbm>> -> memref<80x512xf32, #tpu.memory_space<hbm>>
    tpu.wait_dma2 semaphore(%arg9 : memref<!tpu.dma_semaphore, #tpu.memory_space<semaphore_mem>>) src(%arg7 : memref<80x512xf32, #tpu.memory_space<vmem>>) dst(%dma_wait3A_165 : memref<80x512xf32, #tpu.memory_space<hbm>>)
    %dma_start3A_166 = arith.constant 720 : i32
    %dma_start3A_167 = tpu.memref_slice %arg5[%dma_start3A_166] : memref<1600xi32, #tpu.memory_space<vmem>> -> memref<80xi32, #tpu.memory_space<vmem>>
    %dma_start3A_168 = arith.constant 0 : i32
    %dma_start3A_169 = arith.constant 0 : i32
    %dma_start3A_170 = tpu.memref_slice %arg3[%dma_start3A_168, %dma_start3A_169] : memref<5120x512xf32, #tpu.memory_space<hbm>> -> memref<5120x512xf32, #tpu.memory_space<hbm>>
    tpu.enqueue_indirect_dma source(%dma_start3A_170 : memref<5120x512xf32, #tpu.memory_space<hbm>>) target(%arg7 : memref<80x512xf32, #tpu.memory_space<vmem>>) offsets(%dma_start3A_167 : memref<80xi32, #tpu.memory_space<vmem>>) semaphore(%arg8 : memref<!tpu.dma_semaphore, #tpu.memory_space<semaphore_mem>>)
    %dma_wait3A_171 = arith.constant 640 : i32
    %dma_wait3A_172 = tpu.memref_slice %arg5[%dma_wait3A_171] : memref<1600xi32, #tpu.memory_space<vmem>> -> memref<80xi32, #tpu.memory_space<vmem>>
    %dma_wait3A_173 = arith.constant 0 : i32
    %dma_wait3A_174 = arith.constant 0 : i32
    %dma_wait3A_175 = tpu.memref_slice %arg3[%dma_wait3A_173, %dma_wait3A_174] : memref<5120x512xf32, #tpu.memory_space<hbm>> -> memref<5120x512xf32, #tpu.memory_space<hbm>>
    tpu.wait_indirect_dma semaphore(%arg8 : memref<!tpu.dma_semaphore, #tpu.memory_space<semaphore_mem>>) src(%dma_wait3A_175 : memref<5120x512xf32, #tpu.memory_space<hbm>>) dst(%arg6 : memref<80x512xf32, #tpu.memory_space<vmem>>)
    %add3A_176 = arith.constant 640 : i32
    %add3A_177 = arith.addi %mul3A_2, %add3A_176 : i32
    %dma_start3A_178 = arith.constant 0 : i32
    %dma_start3A_179 = tpu.memref_slice %arg4[%add3A_177, %dma_start3A_178] : memref<51200x512xf32, #tpu.memory_space<hbm>> -> memref<80x512xf32, #tpu.memory_space<hbm>>
    %dma_start3A_180 = arith.constant 0 : i32
    %dma_start3A_181 = tpu.memref_slice %arg4[%add3A_177, %dma_start3A_180] : memref<51200x512xf32, #tpu.memory_space<hbm>> -> memref<80x512xf32, #tpu.memory_space<hbm>>
    tpu.enqueue_dma source(%arg6 : memref<80x512xf32, #tpu.memory_space<vmem>>) target(%dma_start3A_181 : memref<80x512xf32, #tpu.memory_space<hbm>>) target_semaphore(%arg9 : memref<!tpu.dma_semaphore, #tpu.memory_space<semaphore_mem>>)
    %dma_wait3A_182 = arith.constant 0 : i32
    %dma_wait3A_183 = tpu.memref_slice %arg4[%add3A_177, %dma_wait3A_182] : memref<51200x512xf32, #tpu.memory_space<hbm>> -> memref<80x512xf32, #tpu.memory_space<hbm>>
    %dma_wait3A_184 = arith.constant 0 : i32
    %dma_wait3A_185 = tpu.memref_slice %arg4[%add3A_177, %dma_wait3A_184] : memref<51200x512xf32, #tpu.memory_space<hbm>> -> memref<80x512xf32, #tpu.memory_space<hbm>>
    tpu.wait_dma2 semaphore(%arg9 : memref<!tpu.dma_semaphore, #tpu.memory_space<semaphore_mem>>) src(%arg6 : memref<80x512xf32, #tpu.memory_space<vmem>>) dst(%dma_wait3A_185 : memref<80x512xf32, #tpu.memory_space<hbm>>)
    %dma_start3A_186 = arith.constant 800 : i32
    %dma_start3A_187 = tpu.memref_slice %arg5[%dma_start3A_186] : memref<1600xi32, #tpu.memory_space<vmem>> -> memref<80xi32, #tpu.memory_space<vmem>>
    %dma_start3A_188 = arith.constant 0 : i32
    %dma_start3A_189 = arith.constant 0 : i32
    %dma_start3A_190 = tpu.memref_slice %arg3[%dma_start3A_188, %dma_start3A_189] : memref<5120x512xf32, #tpu.memory_space<hbm>> -> memref<5120x512xf32, #tpu.memory_space<hbm>>
    tpu.enqueue_indirect_dma source(%dma_start3A_190 : memref<5120x512xf32, #tpu.memory_space<hbm>>) target(%arg6 : memref<80x512xf32, #tpu.memory_space<vmem>>) offsets(%dma_start3A_187 : memref<80xi32, #tpu.memory_space<vmem>>) semaphore(%arg8 : memref<!tpu.dma_semaphore, #tpu.memory_space<semaphore_mem>>)
    %dma_wait3A_191 = arith.constant 720 : i32
    %dma_wait3A_192 = tpu.memref_slice %arg5[%dma_wait3A_191] : memref<1600xi32, #tpu.memory_space<vmem>> -> memref<80xi32, #tpu.memory_space<vmem>>
    %dma_wait3A_193 = arith.constant 0 : i32
    %dma_wait3A_194 = arith.constant 0 : i32
    %dma_wait3A_195 = tpu.memref_slice %arg3[%dma_wait3A_193, %dma_wait3A_194] : memref<5120x512xf32, #tpu.memory_space<hbm>> -> memref<5120x512xf32, #tpu.memory_space<hbm>>
    tpu.wait_indirect_dma semaphore(%arg8 : memref<!tpu.dma_semaphore, #tpu.memory_space<semaphore_mem>>) src(%dma_wait3A_195 : memref<5120x512xf32, #tpu.memory_space<hbm>>) dst(%arg7 : memref<80x512xf32, #tpu.memory_space<vmem>>)
    %add3A_196 = arith.constant 720 : i32
    %add3A_197 = arith.addi %mul3A_2, %add3A_196 : i32
    %dma_start3A_198 = arith.constant 0 : i32
    %dma_start3A_199 = tpu.memref_slice %arg4[%add3A_197, %dma_start3A_198] : memref<51200x512xf32, #tpu.memory_space<hbm>> -> memref<80x512xf32, #tpu.memory_space<hbm>>
    %dma_start3A_200 = arith.constant 0 : i32
    %dma_start3A_201 = tpu.memref_slice %arg4[%add3A_197, %dma_start3A_200] : memref<51200x512xf32, #tpu.memory_space<hbm>> -> memref<80x512xf32, #tpu.memory_space<hbm>>
    tpu.enqueue_dma source(%arg7 : memref<80x512xf32, #tpu.memory_space<vmem>>) target(%dma_start3A_201 : memref<80x512xf32, #tpu.memory_space<hbm>>) target_semaphore(%arg9 : memref<!tpu.dma_semaphore, #tpu.memory_space<semaphore_mem>>)
    %dma_wait3A_202 = arith.constant 0 : i32
    %dma_wait3A_203 = tpu.memref_slice %arg4[%add3A_197, %dma_wait3A_202] : memref<51200x512xf32, #tpu.memory_space<hbm>> -> memref<80x512xf32, #tpu.memory_space<hbm>>
    %dma_wait3A_204 = arith.constant 0 : i32
    %dma_wait3A_205 = tpu.memref_slice %arg4[%add3A_197, %dma_wait3A_204] : memref<51200x512xf32, #tpu.memory_space<hbm>> -> memref<80x512xf32, #tpu.memory_space<hbm>>
    tpu.wait_dma2 semaphore(%arg9 : memref<!tpu.dma_semaphore, #tpu.memory_space<semaphore_mem>>) src(%arg7 : memref<80x512xf32, #tpu.memory_space<vmem>>) dst(%dma_wait3A_205 : memref<80x512xf32, #tpu.memory_space<hbm>>)
    %dma_start3A_206 = arith.constant 880 : i32
    %dma_start3A_207 = tpu.memref_slice %arg5[%dma_start3A_206] : memref<1600xi32, #tpu.memory_space<vmem>> -> memref<80xi32, #tpu.memory_space<vmem>>
    %dma_start3A_208 = arith.constant 0 : i32
    %dma_start3A_209 = arith.constant 0 : i32
    %dma_start3A_210 = tpu.memref_slice %arg3[%dma_start3A_208, %dma_start3A_209] : memref<5120x512xf32, #tpu.memory_space<hbm>> -> memref<5120x512xf32, #tpu.memory_space<hbm>>
    tpu.enqueue_indirect_dma source(%dma_start3A_210 : memref<5120x512xf32, #tpu.memory_space<hbm>>) target(%arg7 : memref<80x512xf32, #tpu.memory_space<vmem>>) offsets(%dma_start3A_207 : memref<80xi32, #tpu.memory_space<vmem>>) semaphore(%arg8 : memref<!tpu.dma_semaphore, #tpu.memory_space<semaphore_mem>>)
    %dma_wait3A_211 = arith.constant 800 : i32
    %dma_wait3A_212 = tpu.memref_slice %arg5[%dma_wait3A_211] : memref<1600xi32, #tpu.memory_space<vmem>> -> memref<80xi32, #tpu.memory_space<vmem>>
    %dma_wait3A_213 = arith.constant 0 : i32
    %dma_wait3A_214 = arith.constant 0 : i32
    %dma_wait3A_215 = tpu.memref_slice %arg3[%dma_wait3A_213, %dma_wait3A_214] : memref<5120x512xf32, #tpu.memory_space<hbm>> -> memref<5120x512xf32, #tpu.memory_space<hbm>>
    tpu.wait_indirect_dma semaphore(%arg8 : memref<!tpu.dma_semaphore, #tpu.memory_space<semaphore_mem>>) src(%dma_wait3A_215 : memref<5120x512xf32, #tpu.memory_space<hbm>>) dst(%arg6 : memref<80x512xf32, #tpu.memory_space<vmem>>)
    %add3A_216 = arith.constant 800 : i32
    %add3A_217 = arith.addi %mul3A_2, %add3A_216 : i32
    %dma_start3A_218 = arith.constant 0 : i32
    %dma_start3A_219 = tpu.memref_slice %arg4[%add3A_217, %dma_start3A_218] : memref<51200x512xf32, #tpu.memory_space<hbm>> -> memref<80x512xf32, #tpu.memory_space<hbm>>
    %dma_start3A_220 = arith.constant 0 : i32
    %dma_start3A_221 = tpu.memref_slice %arg4[%add3A_217, %dma_start3A_220] : memref<51200x512xf32, #tpu.memory_space<hbm>> -> memref<80x512xf32, #tpu.memory_space<hbm>>
    tpu.enqueue_dma source(%arg6 : memref<80x512xf32, #tpu.memory_space<vmem>>) target(%dma_start3A_221 : memref<80x512xf32, #tpu.memory_space<hbm>>) target_semaphore(%arg9 : memref<!tpu.dma_semaphore, #tpu.memory_space<semaphore_mem>>)
    %dma_wait3A_222 = arith.constant 0 : i32
    %dma_wait3A_223 = tpu.memref_slice %arg4[%add3A_217, %dma_wait3A_222] : memref<51200x512xf32, #tpu.memory_space<hbm>> -> memref<80x512xf32, #tpu.memory_space<hbm>>
    %dma_wait3A_224 = arith.constant 0 : i32
    %dma_wait3A_225 = tpu.memref_slice %arg4[%add3A_217, %dma_wait3A_224] : memref<51200x512xf32, #tpu.memory_space<hbm>> -> memref<80x512xf32, #tpu.memory_space<hbm>>
    tpu.wait_dma2 semaphore(%arg9 : memref<!tpu.dma_semaphore, #tpu.memory_space<semaphore_mem>>) src(%arg6 : memref<80x512xf32, #tpu.memory_space<vmem>>) dst(%dma_wait3A_225 : memref<80x512xf32, #tpu.memory_space<hbm>>)
    %dma_start3A_226 = arith.constant 960 : i32
    %dma_start3A_227 = tpu.memref_slice %arg5[%dma_start3A_226] : memref<1600xi32, #tpu.memory_space<vmem>> -> memref<80xi32, #tpu.memory_space<vmem>>
    %dma_start3A_228 = arith.constant 0 : i32
    %dma_start3A_229 = arith.constant 0 : i32
    %dma_start3A_230 = tpu.memref_slice %arg3[%dma_start3A_228, %dma_start3A_229] : memref<5120x512xf32, #tpu.memory_space<hbm>> -> memref<5120x512xf32, #tpu.memory_space<hbm>>
    tpu.enqueue_indirect_dma source(%dma_start3A_230 : memref<5120x512xf32, #tpu.memory_space<hbm>>) target(%arg6 : memref<80x512xf32, #tpu.memory_space<vmem>>) offsets(%dma_start3A_227 : memref<80xi32, #tpu.memory_space<vmem>>) semaphore(%arg8 : memref<!tpu.dma_semaphore, #tpu.memory_space<semaphore_mem>>)
    %dma_wait3A_231 = arith.constant 880 : i32
    %dma_wait3A_232 = tpu.memref_slice %arg5[%dma_wait3A_231] : memref<1600xi32, #tpu.memory_space<vmem>> -> memref<80xi32, #tpu.memory_space<vmem>>
    %dma_wait3A_233 = arith.constant 0 : i32
    %dma_wait3A_234 = arith.constant 0 : i32
    %dma_wait3A_235 = tpu.memref_slice %arg3[%dma_wait3A_233, %dma_wait3A_234] : memref<5120x512xf32, #tpu.memory_space<hbm>> -> memref<5120x512xf32, #tpu.memory_space<hbm>>
    tpu.wait_indirect_dma semaphore(%arg8 : memref<!tpu.dma_semaphore, #tpu.memory_space<semaphore_mem>>) src(%dma_wait3A_235 : memref<5120x512xf32, #tpu.memory_space<hbm>>) dst(%arg7 : memref<80x512xf32, #tpu.memory_space<vmem>>)
    %add3A_236 = arith.constant 880 : i32
    %add3A_237 = arith.addi %mul3A_2, %add3A_236 : i32
    %dma_start3A_238 = arith.constant 0 : i32
    %dma_start3A_239 = tpu.memref_slice %arg4[%add3A_237, %dma_start3A_238] : memref<51200x512xf32, #tpu.memory_space<hbm>> -> memref<80x512xf32, #tpu.memory_space<hbm>>
    %dma_start3A_240 = arith.constant 0 : i32
    %dma_start3A_241 = tpu.memref_slice %arg4[%add3A_237, %dma_start3A_240] : memref<51200x512xf32, #tpu.memory_space<hbm>> -> memref<80x512xf32, #tpu.memory_space<hbm>>
    tpu.enqueue_dma source(%arg7 : memref<80x512xf32, #tpu.memory_space<vmem>>) target(%dma_start3A_241 : memref<80x512xf32, #tpu.memory_space<hbm>>) target_semaphore(%arg9 : memref<!tpu.dma_semaphore, #tpu.memory_space<semaphore_mem>>)
    %dma_wait3A_242 = arith.constant 0 : i32
    %dma_wait3A_243 = tpu.memref_slice %arg4[%add3A_237, %dma_wait3A_242] : memref<51200x512xf32, #tpu.memory_space<hbm>> -> memref<80x512xf32, #tpu.memory_space<hbm>>
    %dma_wait3A_244 = arith.constant 0 : i32
    %dma_wait3A_245 = tpu.memref_slice %arg4[%add3A_237, %dma_wait3A_244] : memref<51200x512xf32, #tpu.memory_space<hbm>> -> memref<80x512xf32, #tpu.memory_space<hbm>>
    tpu.wait_dma2 semaphore(%arg9 : memref<!tpu.dma_semaphore, #tpu.memory_space<semaphore_mem>>) src(%arg7 : memref<80x512xf32, #tpu.memory_space<vmem>>) dst(%dma_wait3A_245 : memref<80x512xf32, #tpu.memory_space<hbm>>)
    %dma_start3A_246 = arith.constant 1040 : i32
    %dma_start3A_247 = tpu.memref_slice %arg5[%dma_start3A_246] : memref<1600xi32, #tpu.memory_space<vmem>> -> memref<80xi32, #tpu.memory_space<vmem>>
    %dma_start3A_248 = arith.constant 0 : i32
    %dma_start3A_249 = arith.constant 0 : i32
    %dma_start3A_250 = tpu.memref_slice %arg3[%dma_start3A_248, %dma_start3A_249] : memref<5120x512xf32, #tpu.memory_space<hbm>> -> memref<5120x512xf32, #tpu.memory_space<hbm>>
    tpu.enqueue_indirect_dma source(%dma_start3A_250 : memref<5120x512xf32, #tpu.memory_space<hbm>>) target(%arg7 : memref<80x512xf32, #tpu.memory_space<vmem>>) offsets(%dma_start3A_247 : memref<80xi32, #tpu.memory_space<vmem>>) semaphore(%arg8 : memref<!tpu.dma_semaphore, #tpu.memory_space<semaphore_mem>>)
    %dma_wait3A_251 = arith.constant 960 : i32
    %dma_wait3A_252 = tpu.memref_slice %arg5[%dma_wait3A_251] : memref<1600xi32, #tpu.memory_space<vmem>> -> memref<80xi32, #tpu.memory_space<vmem>>
    %dma_wait3A_253 = arith.constant 0 : i32
    %dma_wait3A_254 = arith.constant 0 : i32
    %dma_wait3A_255 = tpu.memref_slice %arg3[%dma_wait3A_253, %dma_wait3A_254] : memref<5120x512xf32, #tpu.memory_space<hbm>> -> memref<5120x512xf32, #tpu.memory_space<hbm>>
    tpu.wait_indirect_dma semaphore(%arg8 : memref<!tpu.dma_semaphore, #tpu.memory_space<semaphore_mem>>) src(%dma_wait3A_255 : memref<5120x512xf32, #tpu.memory_space<hbm>>) dst(%arg6 : memref<80x512xf32, #tpu.memory_space<vmem>>)
    %add3A_256 = arith.constant 960 : i32
    %add3A_257 = arith.addi %mul3A_2, %add3A_256 : i32
    %dma_start3A_258 = arith.constant 0 : i32
    %dma_start3A_259 = tpu.memref_slice %arg4[%add3A_257, %dma_start3A_258] : memref<51200x512xf32, #tpu.memory_space<hbm>> -> memref<80x512xf32, #tpu.memory_space<hbm>>
    %dma_start3A_260 = arith.constant 0 : i32
    %dma_start3A_261 = tpu.memref_slice %arg4[%add3A_257, %dma_start3A_260] : memref<51200x512xf32, #tpu.memory_space<hbm>> -> memref<80x512xf32, #tpu.memory_space<hbm>>
    tpu.enqueue_dma source(%arg6 : memref<80x512xf32, #tpu.memory_space<vmem>>) target(%dma_start3A_261 : memref<80x512xf32, #tpu.memory_space<hbm>>) target_semaphore(%arg9 : memref<!tpu.dma_semaphore, #tpu.memory_space<semaphore_mem>>)
    %dma_wait3A_262 = arith.constant 0 : i32
    %dma_wait3A_263 = tpu.memref_slice %arg4[%add3A_257, %dma_wait3A_262] : memref<51200x512xf32, #tpu.memory_space<hbm>> -> memref<80x512xf32, #tpu.memory_space<hbm>>
    %dma_wait3A_264 = arith.constant 0 : i32
    %dma_wait3A_265 = tpu.memref_slice %arg4[%add3A_257, %dma_wait3A_264] : memref<51200x512xf32, #tpu.memory_space<hbm>> -> memref<80x512xf32, #tpu.memory_space<hbm>>
    tpu.wait_dma2 semaphore(%arg9 : memref<!tpu.dma_semaphore, #tpu.memory_space<semaphore_mem>>) src(%arg6 : memref<80x512xf32, #tpu.memory_space<vmem>>) dst(%dma_wait3A_265 : memref<80x512xf32, #tpu.memory_space<hbm>>)
    %dma_start3A_266 = arith.constant 1120 : i32
    %dma_start3A_267 = tpu.memref_slice %arg5[%dma_start3A_266] : memref<1600xi32, #tpu.memory_space<vmem>> -> memref<80xi32, #tpu.memory_space<vmem>>
    %dma_start3A_268 = arith.constant 0 : i32
    %dma_start3A_269 = arith.constant 0 : i32
    %dma_start3A_270 = tpu.memref_slice %arg3[%dma_start3A_268, %dma_start3A_269] : memref<5120x512xf32, #tpu.memory_space<hbm>> -> memref<5120x512xf32, #tpu.memory_space<hbm>>
    tpu.enqueue_indirect_dma source(%dma_start3A_270 : memref<5120x512xf32, #tpu.memory_space<hbm>>) target(%arg6 : memref<80x512xf32, #tpu.memory_space<vmem>>) offsets(%dma_start3A_267 : memref<80xi32, #tpu.memory_space<vmem>>) semaphore(%arg8 : memref<!tpu.dma_semaphore, #tpu.memory_space<semaphore_mem>>)
    %dma_wait3A_271 = arith.constant 1040 : i32
    %dma_wait3A_272 = tpu.memref_slice %arg5[%dma_wait3A_271] : memref<1600xi32, #tpu.memory_space<vmem>> -> memref<80xi32, #tpu.memory_space<vmem>>
    %dma_wait3A_273 = arith.constant 0 : i32
    %dma_wait3A_274 = arith.constant 0 : i32
    %dma_wait3A_275 = tpu.memref_slice %arg3[%dma_wait3A_273, %dma_wait3A_274] : memref<5120x512xf32, #tpu.memory_space<hbm>> -> memref<5120x512xf32, #tpu.memory_space<hbm>>
    tpu.wait_indirect_dma semaphore(%arg8 : memref<!tpu.dma_semaphore, #tpu.memory_space<semaphore_mem>>) src(%dma_wait3A_275 : memref<5120x512xf32, #tpu.memory_space<hbm>>) dst(%arg7 : memref<80x512xf32, #tpu.memory_space<vmem>>)
    %add3A_276 = arith.constant 1040 : i32
    %add3A_277 = arith.addi %mul3A_2, %add3A_276 : i32
    %dma_start3A_278 = arith.constant 0 : i32
    %dma_start3A_279 = tpu.memref_slice %arg4[%add3A_277, %dma_start3A_278] : memref<51200x512xf32, #tpu.memory_space<hbm>> -> memref<80x512xf32, #tpu.memory_space<hbm>>
    %dma_start3A_280 = arith.constant 0 : i32
    %dma_start3A_281 = tpu.memref_slice %arg4[%add3A_277, %dma_start3A_280] : memref<51200x512xf32, #tpu.memory_space<hbm>> -> memref<80x512xf32, #tpu.memory_space<hbm>>
    tpu.enqueue_dma source(%arg7 : memref<80x512xf32, #tpu.memory_space<vmem>>) target(%dma_start3A_281 : memref<80x512xf32, #tpu.memory_space<hbm>>) target_semaphore(%arg9 : memref<!tpu.dma_semaphore, #tpu.memory_space<semaphore_mem>>)
    %dma_wait3A_282 = arith.constant 0 : i32
    %dma_wait3A_283 = tpu.memref_slice %arg4[%add3A_277, %dma_wait3A_282] : memref<51200x512xf32, #tpu.memory_space<hbm>> -> memref<80x512xf32, #tpu.memory_space<hbm>>
    %dma_wait3A_284 = arith.constant 0 : i32
    %dma_wait3A_285 = tpu.memref_slice %arg4[%add3A_277, %dma_wait3A_284] : memref<51200x512xf32, #tpu.memory_space<hbm>> -> memref<80x512xf32, #tpu.memory_space<hbm>>
    tpu.wait_dma2 semaphore(%arg9 : memref<!tpu.dma_semaphore, #tpu.memory_space<semaphore_mem>>) src(%arg7 : memref<80x512xf32, #tpu.memory_space<vmem>>) dst(%dma_wait3A_285 : memref<80x512xf32, #tpu.memory_space<hbm>>)
    %dma_start3A_286 = arith.constant 1200 : i32
    %dma_start3A_287 = tpu.memref_slice %arg5[%dma_start3A_286] : memref<1600xi32, #tpu.memory_space<vmem>> -> memref<80xi32, #tpu.memory_space<vmem>>
    %dma_start3A_288 = arith.constant 0 : i32
    %dma_start3A_289 = arith.constant 0 : i32
    %dma_start3A_290 = tpu.memref_slice %arg3[%dma_start3A_288, %dma_start3A_289] : memref<5120x512xf32, #tpu.memory_space<hbm>> -> memref<5120x512xf32, #tpu.memory_space<hbm>>
    tpu.enqueue_indirect_dma source(%dma_start3A_290 : memref<5120x512xf32, #tpu.memory_space<hbm>>) target(%arg7 : memref<80x512xf32, #tpu.memory_space<vmem>>) offsets(%dma_start3A_287 : memref<80xi32, #tpu.memory_space<vmem>>) semaphore(%arg8 : memref<!tpu.dma_semaphore, #tpu.memory_space<semaphore_mem>>)
    %dma_wait3A_291 = arith.constant 1120 : i32
    %dma_wait3A_292 = tpu.memref_slice %arg5[%dma_wait3A_291] : memref<1600xi32, #tpu.memory_space<vmem>> -> memref<80xi32, #tpu.memory_space<vmem>>
    %dma_wait3A_293 = arith.constant 0 : i32
    %dma_wait3A_294 = arith.constant 0 : i32
    %dma_wait3A_295 = tpu.memref_slice %arg3[%dma_wait3A_293, %dma_wait3A_294] : memref<5120x512xf32, #tpu.memory_space<hbm>> -> memref<5120x512xf32, #tpu.memory_space<hbm>>
    tpu.wait_indirect_dma semaphore(%arg8 : memref<!tpu.dma_semaphore, #tpu.memory_space<semaphore_mem>>) src(%dma_wait3A_295 : memref<5120x512xf32, #tpu.memory_space<hbm>>) dst(%arg6 : memref<80x512xf32, #tpu.memory_space<vmem>>)
    %add3A_296 = arith.constant 1120 : i32
    %add3A_297 = arith.addi %mul3A_2, %add3A_296 : i32
    %dma_start3A_298 = arith.constant 0 : i32
    %dma_start3A_299 = tpu.memref_slice %arg4[%add3A_297, %dma_start3A_298] : memref<51200x512xf32, #tpu.memory_space<hbm>> -> memref<80x512xf32, #tpu.memory_space<hbm>>
    %dma_start3A_300 = arith.constant 0 : i32
    %dma_start3A_301 = tpu.memref_slice %arg4[%add3A_297, %dma_start3A_300] : memref<51200x512xf32, #tpu.memory_space<hbm>> -> memref<80x512xf32, #tpu.memory_space<hbm>>
    tpu.enqueue_dma source(%arg6 : memref<80x512xf32, #tpu.memory_space<vmem>>) target(%dma_start3A_301 : memref<80x512xf32, #tpu.memory_space<hbm>>) target_semaphore(%arg9 : memref<!tpu.dma_semaphore, #tpu.memory_space<semaphore_mem>>)
    %dma_wait3A_302 = arith.constant 0 : i32
    %dma_wait3A_303 = tpu.memref_slice %arg4[%add3A_297, %dma_wait3A_302] : memref<51200x512xf32, #tpu.memory_space<hbm>> -> memref<80x512xf32, #tpu.memory_space<hbm>>
    %dma_wait3A_304 = arith.constant 0 : i32
    %dma_wait3A_305 = tpu.memref_slice %arg4[%add3A_297, %dma_wait3A_304] : memref<51200x512xf32, #tpu.memory_space<hbm>> -> memref<80x512xf32, #tpu.memory_space<hbm>>
    tpu.wait_dma2 semaphore(%arg9 : memref<!tpu.dma_semaphore, #tpu.memory_space<semaphore_mem>>) src(%arg6 : memref<80x512xf32, #tpu.memory_space<vmem>>) dst(%dma_wait3A_305 : memref<80x512xf32, #tpu.memory_space<hbm>>)
    %dma_start3A_306 = arith.constant 1280 : i32
    %dma_start3A_307 = tpu.memref_slice %arg5[%dma_start3A_306] : memref<1600xi32, #tpu.memory_space<vmem>> -> memref<80xi32, #tpu.memory_space<vmem>>
    %dma_start3A_308 = arith.constant 0 : i32
    %dma_start3A_309 = arith.constant 0 : i32
    %dma_start3A_310 = tpu.memref_slice %arg3[%dma_start3A_308, %dma_start3A_309] : memref<5120x512xf32, #tpu.memory_space<hbm>> -> memref<5120x512xf32, #tpu.memory_space<hbm>>
    tpu.enqueue_indirect_dma source(%dma_start3A_310 : memref<5120x512xf32, #tpu.memory_space<hbm>>) target(%arg6 : memref<80x512xf32, #tpu.memory_space<vmem>>) offsets(%dma_start3A_307 : memref<80xi32, #tpu.memory_space<vmem>>) semaphore(%arg8 : memref<!tpu.dma_semaphore, #tpu.memory_space<semaphore_mem>>)
    %dma_wait3A_311 = arith.constant 1200 : i32
    %dma_wait3A_312 = tpu.memref_slice %arg5[%dma_wait3A_311] : memref<1600xi32, #tpu.memory_space<vmem>> -> memref<80xi32, #tpu.memory_space<vmem>>
    %dma_wait3A_313 = arith.constant 0 : i32
    %dma_wait3A_314 = arith.constant 0 : i32
    %dma_wait3A_315 = tpu.memref_slice %arg3[%dma_wait3A_313, %dma_wait3A_314] : memref<5120x512xf32, #tpu.memory_space<hbm>> -> memref<5120x512xf32, #tpu.memory_space<hbm>>
    tpu.wait_indirect_dma semaphore(%arg8 : memref<!tpu.dma_semaphore, #tpu.memory_space<semaphore_mem>>) src(%dma_wait3A_315 : memref<5120x512xf32, #tpu.memory_space<hbm>>) dst(%arg7 : memref<80x512xf32, #tpu.memory_space<vmem>>)
    %add3A_316 = arith.constant 1200 : i32
    %add3A_317 = arith.addi %mul3A_2, %add3A_316 : i32
    %dma_start3A_318 = arith.constant 0 : i32
    %dma_start3A_319 = tpu.memref_slice %arg4[%add3A_317, %dma_start3A_318] : memref<51200x512xf32, #tpu.memory_space<hbm>> -> memref<80x512xf32, #tpu.memory_space<hbm>>
    %dma_start3A_320 = arith.constant 0 : i32
    %dma_start3A_321 = tpu.memref_slice %arg4[%add3A_317, %dma_start3A_320] : memref<51200x512xf32, #tpu.memory_space<hbm>> -> memref<80x512xf32, #tpu.memory_space<hbm>>
    tpu.enqueue_dma source(%arg7 : memref<80x512xf32, #tpu.memory_space<vmem>>) target(%dma_start3A_321 : memref<80x512xf32, #tpu.memory_space<hbm>>) target_semaphore(%arg9 : memref<!tpu.dma_semaphore, #tpu.memory_space<semaphore_mem>>)
    %dma_wait3A_322 = arith.constant 0 : i32
    %dma_wait3A_323 = tpu.memref_slice %arg4[%add3A_317, %dma_wait3A_322] : memref<51200x512xf32, #tpu.memory_space<hbm>> -> memref<80x512xf32, #tpu.memory_space<hbm>>
    %dma_wait3A_324 = arith.constant 0 : i32
    %dma_wait3A_325 = tpu.memref_slice %arg4[%add3A_317, %dma_wait3A_324] : memref<51200x512xf32, #tpu.memory_space<hbm>> -> memref<80x512xf32, #tpu.memory_space<hbm>>
    tpu.wait_dma2 semaphore(%arg9 : memref<!tpu.dma_semaphore, #tpu.memory_space<semaphore_mem>>) src(%arg7 : memref<80x512xf32, #tpu.memory_space<vmem>>) dst(%dma_wait3A_325 : memref<80x512xf32, #tpu.memory_space<hbm>>)
    %dma_start3A_326 = arith.constant 1360 : i32
    %dma_start3A_327 = tpu.memref_slice %arg5[%dma_start3A_326] : memref<1600xi32, #tpu.memory_space<vmem>> -> memref<80xi32, #tpu.memory_space<vmem>>
    %dma_start3A_328 = arith.constant 0 : i32
    %dma_start3A_329 = arith.constant 0 : i32
    %dma_start3A_330 = tpu.memref_slice %arg3[%dma_start3A_328, %dma_start3A_329] : memref<5120x512xf32, #tpu.memory_space<hbm>> -> memref<5120x512xf32, #tpu.memory_space<hbm>>
    tpu.enqueue_indirect_dma source(%dma_start3A_330 : memref<5120x512xf32, #tpu.memory_space<hbm>>) target(%arg7 : memref<80x512xf32, #tpu.memory_space<vmem>>) offsets(%dma_start3A_327 : memref<80xi32, #tpu.memory_space<vmem>>) semaphore(%arg8 : memref<!tpu.dma_semaphore, #tpu.memory_space<semaphore_mem>>)
    %dma_wait3A_331 = arith.constant 1280 : i32
    %dma_wait3A_332 = tpu.memref_slice %arg5[%dma_wait3A_331] : memref<1600xi32, #tpu.memory_space<vmem>> -> memref<80xi32, #tpu.memory_space<vmem>>
    %dma_wait3A_333 = arith.constant 0 : i32
    %dma_wait3A_334 = arith.constant 0 : i32
    %dma_wait3A_335 = tpu.memref_slice %arg3[%dma_wait3A_333, %dma_wait3A_334] : memref<5120x512xf32, #tpu.memory_space<hbm>> -> memref<5120x512xf32, #tpu.memory_space<hbm>>
    tpu.wait_indirect_dma semaphore(%arg8 : memref<!tpu.dma_semaphore, #tpu.memory_space<semaphore_mem>>) src(%dma_wait3A_335 : memref<5120x512xf32, #tpu.memory_space<hbm>>) dst(%arg6 : memref<80x512xf32, #tpu.memory_space<vmem>>)
    %add3A_336 = arith.constant 1280 : i32
    %add3A_337 = arith.addi %mul3A_2, %add3A_336 : i32
    %dma_start3A_338 = arith.constant 0 : i32
    %dma_start3A_339 = tpu.memref_slice %arg4[%add3A_337, %dma_start3A_338] : memref<51200x512xf32, #tpu.memory_space<hbm>> -> memref<80x512xf32, #tpu.memory_space<hbm>>
    %dma_start3A_340 = arith.constant 0 : i32
    %dma_start3A_341 = tpu.memref_slice %arg4[%add3A_337, %dma_start3A_340] : memref<51200x512xf32, #tpu.memory_space<hbm>> -> memref<80x512xf32, #tpu.memory_space<hbm>>
    tpu.enqueue_dma source(%arg6 : memref<80x512xf32, #tpu.memory_space<vmem>>) target(%dma_start3A_341 : memref<80x512xf32, #tpu.memory_space<hbm>>) target_semaphore(%arg9 : memref<!tpu.dma_semaphore, #tpu.memory_space<semaphore_mem>>)
    %dma_wait3A_342 = arith.constant 0 : i32
    %dma_wait3A_343 = tpu.memref_slice %arg4[%add3A_337, %dma_wait3A_342] : memref<51200x512xf32, #tpu.memory_space<hbm>> -> memref<80x512xf32, #tpu.memory_space<hbm>>
    %dma_wait3A_344 = arith.constant 0 : i32
    %dma_wait3A_345 = tpu.memref_slice %arg4[%add3A_337, %dma_wait3A_344] : memref<51200x512xf32, #tpu.memory_space<hbm>> -> memref<80x512xf32, #tpu.memory_space<hbm>>
    tpu.wait_dma2 semaphore(%arg9 : memref<!tpu.dma_semaphore, #tpu.memory_space<semaphore_mem>>) src(%arg6 : memref<80x512xf32, #tpu.memory_space<vmem>>) dst(%dma_wait3A_345 : memref<80x512xf32, #tpu.memory_space<hbm>>)
    %dma_start3A_346 = arith.constant 1440 : i32
    %dma_start3A_347 = tpu.memref_slice %arg5[%dma_start3A_346] : memref<1600xi32, #tpu.memory_space<vmem>> -> memref<80xi32, #tpu.memory_space<vmem>>
    %dma_start3A_348 = arith.constant 0 : i32
    %dma_start3A_349 = arith.constant 0 : i32
    %dma_start3A_350 = tpu.memref_slice %arg3[%dma_start3A_348, %dma_start3A_349] : memref<5120x512xf32, #tpu.memory_space<hbm>> -> memref<5120x512xf32, #tpu.memory_space<hbm>>
    tpu.enqueue_indirect_dma source(%dma_start3A_350 : memref<5120x512xf32, #tpu.memory_space<hbm>>) target(%arg6 : memref<80x512xf32, #tpu.memory_space<vmem>>) offsets(%dma_start3A_347 : memref<80xi32, #tpu.memory_space<vmem>>) semaphore(%arg8 : memref<!tpu.dma_semaphore, #tpu.memory_space<semaphore_mem>>)
    %dma_wait3A_351 = arith.constant 1360 : i32
    %dma_wait3A_352 = tpu.memref_slice %arg5[%dma_wait3A_351] : memref<1600xi32, #tpu.memory_space<vmem>> -> memref<80xi32, #tpu.memory_space<vmem>>
    %dma_wait3A_353 = arith.constant 0 : i32
    %dma_wait3A_354 = arith.constant 0 : i32
    %dma_wait3A_355 = tpu.memref_slice %arg3[%dma_wait3A_353, %dma_wait3A_354] : memref<5120x512xf32, #tpu.memory_space<hbm>> -> memref<5120x512xf32, #tpu.memory_space<hbm>>
    tpu.wait_indirect_dma semaphore(%arg8 : memref<!tpu.dma_semaphore, #tpu.memory_space<semaphore_mem>>) src(%dma_wait3A_355 : memref<5120x512xf32, #tpu.memory_space<hbm>>) dst(%arg7 : memref<80x512xf32, #tpu.memory_space<vmem>>)
    %add3A_356 = arith.constant 1360 : i32
    %add3A_357 = arith.addi %mul3A_2, %add3A_356 : i32
    %dma_start3A_358 = arith.constant 0 : i32
    %dma_start3A_359 = tpu.memref_slice %arg4[%add3A_357, %dma_start3A_358] : memref<51200x512xf32, #tpu.memory_space<hbm>> -> memref<80x512xf32, #tpu.memory_space<hbm>>
    %dma_start3A_360 = arith.constant 0 : i32
    %dma_start3A_361 = tpu.memref_slice %arg4[%add3A_357, %dma_start3A_360] : memref<51200x512xf32, #tpu.memory_space<hbm>> -> memref<80x512xf32, #tpu.memory_space<hbm>>
    tpu.enqueue_dma source(%arg7 : memref<80x512xf32, #tpu.memory_space<vmem>>) target(%dma_start3A_361 : memref<80x512xf32, #tpu.memory_space<hbm>>) target_semaphore(%arg9 : memref<!tpu.dma_semaphore, #tpu.memory_space<semaphore_mem>>)
    %dma_wait3A_362 = arith.constant 0 : i32
    %dma_wait3A_363 = tpu.memref_slice %arg4[%add3A_357, %dma_wait3A_362] : memref<51200x512xf32, #tpu.memory_space<hbm>> -> memref<80x512xf32, #tpu.memory_space<hbm>>
    %dma_wait3A_364 = arith.constant 0 : i32
    %dma_wait3A_365 = tpu.memref_slice %arg4[%add3A_357, %dma_wait3A_364] : memref<51200x512xf32, #tpu.memory_space<hbm>> -> memref<80x512xf32, #tpu.memory_space<hbm>>
    tpu.wait_dma2 semaphore(%arg9 : memref<!tpu.dma_semaphore, #tpu.memory_space<semaphore_mem>>) src(%arg7 : memref<80x512xf32, #tpu.memory_space<vmem>>) dst(%dma_wait3A_365 : memref<80x512xf32, #tpu.memory_space<hbm>>)
    %dma_start3A_366 = arith.constant 1520 : i32
    %dma_start3A_367 = tpu.memref_slice %arg5[%dma_start3A_366] : memref<1600xi32, #tpu.memory_space<vmem>> -> memref<80xi32, #tpu.memory_space<vmem>>
    %dma_start3A_368 = arith.constant 0 : i32
    %dma_start3A_369 = arith.constant 0 : i32
    %dma_start3A_370 = tpu.memref_slice %arg3[%dma_start3A_368, %dma_start3A_369] : memref<5120x512xf32, #tpu.memory_space<hbm>> -> memref<5120x512xf32, #tpu.memory_space<hbm>>
    tpu.enqueue_indirect_dma source(%dma_start3A_370 : memref<5120x512xf32, #tpu.memory_space<hbm>>) target(%arg7 : memref<80x512xf32, #tpu.memory_space<vmem>>) offsets(%dma_start3A_367 : memref<80xi32, #tpu.memory_space<vmem>>) semaphore(%arg8 : memref<!tpu.dma_semaphore, #tpu.memory_space<semaphore_mem>>)
    %dma_wait3A_371 = arith.constant 1440 : i32
    %dma_wait3A_372 = tpu.memref_slice %arg5[%dma_wait3A_371] : memref<1600xi32, #tpu.memory_space<vmem>> -> memref<80xi32, #tpu.memory_space<vmem>>
    %dma_wait3A_373 = arith.constant 0 : i32
    %dma_wait3A_374 = arith.constant 0 : i32
    %dma_wait3A_375 = tpu.memref_slice %arg3[%dma_wait3A_373, %dma_wait3A_374] : memref<5120x512xf32, #tpu.memory_space<hbm>> -> memref<5120x512xf32, #tpu.memory_space<hbm>>
    tpu.wait_indirect_dma semaphore(%arg8 : memref<!tpu.dma_semaphore, #tpu.memory_space<semaphore_mem>>) src(%dma_wait3A_375 : memref<5120x512xf32, #tpu.memory_space<hbm>>) dst(%arg6 : memref<80x512xf32, #tpu.memory_space<vmem>>)
    %add3A_376 = arith.constant 1440 : i32
    %add3A_377 = arith.addi %mul3A_2, %add3A_376 : i32
    %dma_start3A_378 = arith.constant 0 : i32
    %dma_start3A_379 = tpu.memref_slice %arg4[%add3A_377, %dma_start3A_378] : memref<51200x512xf32, #tpu.memory_space<hbm>> -> memref<80x512xf32, #tpu.memory_space<hbm>>
    %dma_start3A_380 = arith.constant 0 : i32
    %dma_start3A_381 = tpu.memref_slice %arg4[%add3A_377, %dma_start3A_380] : memref<51200x512xf32, #tpu.memory_space<hbm>> -> memref<80x512xf32, #tpu.memory_space<hbm>>
    tpu.enqueue_dma source(%arg6 : memref<80x512xf32, #tpu.memory_space<vmem>>) target(%dma_start3A_381 : memref<80x512xf32, #tpu.memory_space<hbm>>) target_semaphore(%arg9 : memref<!tpu.dma_semaphore, #tpu.memory_space<semaphore_mem>>)
    %dma_wait3A_382 = arith.constant 1520 : i32
    %dma_wait3A_383 = tpu.memref_slice %arg5[%dma_wait3A_382] : memref<1600xi32, #tpu.memory_space<vmem>> -> memref<80xi32, #tpu.memory_space<vmem>>
    %dma_wait3A_384 = arith.constant 0 : i32
    %dma_wait3A_385 = arith.constant 0 : i32
    %dma_wait3A_386 = tpu.memref_slice %arg3[%dma_wait3A_384, %dma_wait3A_385] : memref<5120x512xf32, #tpu.memory_space<hbm>> -> memref<5120x512xf32, #tpu.memory_space<hbm>>
    tpu.wait_indirect_dma semaphore(%arg8 : memref<!tpu.dma_semaphore, #tpu.memory_space<semaphore_mem>>) src(%dma_wait3A_386 : memref<5120x512xf32, #tpu.memory_space<hbm>>) dst(%arg7 : memref<80x512xf32, #tpu.memory_space<vmem>>)
    %add3A_387 = arith.constant 1520 : i32
    %add3A_388 = arith.addi %mul3A_2, %add3A_387 : i32
    %dma_start3A_389 = arith.constant 0 : i32
    %dma_start3A_390 = tpu.memref_slice %arg4[%add3A_388, %dma_start3A_389] : memref<51200x512xf32, #tpu.memory_space<hbm>> -> memref<80x512xf32, #tpu.memory_space<hbm>>
    %dma_start3A_391 = arith.constant 0 : i32
    %dma_start3A_392 = tpu.memref_slice %arg4[%add3A_388, %dma_start3A_391] : memref<51200x512xf32, #tpu.memory_space<hbm>> -> memref<80x512xf32, #tpu.memory_space<hbm>>
    tpu.enqueue_dma source(%arg7 : memref<80x512xf32, #tpu.memory_space<vmem>>) target(%dma_start3A_392 : memref<80x512xf32, #tpu.memory_space<hbm>>) target_semaphore(%arg9 : memref<!tpu.dma_semaphore, #tpu.memory_space<semaphore_mem>>)
    %dma_wait3A_393 = arith.constant 0 : i32
    %dma_wait3A_394 = tpu.memref_slice %arg4[%add3A_377, %dma_wait3A_393] : memref<51200x512xf32, #tpu.memory_space<hbm>> -> memref<80x512xf32, #tpu.memory_space<hbm>>
    %dma_wait3A_395 = arith.constant 0 : i32
    %dma_wait3A_396 = tpu.memref_slice %arg4[%add3A_377, %dma_wait3A_395] : memref<51200x512xf32, #tpu.memory_space<hbm>> -> memref<80x512xf32, #tpu.memory_space<hbm>>
    tpu.wait_dma2 semaphore(%arg9 : memref<!tpu.dma_semaphore, #tpu.memory_space<semaphore_mem>>) src(%arg6 : memref<80x512xf32, #tpu.memory_space<vmem>>) dst(%dma_wait3A_396 : memref<80x512xf32, #tpu.memory_space<hbm>>)
    %dma_wait3A_397 = arith.constant 0 : i32
    %dma_wait3A_398 = tpu.memref_slice %arg4[%add3A_388, %dma_wait3A_397] : memref<51200x512xf32, #tpu.memory_space<hbm>> -> memref<80x512xf32, #tpu.memory_space<hbm>>
    %dma_wait3A_399 = arith.constant 0 : i32
    %dma_wait3A_400 = tpu.memref_slice %arg4[%add3A_388, %dma_wait3A_399] : memref<51200x512xf32, #tpu.memory_space<hbm>> -> memref<80x512xf32, #tpu.memory_space<hbm>>
    tpu.wait_dma2 semaphore(%arg9 : memref<!tpu.dma_semaphore, #tpu.memory_space<semaphore_mem>>) src(%arg7 : memref<80x512xf32, #tpu.memory_space<vmem>>) dst(%dma_wait3A_400 : memref<80x512xf32, #tpu.memory_space<hbm>>)
    return
  }
}

</mosaic_0001>

<sc_bundles>
// kernel: _embed.3.cloned.1.call-start
scs
__scs_entry_jumppad:
0x0: {  	(pc) =	sbr.rel $0x88, $3  }
0x1: {  	(tag) =	ssettag $0x0;
	lr =	simm.s32 $0x1  }
0x2: {  	[smem:$0x3F9F] =	sst lr;
	_ =	strace $0xD0000000  }
0x3: {  	_ = 	snop  }
0x4: {  	_ = 	snop  }
0x5: {  	_ = 	snop  }
0x6: {  	_ = 	snop  }
0x7: {  	_ = 	snop  }
__scs_overlays_trampoline_lowered:
0x8: {  	[smem:$0x3FAE] =	sst s0  }
0x9: {  	[smem:$0x3FAF] =	sst s1  }
0xa: {  	[smem:$0x3FB0] =	sst s2  }
0xb: {  	[smem:$0x3FB1] =	sst s3  }
0xc: {  	[smem:$0x3FB2] =	sst s4  }
0xd: {  	[smem:$0x3FB3] =	sst s5  }
0xe: {  	[smem:$0x3FB4] =	sst s6  }
0xf: {  	[smem:$0x3FB5] =	sst s7  }
0x10: {  	[smem:$0x3FB6] =	sst s8  }
0x11: {  	[smem:$0x3FB7] =	sst s9;
	s0 =	simm.s32 @!p0 $0x0  }
0x12: {  	s1 =	sld [smem:$0x3F9D];
	s0 =	simm.s32 @p0 $0x1  }
0x13: {  	[smem:$0x3FB8] =	sst s0;
	s0 =	simm.s32 @!p1 $0x0  }
0x14: {  	s2 =	sld [smem:$0x3F9C];
	s0 =	simm.s32 @p1 $0x1  }
0x15: {  	[smem:$0x3FB9] =	sst s0;
	s0 =	simm.s32 @!p2 $0x0  }
0x16: {  	s3 =	sld [smem:$0x3FDB];
	s0 =	simm.s32 @p2 $0x1  }
0x17: {  	s4 =	simm.s32 $0x1BF5;
	[smem:$0x3FBB] =	sst s0  }
0x18: {  	s0 =	sld [smem:$0x3F9E];
	_ =	swait.ge [sflag:s4], $0x0  }
0x19: {  	s7 =	sld [smem:$0x3F9F]  }
0x1a: {  	s8 =	sadd.s32 $0xFFFFE003, lr  }
0x1b: {  	s9 =	sadd.s32 $0xFFFFFEF7, lr;
	s5 =	simm.s32 $0xFFFFFFFF;
	p2 =	slt.u32 s8, $0xFFFFF086  }
0x1c: {  	p1 =	slt.u32 s9, $0xF7A;
	s5 =	simm.s32 @!p2 $0x0  }
0x1d: {  	s5 =	simm.s32 @p1 $0x1;
	p0 =	seq.s32 s7, s2  }
0x1e: {  	s7 =	smul.u32 @!p0 $0xF7A, s2;
	p2 =	seq.s32 @!p0 s5, $0x0  }
0x1f: {  	s9 =	smul.u32 $0xF7A, s1;
	s8 =	simm.s32 @!p0 $0x1BF5;
	p2 =	por !p2, p0  }
0x20: {  	[sflag:s8] =	ssyncset.s32 @!p0 $0xFFFFF086;
	s6 =	sadd.s32 @!p0 s3, s7;
	s7 =	simm.s32 @!p0 $0x108  }
0x21: {  	s3 =	sadd.s32 s3, s9;
	s6 =	sadd.s32 @!p0 $0x88, s6;
	s7 =	simm.s32 @p2 $0x1082  }
0x22: {  	[simem:s7], [sflag:s8] =	dma.local @!p0 [hbm:s6], $0xF7A  }
0x23: {  	s9 =	sor.u32 $0xD0000000, s2;
	s6 =	simm.s32 $0x108;
	_ =	swait.ge @!p0 [sflag:s8], $0x0  }
0x24: {  	s3 =	sadd.s32 $0x88, s3;
	s6 =	simm.s32 @!p1 $0x1082;
	[sflag:s4] =	ssyncset.s32 $0xFFFFF086  }
0x25: {  	[simem:s6], [sflag:s4] =	dma.local [hbm:s3], $0xF7A  }
0x26: {  	[smem:$0x3F9F] =	sst s1;
	(tag) =	ssettag s2;
	_ =	strace s9  }
0x27: {  	s1 =	sld [smem:$0x3FAF]  }
0x28: {  	s2 =	sld [smem:$0x3FB0]  }
0x29: {  	s4 =	sld [smem:$0x3FB2]  }
0x2a: {  	p0 =	seq.s32 s5, $0x0;
	s5 =	sld [smem:$0x3FB3]  }
0x2b: {  	s6 =	sld [smem:$0x3FB4]  }
0x2c: {  	s7 =	sld [smem:$0x3FB5]  }
0x2d: {  	s3 =	simm.s32 $0x108;
	s8 =	sld [smem:$0x3FB6]  }
0x2e: {  	s3 =	simm.s32 @!p0 $0x1082;
	s9 =	sld [smem:$0x3FB7]  }
0x2f: {  	lr =	sadd.s32 s0, s3;
	s0 =	sld [smem:$0x3FAE]  }
0x30: {  	s3 =	sld [smem:$0x3FB1]  }
0x31: {  	[smem:$0x3FBA] =	sst s10  }
0x32: {  	s10 =	sld [smem:$0x3FB8];
	_ =	sdelay $0x3  }
0x33: {  	p0 =	seq.s32 s10, $0x1;
	s10 =	sld [smem:$0x3FBA];
	_ =	sdelay $0x3  }
0x34: {  	[smem:$0x3FBA] =	sst s10  }
0x35: {  	s10 =	sld [smem:$0x3FB9];
	_ =	sdelay $0x3  }
0x36: {  	p1 =	seq.s32 s10, $0x1;
	s10 =	sld [smem:$0x3FBA];
	_ =	sdelay $0x3  }
0x37: {  	[smem:$0x3FBA] =	sst s10  }
0x38: {  	s10 =	sld [smem:$0x3FBB]  }
0x39: {  	_ = 	snop;
	(pc) =	sbr.ind lr, $3  }
0x3a: {  	_ = 	snop  }
0x3b: {  	_ = 	snop  }
0x3c: {  	p2 =	seq.s32 s10, $0x1;
	s10 =	sld [smem:$0x3FBA]  }
0x3d: {  	_ =	shalt  }
0x3e: {  	_ =	shalt  }
0x3f: {  	_ =	shalt  }
0x40: {  	_ =	shalt  }
0x41: {  	_ =	shalt  }
0x42: {  	_ =	shalt  }
0x43: {  	_ =	shalt  }
0x44: {  	_ =	shalt  }
0x45: {  	_ =	shalt  }
0x46: {  	_ =	shalt  }
0x47: {  	_ =	shalt  }
0x48: {  	_ =	shalt  }
0x49: {  	_ =	shalt  }
0x4a: {  	_ =	shalt  }
0x4b: {  	_ =	shalt  }
0x4c: {  	_ =	shalt  }
0x4d: {  	_ =	shalt  }
0x4e: {  	_ =	shalt  }
0x4f: {  	_ =	shalt  }
0x50: {  	_ =	shalt  }
0x51: {  	_ =	shalt  }
0x52: {  	_ =	shalt  }
0x53: {  	_ =	shalt  }
0x54: {  	_ =	shalt  }
0x55: {  	_ =	shalt  }
0x56: {  	_ =	shalt  }
0x57: {  	_ =	shalt  }
0x58: {  	_ =	shalt  }
0x59: {  	_ =	shalt  }
0x5a: {  	_ =	shalt  }
0x5b: {  	_ =	shalt  }
0x5c: {  	_ =	shalt  }
0x5d: {  	_ =	shalt  }
0x5e: {  	_ =	shalt  }
0x5f: {  	_ =	shalt  }
0x60: {  	_ =	shalt  }
0x61: {  	_ =	shalt  }
0x62: {  	_ =	shalt  }
0x63: {  	_ =	shalt  }
0x64: {  	_ =	shalt  }
0x65: {  	_ =	shalt  }
0x66: {  	_ =	shalt  }
0x67: {  	_ =	shalt  }
0x68: {  	_ =	shalt  }
0x69: {  	_ =	shalt  }
0x6a: {  	_ =	shalt  }
0x6b: {  	_ =	shalt  }
0x6c: {  	_ =	shalt  }
0x6d: {  	_ =	shalt  }
0x6e: {  	_ =	shalt  }
0x6f: {  	_ =	shalt  }
0x70: {  	_ =	shalt  }
0x71: {  	_ =	shalt  }
0x72: {  	_ =	shalt  }
0x73: {  	_ =	shalt  }
0x74: {  	_ =	shalt  }
0x75: {  	_ =	shalt  }
0x76: {  	_ =	shalt  }
0x77: {  	_ =	shalt  }
0x78: {  	_ =	shalt  }
0x79: {  	_ =	shalt  }
0x7a: {  	_ =	shalt  }
0x7b: {  	_ =	shalt  }
0x7c: {  	_ =	shalt  }
0x7d: {  	_ =	shalt  }
0x7e: {  	_ =	shalt  }
0x7f: {  	_ =	shalt  }
0x80: {  	_ =	shalt  }
0x81: {  	_ =	shalt  }
0x82: {  	_ =	shalt  }
0x83: {  	_ =	shalt  }
0x84: {  	_ =	shalt  }
0x85: {  	_ =	shalt  }
0x86: {  	_ =	shalt  }
0x87: {  	_ =	shalt  }
.Lfunc_end0:
.L_simem_size_0:
called_computation_lowered:
.L_overlay_start_0:
0x88: {  	s2 =	sld [smem:$0x3FD9]  }
0x89: {  	s3 =	sld [smem:$0x3FFE];
	_ =	sdelay $0x1  }
0x8a: {  	s1 =	srdreg.scid  }
0x8b: {  	s0 =	sand.u32 $0x1, s1  }
0x8c: {  	s18 =	sshll.u32 s0, $0xA;
	s2 =	sadd.s32 s3, s2  }
0x8d: {  	s2 =	sadd.s32 s2, s18  }
0x8e: {  	[smem:$0x3FC6] =	sst s2  }
0x8f: {  	_ = 	snop  }
0x90: {  	s2 =	sld [smem:$0x3FC9]  }
0x91: {  	s19 =	sld [smem:$0x3FC8]  }
0x92: {  	s4 =	sld [smem:$0x3FD0];
	(tm) =	ssettm $0x1  }
0x93: {  	s5 =	sld [smem:$0x3FFB];
	_ =	sdelay $0x3  }
0x94: {  	_ =	strace s5  }
0x95: {  	s5 =	sld [smem:$0x3FFC];
	_ =	sdelay $0x3  }
0x96: {  	_ =	strace s5  }
0x97: {  	s5 =	sld [smem:$0x3FFD];
	_ =	sdelay $0x3  }
0x98: {  	_ =	strace s5  }
0x99: {  	_ =	strace $0x8FFFFFFF  }
0x9a: {  	s20 =	sld [smem:$0x3FDB];
	_ =	sdelay $0x1  }
0x9b: {  	s6 =	simm.s32 $_scs_section_size  }
0x9c: {  	s7 =	simm.s32 $_size__tile_overlayer_lowered;
	s8 =	simm.s32 $_tile_overlayer_lowered  }
0x9d: {  	s23 =	simm.s32 $0x1BFF;
	s22 =	sshll.u32 s8, $0x1;
	s5 =	sadd.s32 s6, s20  }
0x9e: {  	s9 =	simm.s32 $0x0;
	s21 =	sshll.u32 s7, $0x1;
	s7 =	sadd.s32 s22, s5  }
0x9f: {  	[timem:s9], [sflag:s23] =	dma.local [hbm:s7], s21  }
0xa0: {  	_ =	swait.ge [sflag:s23], s21  }
0xa1: {  	s6 =	ssub.s32 $0x0, s21;
	[sflag:s23] =	ssyncset.done $0x0  }
0xa2: {  	[sflag:s23] =	ssyncadd.s32 s6;
	_ =	sdelay $0x1  }
0xa3: {  	s24 =	simm.s32 $0x1B8B  }
0xa4: {  	_ =	swait.ge [sflag:s24], $0x1  }
0xa5: {  	[sflag:s24] =	ssyncset.done $0x0  }
0xa6: {  	s25 =	simm.s32 $0x1B8E;
	[sflag:s24] =	ssyncadd.s32 $0xFFFFFFFF  }
0xa7: {  	s26 =	simm.s32 $execute0_lowered;
	[smem:$0x3FD2] =	sst s25  }
0xa8: {  	s6 =	sshll.u32 s26, $0x1;
	_ =	strace $0x80000046;
	[dreg:$0x1] =	wrdreg $0xFFFFFFFF  }
0xa9: {  	s28 =	simm.s32 $_size_execute0_lowered;
	s5 =	sadd.s32 s5, s6;
	[dreg:$0x0] =	wrdreg $0x0  }
0xaa: {  	s6 =	sshll.u32 s28, $0x1;
	[dreg:$0x2] =	wrdreg s5  }
0xab: {  	[dreg:$0x3] =	wrdreg s6  }
0xac: {  	[dreg:$0x4] =	wrdreg $0xC0  }
0xad: {  	_ =	task [dreg:s9], $0x5FFFF  }
0xae: {  	[dreg:$0x1] =	wrdreg $0xFFFFFFFF  }
0xaf: {  	[dreg:$0x0] =	wrdreg $0x60  }
0xb0: {  	[dreg:$0x2] =	wrdreg s2  }
0xb1: {  	[dreg:$0x3] =	wrdreg s19  }
0xb2: {  	[dreg:$0x4] =	wrdreg s4  }
0xb3: {  	[dreg:$0x5] =	wrdreg $0x9  }
0xb4: {  	_ =	task.clear_ibuf [dreg:s9], $0x6FFFF;
	_ =	strace $0x90000046  }
0xb5: {  	s29 =	simm.s32 $0x9;
	_ =	strace $0x80000048  }
0xb6: {  	_ =	swait.ge [sflag:s29], $0x1  }
0xb7: {  	[sflag:s29] =	ssyncadd.s32 $0xFFFFFFFF  }
0xb8: {  	_ =	strace $0x90000048  }
0xb9: {  	_ =	sfence  }
0xba: {  	s30 =	sld [smem:$0x0];
	_ =	sdelay $0x2  }
0xbb: {  	s31 =	sshll.u32 s1, $0xD;
	s1 =	sshrl.u32 s1, $0x2  }
0xbc: {  	s3 =	sand.u32 $0x4000, s31;
	s1 =	sadd.s32 s1, s30  }
0xbd: {  	s0 =	sor.u32 s3, s0;
	s1 =	sshll.u32 s1, $0x11  }
0xbe: {  	s0 =	sor.u32 s1, s0  }
0xbf: {  	s0 =	sadd.s32 $0x8F2B, s0  }
0xc0: {  	[sflag:s0] =	ssyncadd.remote.s32 $0x1  }
0xc1: {  	_ =	sfence.sel $0xFFFF  }
0xc2: {  	[dreg:$0x0] =	wrdreg $0xFFFFFFFF;
	(pc) =	sbr.abs _section_cstart, $3  }
0xc3: {  	[dreg:$0x1] =	wrdreg $0xFFFFFFFF  }
0xc4: {  	_ =	task.clear_ibuf [dreg:s9], $0x2FFFF;
	_ =	strace $0x9FFFFFFF  }
0xc5: {  	(tm) =	ssettm $0x7FFFFFFF  }
tec
execute0_lowered:
.L_overlay_start_1:
0x0: {  	(tag) =	ssettag $0x1  }
0x1: {  	s0 =	srdreg.scid;
	s2 =	stileid.u32  }
0x2: {  	s0 =	sand.u32 $0x1, s0;
	s3 =	sshll.u32 s2, $0x1  }
0x3: {  	s1 =	rddreg [dreg:$0x0];
	s4 =	sor.u32 s0, s3  }
0x4: {  	s5 =	rddreg [dreg:$0x2];
	s6 =	smul.u32 $0xC8, s4  }
0x5: {  	s2 =	rddreg [dreg:$0x1];
	s3 =	simm.s32 $0x0;
	s7 =	smul.u32 $0xC8000, s4  }
0x6: {  	[smem:$0x7FF] =	sst s3;
	s4 =	smul.u32 $0x19000, s4  }
0x7: {  	_ =	strace $0x80000047;
	s1 =	sadd.s32 s1, s6;
	s8 =	sshrl.u32 s7, $0x3  }
0x8: {  	s9 =	sadd.s32 s5, s4;
	[dreg:$0x4] =	wrdreg s1;
	s5 =	sadd.s32 s5, s8  }
0x9: {  	[dreg:$0x5] =	wrdreg s9;
	s10 =	sadd.s32 $0x1400, s5  }
0xa: {  	s11 =	sadd.s32 $0x2800, s5;
	[dreg:$0x6] =	wrdreg s10  }
0xb: {  	s12 =	sadd.s32 $0x3C00, s5;
	[dreg:$0x7] =	wrdreg s11  }
0xc: {  	s13 =	sadd.s32 $0x5000, s5;
	[dreg:$0x8] =	wrdreg s12  }
0xd: {  	s14 =	sadd.s32 $0x6400, s5;
	[dreg:$0x9] =	wrdreg s13  }
0xe: {  	s15 =	sadd.s32 $0x7800, s5;
	[dreg:$0xa] =	wrdreg s14  }
0xf: {  	s16 =	sadd.s32 $0x8C00, s5;
	[dreg:$0xb] =	wrdreg s15  }
0x10: {  	s17 =	sadd.s32 $0xA000, s5;
	[dreg:$0xc] =	wrdreg s16  }
0x11: {  	s18 =	sadd.s32 $0xB400, s5;
	[dreg:$0xd] =	wrdreg s17  }
0x12: {  	s19 =	sadd.s32 $0xC800, s5;
	[dreg:$0xe] =	wrdreg s18  }
0x13: {  	s20 =	sadd.s32 $0xDC00, s5;
	[dreg:$0xf] =	wrdreg s19  }
0x14: {  	s21 =	sadd.s32 $0xF000, s5;
	[dreg:$0x10] =	wrdreg s20  }
0x15: {  	s22 =	sadd.s32 $0x10400, s5;
	[dreg:$0x11] =	wrdreg s21  }
0x16: {  	s23 =	sadd.s32 $0x11800, s5;
	[dreg:$0x12] =	wrdreg s22  }
0x17: {  	s24 =	sadd.s32 $0x12C00, s5;
	[dreg:$0x13] =	wrdreg s23  }
0x18: {  	s28 =	simm.s32 $0xA680;
	s25 =	sadd.s32 $0x14000, s5;
	[dreg:$0x14] =	wrdreg s24  }
0x19: {  	s0 =	ssub.s32 $0x2, s0;
	s29 =	sadd.s32 $0x15400, s5;
	[dreg:$0x15] =	wrdreg s25  }
0x1a: {  	s26 =	sshrl.u32 s0, $0x1;
	s30 =	sadd.s32 $0x16800, s5;
	[dreg:$0x16] =	wrdreg s29  }
0x1b: {  	v2 =	vlaneseq.u32;
	s0 =	ssub.s32 s0, s26;
	s31 =	sadd.s32 $0x17C00, s5;
	[dreg:$0x17] =	wrdreg s30  }
0x1c: {  	vm0 =	vmmov $0xffff;
	v1 =	vshrl.u32 v2, $0x3;
	s4 =	sadd.s32 $0x100, s2;
	s0 =	smax.u32 s0, $0x1;
	[dreg:$0x18] =	wrdreg s31  }
0x1d: {  	v0 =	vand.u32 $0x7, v2;
	v2 =	vor.u32 $0x8, v2;
	v1 =	vmul.u32 $0x8, v1;
	s10 =	simm.s32 $0x680;
	s21 =	simm.s32 $0x1;
	s22 =	simm.s32 $0x2  }
.LBB2_1:
0x1e: {  	[dreg:$0x19] =	wrdreg s0  }
0x1f: {  	s23 =	rddreg [dreg:$0x4];
	s6 =	simm.s32 $0x3  }
0x20: {  	[tilespmem:s3], [sflag:$0x3] =	stream.linear.gather [hbm4b:s23+s3], $0x640, $0x38;
	[tilespmem:$0x14680] =	vst v63  }
0x21: {  	_ =	swait.ge [sflag:s6], $0x640  }
0x22: {  	[sflag:s6] =	ssyncset.done $0x0  }
0x23: {  	[sflag:s6] =	ssyncadd.s32 $0xFFFFF9C0  }
0x24: {  	v3 =	vld [tilespmem:$0x0];
	_ =	sdelay $0x4  }
0x25: {  	v4 =	vshll.u32 v3, $0x2  }
0x26: {  	v3 =	vand.u32 $0x7, v3;
	v4 =	vand.u32 $0xFFFFFFE0, v4  }
0x27: {  	v3 =	vor.u32 v3, v4  }
0x28: {  	v4 =	vperm.xlane v3, v0;
	_ =	sdelay $0x1  }
0x29: {  	v4 =	vadd.s32 v1, v4;
	_ =	sdelay $0x1  }
0x2a: {  	v3 =	vperm.xlane v3, v2;
	_ =	sdelay $0x1  }
0x2b: {  	v3 =	vadd.s32 v1, v3  }
0x2c: {  	[tilespmem:s10], [sflag:$0x1] =	stream.indirect_vreg.gather [hbm4b:s2+s3], $0x80, v4, vm0, $0xb8;
	[tilespmem:$0x14680] =	vst v63  }
0x2d: {  	s7 =	simm.s32 $0xE80  }
0x2e: {  	[tilespmem:s7], [sflag:$0x1] =	stream.indirect_vreg.gather [hbm4b:s4+s3], $0x80, v4, vm0, $0xb8;
	[tilespmem:$0x14680] =	vst v63  }
0x2f: {  	s8 =	simm.s32 $0x1680  }
0x30: {  	[tilespmem:s8], [sflag:$0x1] =	stream.indirect_vreg.gather [hbm4b:s2+s3], $0x80, v3, vm0, $0xb8;
	[tilespmem:$0x14680] =	vst v63  }
0x31: {  	s9 =	simm.s32 $0x1E80  }
0x32: {  	[tilespmem:s9], [sflag:$0x1] =	stream.indirect_vreg.gather [hbm4b:s4+s3], $0x80, v3, vm0, $0xb8;
	[tilespmem:$0x14680] =	vst v63  }
0x33: {  	v3 =	vld [tilespmem:$0x10];
	_ =	sdelay $0x4  }
0x34: {  	v21 =	vshll.u32 v3, $0x2  }
0x35: {  	v3 =	vand.u32 $0x7, v3;
	v4 =	vand.u32 $0xFFFFFFE0, v21  }
0x36: {  	v3 =	vor.u32 v3, v4  }
0x37: {  	v4 =	vperm.xlane v3, v0;
	_ =	sdelay $0x1  }
0x38: {  	v4 =	vadd.s32 v1, v4;
	_ =	sdelay $0x1  }
0x39: {  	v3 =	vperm.xlane v3, v2;
	_ =	sdelay $0x1  }
0x3a: {  	s11 =	simm.s32 $0x2680;
	v3 =	vadd.s32 v1, v3  }
0x3b: {  	[tilespmem:s11], [sflag:$0x1] =	stream.indirect_vreg.gather [hbm4b:s2+s3], $0x80, v4, vm0, $0xb8;
	[tilespmem:$0x14680] =	vst v63  }
0x3c: {  	s12 =	simm.s32 $0x2E80  }
0x3d: {  	[tilespmem:s12], [sflag:$0x1] =	stream.indirect_vreg.gather [hbm4b:s4+s3], $0x80, v4, vm0, $0xb8;
	[tilespmem:$0x14680] =	vst v63  }
0x3e: {  	s13 =	simm.s32 $0x3680  }
0x3f: {  	[tilespmem:s13], [sflag:$0x1] =	stream.indirect_vreg.gather [hbm4b:s2+s3], $0x80, v3, vm0, $0xb8;
	[tilespmem:$0x14680] =	vst v63  }
0x40: {  	s14 =	simm.s32 $0x3E80  }
0x41: {  	[tilespmem:s14], [sflag:$0x1] =	stream.indirect_vreg.gather [hbm4b:s4+s3], $0x80, v3, vm0, $0xb8;
	[tilespmem:$0x14680] =	vst v63  }
0x42: {  	v3 =	vld [tilespmem:$0x20];
	_ =	sdelay $0x4  }
0x43: {  	v22 =	vshll.u32 v3, $0x2  }
0x44: {  	v3 =	vand.u32 $0x7, v3;
	v4 =	vand.u32 $0xFFFFFFE0, v22  }
0x45: {  	v3 =	vor.u32 v3, v4  }
0x46: {  	v4 =	vperm.xlane v3, v0;
	_ =	sdelay $0x1  }
0x47: {  	v4 =	vadd.s32 v1, v4;
	_ =	sdelay $0x1  }
0x48: {  	v3 =	vperm.xlane v3, v2;
	_ =	sdelay $0x1  }
0x49: {  	s15 =	simm.s32 $0x4680;
	v3 =	vadd.s32 v1, v3  }
0x4a: {  	[tilespmem:s15], [sflag:$0x1] =	stream.indirect_vreg.gather [hbm4b:s2+s3], $0x80, v4, vm0, $0xb8;
	[tilespmem:$0x14680] =	vst v63  }
0x4b: {  	s17 =	simm.s32 $0x4E80  }
0x4c: {  	[tilespmem:s17], [sflag:$0x1] =	stream.indirect_vreg.gather [hbm4b:s4+s3], $0x80, v4, vm0, $0xb8;
	[tilespmem:$0x14680] =	vst v63  }
0x4d: {  	s18 =	simm.s32 $0x5680  }
0x4e: {  	[tilespmem:s18], [sflag:$0x1] =	stream.indirect_vreg.gather [hbm4b:s2+s3], $0x80, v3, vm0, $0xb8;
	[tilespmem:$0x14680] =	vst v63  }
0x4f: {  	s19 =	simm.s32 $0x5E80  }
0x50: {  	[tilespmem:s19], [sflag:$0x1] =	stream.indirect_vreg.gather [hbm4b:s4+s3], $0x80, v3, vm0, $0xb8;
	[tilespmem:$0x14680] =	vst v63  }
0x51: {  	v3 =	vld [tilespmem:$0x30];
	_ =	sdelay $0x4  }
0x52: {  	v23 =	vshll.u32 v3, $0x2  }
0x53: {  	v3 =	vand.u32 $0x7, v3;
	v4 =	vand.u32 $0xFFFFFFE0, v23  }
0x54: {  	v3 =	vor.u32 v3, v4  }
0x55: {  	v4 =	vperm.xlane v3, v0;
	_ =	sdelay $0x1  }
0x56: {  	v4 =	vadd.s32 v1, v4;
	_ =	sdelay $0x1  }
0x57: {  	v3 =	vperm.xlane v3, v2;
	_ =	sdelay $0x1  }
0x58: {  	s23 =	simm.s32 $0x6680;
	v3 =	vadd.s32 v1, v3  }
0x59: {  	[tilespmem:s23], [sflag:$0x1] =	stream.indirect_vreg.gather [hbm4b:s2+s3], $0x80, v4, vm0, $0xb8;
	[tilespmem:$0x14680] =	vst v63  }
0x5a: {  	s24 =	simm.s32 $0x6E80  }
0x5b: {  	[tilespmem:s24], [sflag:$0x1] =	stream.indirect_vreg.gather [hbm4b:s4+s3], $0x80, v4, vm0, $0xb8;
	[tilespmem:$0x14680] =	vst v63  }
0x5c: {  	s25 =	simm.s32 $0x7680  }
0x5d: {  	[tilespmem:s25], [sflag:$0x1] =	stream.indirect_vreg.gather [hbm4b:s2+s3], $0x80, v3, vm0, $0xb8;
	[tilespmem:$0x14680] =	vst v63  }
0x5e: {  	s29 =	simm.s32 $0x7E80  }
0x5f: {  	[tilespmem:s29], [sflag:$0x1] =	stream.indirect_vreg.gather [hbm4b:s4+s3], $0x80, v3, vm0, $0xb8;
	[tilespmem:$0x14680] =	vst v63  }
0x60: {  	v3 =	vld [tilespmem:$0x40];
	_ =	sdelay $0x4  }
0x61: {  	v24 =	vshll.u32 v3, $0x2  }
0x62: {  	v3 =	vand.u32 $0x7, v3;
	v4 =	vand.u32 $0xFFFFFFE0, v24  }
0x63: {  	v3 =	vor.u32 v3, v4  }
0x64: {  	v4 =	vperm.xlane v3, v0;
	_ =	sdelay $0x1  }
0x65: {  	v4 =	vadd.s32 v1, v4;
	_ =	sdelay $0x1  }
0x66: {  	v3 =	vperm.xlane v3, v2;
	_ =	sdelay $0x1  }
0x67: {  	s30 =	simm.s32 $0x8680;
	v3 =	vadd.s32 v1, v3  }
0x68: {  	[tilespmem:s30], [sflag:$0x1] =	stream.indirect_vreg.gather [hbm4b:s2+s3], $0x80, v4, vm0, $0xb8;
	[tilespmem:$0x14680] =	vst v63  }
0x69: {  	s8 =	simm.s32 $0x8E80  }
0x6a: {  	[tilespmem:s8], [sflag:$0x1] =	stream.indirect_vreg.gather [hbm4b:s4+s3], $0x80, v4, vm0, $0xb8;
	[tilespmem:$0x14680] =	vst v63  }
0x6b: {  	s9 =	simm.s32 $0x9680  }
0x6c: {  	[tilespmem:s9], [sflag:$0x1] =	stream.indirect_vreg.gather [hbm4b:s2+s3], $0x80, v3, vm0, $0xb8;
	[tilespmem:$0x14680] =	vst v63  }
0x6d: {  	s11 =	simm.s32 $0x9E80  }
0x6e: {  	[tilespmem:s11], [sflag:$0x1] =	stream.indirect_vreg.gather [hbm4b:s4+s3], $0x80, v3, vm0, $0xb8;
	[tilespmem:$0x14680] =	vst v63  }
0x6f: {  	v3 =	vld [tilespmem:$0x50];
	_ =	sdelay $0x4  }
0x70: {  	v25 =	vshll.u32 v3, $0x2  }
0x71: {  	v3 =	vand.u32 $0x7, v3;
	v4 =	vand.u32 $0xFFFFFFE0, v25  }
0x72: {  	v3 =	vor.u32 v3, v4  }
0x73: {  	v4 =	vperm.xlane v3, v0;
	_ =	sdelay $0x1  }
0x74: {  	v4 =	vadd.s32 v1, v4;
	_ =	sdelay $0x1  }
0x75: {  	v3 =	vperm.xlane v3, v2;
	_ =	sdelay $0x1  }
0x76: {  	v3 =	vadd.s32 v1, v3  }
0x77: {  	[tilespmem:s28], [sflag:$0x1] =	stream.indirect_vreg.gather [hbm4b:s2+s3], $0x80, v4, vm0, $0xb8;
	[tilespmem:$0x14680] =	vst v63  }
0x78: {  	s12 =	simm.s32 $0xAE80  }
0x79: {  	[tilespmem:s12], [sflag:$0x1] =	stream.indirect_vreg.gather [hbm4b:s4+s3], $0x80, v4, vm0, $0xb8;
	[tilespmem:$0x14680] =	vst v63  }
0x7a: {  	s13 =	simm.s32 $0xB680  }
0x7b: {  	[tilespmem:s13], [sflag:$0x1] =	stream.indirect_vreg.gather [hbm4b:s2+s3], $0x80, v3, vm0, $0xb8;
	[tilespmem:$0x14680] =	vst v63  }
0x7c: {  	s14 =	simm.s32 $0xBE80  }
0x7d: {  	[tilespmem:s14], [sflag:$0x1] =	stream.indirect_vreg.gather [hbm4b:s4+s3], $0x80, v3, vm0, $0xb8;
	[tilespmem:$0x14680] =	vst v63  }
0x7e: {  	v3 =	vld [tilespmem:$0x60];
	_ =	sdelay $0x4  }
0x7f: {  	v26 =	vshll.u32 v3, $0x2  }
0x80: {  	v3 =	vand.u32 $0x7, v3;
	v4 =	vand.u32 $0xFFFFFFE0, v26  }
0x81: {  	v3 =	vor.u32 v3, v4  }
0x82: {  	v4 =	vperm.xlane v3, v0;
	_ =	sdelay $0x1  }
0x83: {  	v4 =	vadd.s32 v1, v4;
	_ =	sdelay $0x1  }
0x84: {  	v3 =	vperm.xlane v3, v2;
	_ =	sdelay $0x1  }
0x85: {  	s15 =	simm.s32 $0xC680;
	v3 =	vadd.s32 v1, v3  }
0x86: {  	[tilespmem:s15], [sflag:$0x1] =	stream.indirect_vreg.gather [hbm4b:s2+s3], $0x80, v4, vm0, $0xb8;
	[tilespmem:$0x14680] =	vst v63  }
0x87: {  	s17 =	simm.s32 $0xCE80  }
0x88: {  	[tilespmem:s17], [sflag:$0x1] =	stream.indirect_vreg.gather [hbm4b:s4+s3], $0x80, v4, vm0, $0xb8;
	[tilespmem:$0x14680] =	vst v63  }
0x89: {  	s18 =	simm.s32 $0xD680  }
0x8a: {  	[tilespmem:s18], [sflag:$0x1] =	stream.indirect_vreg.gather [hbm4b:s2+s3], $0x80, v3, vm0, $0xb8;
	[tilespmem:$0x14680] =	vst v63  }
0x8b: {  	s19 =	simm.s32 $0xDE80  }
0x8c: {  	[tilespmem:s19], [sflag:$0x1] =	stream.indirect_vreg.gather [hbm4b:s4+s3], $0x80, v3, vm0, $0xb8;
	[tilespmem:$0x14680] =	vst v63  }
0x8d: {  	v3 =	vld [tilespmem:$0x70];
	_ =	sdelay $0x4  }
0x8e: {  	v27 =	vshll.u32 v3, $0x2  }
0x8f: {  	v3 =	vand.u32 $0x7, v3;
	v4 =	vand.u32 $0xFFFFFFE0, v27  }
0x90: {  	v3 =	vor.u32 v3, v4  }
0x91: {  	v4 =	vperm.xlane v3, v0;
	_ =	sdelay $0x1  }
0x92: {  	v4 =	vadd.s32 v1, v4;
	_ =	sdelay $0x1  }
0x93: {  	v3 =	vperm.xlane v3, v2;
	_ =	sdelay $0x1  }
0x94: {  	s24 =	simm.s32 $0xE680;
	v3 =	vadd.s32 v1, v3  }
0x95: {  	[tilespmem:s24], [sflag:$0x1] =	stream.indirect_vreg.gather [hbm4b:s2+s3], $0x80, v4, vm0, $0xb8;
	[tilespmem:$0x14680] =	vst v63  }
0x96: {  	s29 =	simm.s32 $0xEE80  }
0x97: {  	[tilespmem:s29], [sflag:$0x1] =	stream.indirect_vreg.gather [hbm4b:s4+s3], $0x80, v4, vm0, $0xb8;
	[tilespmem:$0x14680] =	vst v63  }
0x98: {  	s30 =	simm.s32 $0xF680  }
0x99: {  	[tilespmem:s30], [sflag:$0x1] =	stream.indirect_vreg.gather [hbm4b:s2+s3], $0x80, v3, vm0, $0xb8;
	[tilespmem:$0x14680] =	vst v63  }
0x9a: {  	s0 =	simm.s32 $0xFE80  }
0x9b: {  	[tilespmem:s0], [sflag:$0x1] =	stream.indirect_vreg.gather [hbm4b:s4+s3], $0x80, v3, vm0, $0xb8;
	[tilespmem:$0x14680] =	vst v63  }
0x9c: {  	v3 =	vld [tilespmem:$0x80];
	_ =	sdelay $0x4  }
0x9d: {  	v28 =	vshll.u32 v3, $0x2  }
0x9e: {  	v3 =	vand.u32 $0x7, v3;
	v4 =	vand.u32 $0xFFFFFFE0, v28  }
0x9f: {  	v3 =	vor.u32 v3, v4  }
0xa0: {  	v4 =	vperm.xlane v3, v0;
	_ =	sdelay $0x1  }
0xa1: {  	v4 =	vadd.s32 v1, v4;
	_ =	sdelay $0x1  }
0xa2: {  	v3 =	vperm.xlane v3, v2;
	_ =	sdelay $0x1  }
0xa3: {  	s8 =	simm.s32 $0x10680;
	v3 =	vadd.s32 v1, v3  }
0xa4: {  	[tilespmem:s8], [sflag:$0x1] =	stream.indirect_vreg.gather [hbm4b:s2+s3], $0x80, v4, vm0, $0xb8;
	[tilespmem:$0x14680] =	vst v63  }
0xa5: {  	s9 =	simm.s32 $0x10E80  }
0xa6: {  	[tilespmem:s9], [sflag:$0x1] =	stream.indirect_vreg.gather [hbm4b:s4+s3], $0x80, v4, vm0, $0xb8;
	[tilespmem:$0x14680] =	vst v63  }
0xa7: {  	s19 =	simm.s32 $0x11680  }
0xa8: {  	[tilespmem:s19], [sflag:$0x1] =	stream.indirect_vreg.gather [hbm4b:s2+s3], $0x80, v3, vm0, $0xb8;
	[tilespmem:$0x14680] =	vst v63  }
0xa9: {  	s24 =	simm.s32 $0x11E80  }
0xaa: {  	[tilespmem:s24], [sflag:$0x1] =	stream.indirect_vreg.gather [hbm4b:s4+s3], $0x80, v3, vm0, $0xb8;
	[tilespmem:$0x14680] =	vst v63  }
0xab: {  	v3 =	vld [tilespmem:$0x90];
	_ =	sdelay $0x4  }
0xac: {  	v29 =	vshll.u32 v3, $0x2  }
0xad: {  	v3 =	vand.u32 $0x7, v3;
	v4 =	vand.u32 $0xFFFFFFE0, v29  }
0xae: {  	v3 =	vor.u32 v3, v4  }
0xaf: {  	v4 =	vperm.xlane v3, v0;
	_ =	sdelay $0x1  }
0xb0: {  	v4 =	vadd.s32 v1, v4;
	_ =	sdelay $0x1  }
0xb1: {  	v3 =	vperm.xlane v3, v2;
	_ =	sdelay $0x1  }
0xb2: {  	s29 =	simm.s32 $0x12680;
	v3 =	vadd.s32 v1, v3  }
0xb3: {  	[tilespmem:s29], [sflag:$0x1] =	stream.indirect_vreg.gather [hbm4b:s2+s3], $0x80, v4, vm0, $0xb8;
	[tilespmem:$0x14680] =	vst v63  }
0xb4: {  	s30 =	simm.s32 $0x12E80  }
0xb5: {  	[tilespmem:s30], [sflag:$0x1] =	stream.indirect_vreg.gather [hbm4b:s4+s3], $0x80, v4, vm0, $0xb8;
	[tilespmem:$0x14680] =	vst v63  }
0xb6: {  	s0 =	simm.s32 $0x13680  }
0xb7: {  	[tilespmem:s0], [sflag:$0x1] =	stream.indirect_vreg.gather [hbm4b:s2+s3], $0x80, v3, vm0, $0xb8;
	[tilespmem:$0x14680] =	vst v63  }
0xb8: {  	s8 =	simm.s32 $0x13E80  }
0xb9: {  	[tilespmem:s8], [sflag:$0x1] =	stream.indirect_vreg.gather [hbm4b:s4+s3], $0x80, v3, vm0, $0xb8;
	[tilespmem:$0x14680] =	vst v63  }
0xba: {  	_ =	swait.ge [sflag:s21], $0xA000  }
0xbb: {  	[sflag:s21] =	ssyncset.done $0x0  }
0xbc: {  	s9 =	rddreg [dreg:$0x5];
	[sflag:s21] =	ssyncadd.s32 $0xFFFF6000  }
0xbd: {  	[hbm4b:s9+s3] =	stream.linear.scatter [tilespmem:s10], [sflag:$0x2], $0xA000, $0x38;
	[tilespmem:$0x14680] =	vst v63  }
0xbe: {  	_ =	swait.ge [sflag:s22], $0xA000  }
0xbf: {  	[sflag:s22] =	ssyncset.done $0x0  }
0xc0: {  	[sflag:s22] =	ssyncadd.s32 $0xFFFF6000  }
0xc1: {  	v3 =	vld [tilespmem:$0xA0];
	_ =	sdelay $0x4  }
0xc2: {  	v30 =	vshll.u32 v3, $0x2  }
0xc3: {  	v3 =	vand.u32 $0x7, v3;
	v4 =	vand.u32 $0xFFFFFFE0, v30  }
0xc4: {  	v3 =	vor.u32 v3, v4  }
0xc5: {  	v4 =	vperm.xlane v3, v0;
	_ =	sdelay $0x1  }
0xc6: {  	v4 =	vadd.s32 v1, v4;
	_ =	sdelay $0x1  }
0xc7: {  	v3 =	vperm.xlane v3, v2;
	_ =	sdelay $0x1  }
0xc8: {  	v3 =	vadd.s32 v1, v3  }
0xc9: {  	[tilespmem:s10], [sflag:$0x1] =	stream.indirect_vreg.gather [hbm4b:s2+s3], $0x80, v4, vm0, $0xb8;
	[tilespmem:$0x14680] =	vst v63  }
0xca: {  	s16 =	simm.s32 $0xE80  }
0xcb: {  	[tilespmem:s16], [sflag:$0x1] =	stream.indirect_vreg.gather [hbm4b:s4+s3], $0x80, v4, vm0, $0xb8;
	[tilespmem:$0x14680] =	vst v63  }
0xcc: {  	s20 =	simm.s32 $0x1680  }
0xcd: {  	[tilespmem:s20], [sflag:$0x1] =	stream.indirect_vreg.gather [hbm4b:s2+s3], $0x80, v3, vm0, $0xb8;
	[tilespmem:$0x14680] =	vst v63  }
0xce: {  	s7 =	simm.s32 $0x1E80  }
0xcf: {  	[tilespmem:s7], [sflag:$0x1] =	stream.indirect_vreg.gather [hbm4b:s4+s3], $0x80, v3, vm0, $0xb8;
	[tilespmem:$0x14680] =	vst v63  }
0xd0: {  	v3 =	vld [tilespmem:$0xB0];
	_ =	sdelay $0x4  }
0xd1: {  	v31 =	vshll.u32 v3, $0x2  }
0xd2: {  	v3 =	vand.u32 $0x7, v3;
	v4 =	vand.u32 $0xFFFFFFE0, v31  }
0xd3: {  	v3 =	vor.u32 v3, v4  }
0xd4: {  	v4 =	vperm.xlane v3, v0;
	_ =	sdelay $0x1  }
0xd5: {  	v4 =	vadd.s32 v1, v4;
	_ =	sdelay $0x1  }
0xd6: {  	v3 =	vperm.xlane v3, v2;
	_ =	sdelay $0x1  }
0xd7: {  	s1 =	simm.s32 $0x2680;
	v3 =	vadd.s32 v1, v3  }
0xd8: {  	[tilespmem:s1], [sflag:$0x1] =	stream.indirect_vreg.gather [hbm4b:s2+s3], $0x80, v4, vm0, $0xb8;
	[tilespmem:$0x14680] =	vst v63  }
0xd9: {  	s5 =	simm.s32 $0x2E80  }
0xda: {  	[tilespmem:s5], [sflag:$0x1] =	stream.indirect_vreg.gather [hbm4b:s4+s3], $0x80, v4, vm0, $0xb8;
	[tilespmem:$0x14680] =	vst v63  }
0xdb: {  	s6 =	simm.s32 $0x3680  }
0xdc: {  	[tilespmem:s6], [sflag:$0x1] =	stream.indirect_vreg.gather [hbm4b:s2+s3], $0x80, v3, vm0, $0xb8;
	[tilespmem:$0x14680] =	vst v63  }
0xdd: {  	s26 =	simm.s32 $0x3E80  }
0xde: {  	[tilespmem:s26], [sflag:$0x1] =	stream.indirect_vreg.gather [hbm4b:s4+s3], $0x80, v3, vm0, $0xb8;
	[tilespmem:$0x14680] =	vst v63  }
0xdf: {  	v3 =	vld [tilespmem:$0xC0];
	_ =	sdelay $0x4  }
0xe0: {  	v32 =	vshll.u32 v3, $0x2  }
0xe1: {  	v3 =	vand.u32 $0x7, v3;
	v4 =	vand.u32 $0xFFFFFFE0, v32  }
0xe2: {  	v3 =	vor.u32 v3, v4  }
0xe3: {  	v4 =	vperm.xlane v3, v0;
	_ =	sdelay $0x1  }
0xe4: {  	v4 =	vadd.s32 v1, v4;
	_ =	sdelay $0x1  }
0xe5: {  	v3 =	vperm.xlane v3, v2;
	_ =	sdelay $0x1  }
0xe6: {  	s26 =	simm.s32 $0x4680;
	v3 =	vadd.s32 v1, v3  }
0xe7: {  	[tilespmem:s26], [sflag:$0x1] =	stream.indirect_vreg.gather [hbm4b:s2+s3], $0x80, v4, vm0, $0xb8;
	[tilespmem:$0x14680] =	vst v63  }
0xe8: {  	s29 =	simm.s32 $0x4E80  }
0xe9: {  	[tilespmem:s29], [sflag:$0x1] =	stream.indirect_vreg.gather [hbm4b:s4+s3], $0x80, v4, vm0, $0xb8;
	[tilespmem:$0x14680] =	vst v63  }
0xea: {  	s30 =	simm.s32 $0x5680  }
0xeb: {  	[tilespmem:s30], [sflag:$0x1] =	stream.indirect_vreg.gather [hbm4b:s2+s3], $0x80, v3, vm0, $0xb8;
	[tilespmem:$0x14680] =	vst v63  }
0xec: {  	s31 =	simm.s32 $0x5E80  }
0xed: {  	[tilespmem:s31], [sflag:$0x1] =	stream.indirect_vreg.gather [hbm4b:s4+s3], $0x80, v3, vm0, $0xb8;
	[tilespmem:$0x14680] =	vst v63  }
0xee: {  	v3 =	vld [tilespmem:$0xD0];
	_ =	sdelay $0x4  }
0xef: {  	v33 =	vshll.u32 v3, $0x2  }
0xf0: {  	v3 =	vand.u32 $0x7, v3;
	v4 =	vand.u32 $0xFFFFFFE0, v33  }
0xf1: {  	v3 =	vor.u32 v3, v4  }
0xf2: {  	v4 =	vperm.xlane v3, v0;
	_ =	sdelay $0x1  }
0xf3: {  	v4 =	vadd.s32 v1, v4;
	_ =	sdelay $0x1  }
0xf4: {  	v3 =	vperm.xlane v3, v2;
	_ =	sdelay $0x1  }
0xf5: {  	s31 =	simm.s32 $0x6680;
	v3 =	vadd.s32 v1, v3  }
0xf6: {  	[tilespmem:s31], [sflag:$0x1] =	stream.indirect_vreg.gather [hbm4b:s2+s3], $0x80, v4, vm0, $0xb8;
	[tilespmem:$0x14680] =	vst v63  }
0xf7: {  	s0 =	simm.s32 $0x6E80  }
0xf8: {  	[tilespmem:s0], [sflag:$0x1] =	stream.indirect_vreg.gather [hbm4b:s4+s3], $0x80, v4, vm0, $0xb8;
	[tilespmem:$0x14680] =	vst v63  }
0xf9: {  	s1 =	simm.s32 $0x7680  }
0xfa: {  	[tilespmem:s1], [sflag:$0x1] =	stream.indirect_vreg.gather [hbm4b:s2+s3], $0x80, v3, vm0, $0xb8;
	[tilespmem:$0x14680] =	vst v63  }
0xfb: {  	s8 =	simm.s32 $0x7E80  }
0xfc: {  	[tilespmem:s8], [sflag:$0x1] =	stream.indirect_vreg.gather [hbm4b:s4+s3], $0x80, v3, vm0, $0xb8;
	[tilespmem:$0x14680] =	vst v63  }
0xfd: {  	v3 =	vld [tilespmem:$0xE0];
	_ =	sdelay $0x4  }
0xfe: {  	v34 =	vshll.u32 v3, $0x2  }
0xff: {  	v3 =	vand.u32 $0x7, v3;
	v4 =	vand.u32 $0xFFFFFFE0, v34  }
0x100: {  	v3 =	vor.u32 v3, v4  }
0x101: {  	v4 =	vperm.xlane v3, v0;
	_ =	sdelay $0x1  }
0x102: {  	v4 =	vadd.s32 v1, v4;
	_ =	sdelay $0x1  }
0x103: {  	v3 =	vperm.xlane v3, v2;
	_ =	sdelay $0x1  }
0x104: {  	s5 =	simm.s32 $0x8680;
	v3 =	vadd.s32 v1, v3  }
0x105: {  	[tilespmem:s5], [sflag:$0x1] =	stream.indirect_vreg.gather [hbm4b:s2+s3], $0x80, v4, vm0, $0xb8;
	[tilespmem:$0x14680] =	vst v63  }
0x106: {  	s6 =	simm.s32 $0x8E80  }
0x107: {  	[tilespmem:s6], [sflag:$0x1] =	stream.indirect_vreg.gather [hbm4b:s4+s3], $0x80, v4, vm0, $0xb8;
	[tilespmem:$0x14680] =	vst v63  }
0x108: {  	s7 =	simm.s32 $0x9680  }
0x109: {  	[tilespmem:s7], [sflag:$0x1] =	stream.indirect_vreg.gather [hbm4b:s2+s3], $0x80, v3, vm0, $0xb8;
	[tilespmem:$0x14680] =	vst v63  }
0x10a: {  	s9 =	simm.s32 $0x9E80  }
0x10b: {  	[tilespmem:s9], [sflag:$0x1] =	stream.indirect_vreg.gather [hbm4b:s4+s3], $0x80, v3, vm0, $0xb8;
	[tilespmem:$0x14680] =	vst v63  }
0x10c: {  	_ =	swait.ge [sflag:s21], $0xA000  }
0x10d: {  	[sflag:s21] =	ssyncset.done $0x0  }
0x10e: {  	s20 =	rddreg [dreg:$0x6];
	[sflag:s21] =	ssyncadd.s32 $0xFFFF6000  }
0x10f: {  	[hbm4b:s20+s3] =	stream.linear.scatter [tilespmem:s28], [sflag:$0x2], $0xA000, $0x38;
	[tilespmem:$0x14680] =	vst v63  }
0x110: {  	_ =	swait.ge [sflag:s22], $0xA000  }
0x111: {  	[sflag:s22] =	ssyncset.done $0x0  }
0x112: {  	[sflag:s22] =	ssyncadd.s32 $0xFFFF6000  }
0x113: {  	v3 =	vld [tilespmem:$0xF0];
	_ =	sdelay $0x4  }
0x114: {  	v35 =	vshll.u32 v3, $0x2  }
0x115: {  	v3 =	vand.u32 $0x7, v3;
	v4 =	vand.u32 $0xFFFFFFE0, v35  }
0x116: {  	v3 =	vor.u32 v3, v4  }
0x117: {  	v4 =	vperm.xlane v3, v0;
	_ =	sdelay $0x1  }
0x118: {  	v4 =	vadd.s32 v1, v4;
	_ =	sdelay $0x1  }
0x119: {  	v3 =	vperm.xlane v3, v2;
	_ =	sdelay $0x1  }
0x11a: {  	v3 =	vadd.s32 v1, v3  }
0x11b: {  	[tilespmem:s28], [sflag:$0x1] =	stream.indirect_vreg.gather [hbm4b:s2+s3], $0x80, v4, vm0, $0xb8;
	[tilespmem:$0x14680] =	vst v63  }
0x11c: {  	s20 =	simm.s32 $0xAE80  }
0x11d: {  	[tilespmem:s20], [sflag:$0x1] =	stream.indirect_vreg.gather [hbm4b:s4+s3], $0x80, v4, vm0, $0xb8;
	[tilespmem:$0x14680] =	vst v63  }
0x11e: {  	s16 =	simm.s32 $0xB680  }
0x11f: {  	[tilespmem:s16], [sflag:$0x1] =	stream.indirect_vreg.gather [hbm4b:s2+s3], $0x80, v3, vm0, $0xb8;
	[tilespmem:$0x14680] =	vst v63  }
0x120: {  	s25 =	simm.s32 $0xBE80  }
0x121: {  	[tilespmem:s25], [sflag:$0x1] =	stream.indirect_vreg.gather [hbm4b:s4+s3], $0x80, v3, vm0, $0xb8;
	[tilespmem:$0x14680] =	vst v63  }
0x122: {  	v3 =	vld [tilespmem:$0x100];
	_ =	sdelay $0x4  }
0x123: {  	v36 =	vshll.u32 v3, $0x2  }
0x124: {  	v3 =	vand.u32 $0x7, v3;
	v4 =	vand.u32 $0xFFFFFFE0, v36  }
0x125: {  	v3 =	vor.u32 v3, v4  }
0x126: {  	v4 =	vperm.xlane v3, v0;
	_ =	sdelay $0x1  }
0x127: {  	v4 =	vadd.s32 v1, v4;
	_ =	sdelay $0x1  }
0x128: {  	v3 =	vperm.xlane v3, v2;
	_ =	sdelay $0x1  }
0x129: {  	s11 =	simm.s32 $0xC680;
	v3 =	vadd.s32 v1, v3  }
0x12a: {  	[tilespmem:s11], [sflag:$0x1] =	stream.indirect_vreg.gather [hbm4b:s2+s3], $0x80, v4, vm0, $0xb8;
	[tilespmem:$0x14680] =	vst v63  }
0x12b: {  	s12 =	simm.s32 $0xCE80  }
0x12c: {  	[tilespmem:s12], [sflag:$0x1] =	stream.indirect_vreg.gather [hbm4b:s4+s3], $0x80, v4, vm0, $0xb8;
	[tilespmem:$0x14680] =	vst v63  }
0x12d: {  	s13 =	simm.s32 $0xD680  }
0x12e: {  	[tilespmem:s13], [sflag:$0x1] =	stream.indirect_vreg.gather [hbm4b:s2+s3], $0x80, v3, vm0, $0xb8;
	[tilespmem:$0x14680] =	vst v63  }
0x12f: {  	s17 =	simm.s32 $0xDE80  }
0x130: {  	[tilespmem:s17], [sflag:$0x1] =	stream.indirect_vreg.gather [hbm4b:s4+s3], $0x80, v3, vm0, $0xb8;
	[tilespmem:$0x14680] =	vst v63  }
0x131: {  	v3 =	vld [tilespmem:$0x110];
	_ =	sdelay $0x4  }
0x132: {  	v37 =	vshll.u32 v3, $0x2  }
0x133: {  	v3 =	vand.u32 $0x7, v3;
	v4 =	vand.u32 $0xFFFFFFE0, v37  }
0x134: {  	v3 =	vor.u32 v3, v4  }
0x135: {  	v4 =	vperm.xlane v3, v0;
	_ =	sdelay $0x1  }
0x136: {  	v4 =	vadd.s32 v1, v4;
	_ =	sdelay $0x1  }
0x137: {  	v3 =	vperm.xlane v3, v2;
	_ =	sdelay $0x1  }
0x138: {  	s14 =	simm.s32 $0xE680;
	v3 =	vadd.s32 v1, v3  }
0x139: {  	[tilespmem:s14], [sflag:$0x1] =	stream.indirect_vreg.gather [hbm4b:s2+s3], $0x80, v4, vm0, $0xb8;
	[tilespmem:$0x14680] =	vst v63  }
0x13a: {  	s15 =	simm.s32 $0xEE80  }
0x13b: {  	[tilespmem:s15], [sflag:$0x1] =	stream.indirect_vreg.gather [hbm4b:s4+s3], $0x80, v4, vm0, $0xb8;
	[tilespmem:$0x14680] =	vst v63  }
0x13c: {  	s25 =	simm.s32 $0xF680  }
0x13d: {  	[tilespmem:s25], [sflag:$0x1] =	stream.indirect_vreg.gather [hbm4b:s2+s3], $0x80, v3, vm0, $0xb8;
	[tilespmem:$0x14680] =	vst v63  }
0x13e: {  	s18 =	simm.s32 $0xFE80  }
0x13f: {  	[tilespmem:s18], [sflag:$0x1] =	stream.indirect_vreg.gather [hbm4b:s4+s3], $0x80, v3, vm0, $0xb8;
	[tilespmem:$0x14680] =	vst v63  }
0x140: {  	v3 =	vld [tilespmem:$0x120];
	_ =	sdelay $0x4  }
0x141: {  	v38 =	vshll.u32 v3, $0x2  }
0x142: {  	v3 =	vand.u32 $0x7, v3;
	v4 =	vand.u32 $0xFFFFFFE0, v38  }
0x143: {  	v3 =	vor.u32 v3, v4  }
0x144: {  	v4 =	vperm.xlane v3, v0;
	_ =	sdelay $0x1  }
0x145: {  	v4 =	vadd.s32 v1, v4;
	_ =	sdelay $0x1  }
0x146: {  	v3 =	vperm.xlane v3, v2;
	_ =	sdelay $0x1  }
0x147: {  	s23 =	simm.s32 $0x10680;
	v3 =	vadd.s32 v1, v3  }
0x148: {  	[tilespmem:s23], [sflag:$0x1] =	stream.indirect_vreg.gather [hbm4b:s2+s3], $0x80, v4, vm0, $0xb8;
	[tilespmem:$0x14680] =	vst v63  }
0x149: {  	s25 =	simm.s32 $0x10E80  }
0x14a: {  	[tilespmem:s25], [sflag:$0x1] =	stream.indirect_vreg.gather [hbm4b:s4+s3], $0x80, v4, vm0, $0xb8;
	[tilespmem:$0x14680] =	vst v63  }
0x14b: {  	s23 =	simm.s32 $0x11680  }
0x14c: {  	[tilespmem:s23], [sflag:$0x1] =	stream.indirect_vreg.gather [hbm4b:s2+s3], $0x80, v3, vm0, $0xb8;
	[tilespmem:$0x14680] =	vst v63  }
0x14d: {  	s19 =	simm.s32 $0x11E80  }
0x14e: {  	[tilespmem:s19], [sflag:$0x1] =	stream.indirect_vreg.gather [hbm4b:s4+s3], $0x80, v3, vm0, $0xb8;
	[tilespmem:$0x14680] =	vst v63  }
0x14f: {  	v3 =	vld [tilespmem:$0x130];
	_ =	sdelay $0x4  }
0x150: {  	v39 =	vshll.u32 v3, $0x2  }
0x151: {  	v3 =	vand.u32 $0x7, v3;
	v4 =	vand.u32 $0xFFFFFFE0, v39  }
0x152: {  	v3 =	vor.u32 v3, v4  }
0x153: {  	v4 =	vperm.xlane v3, v0;
	_ =	sdelay $0x1  }
0x154: {  	v4 =	vadd.s32 v1, v4;
	_ =	sdelay $0x1  }
0x155: {  	v3 =	vperm.xlane v3, v2;
	_ =	sdelay $0x1  }
0x156: {  	s23 =	simm.s32 $0x12680;
	v3 =	vadd.s32 v1, v3  }
0x157: {  	[tilespmem:s23], [sflag:$0x1] =	stream.indirect_vreg.gather [hbm4b:s2+s3], $0x80, v4, vm0, $0xb8;
	[tilespmem:$0x14680] =	vst v63  }
0x158: {  	s23 =	simm.s32 $0x12E80  }
0x159: {  	[tilespmem:s23], [sflag:$0x1] =	stream.indirect_vreg.gather [hbm4b:s4+s3], $0x80, v4, vm0, $0xb8;
	[tilespmem:$0x14680] =	vst v63  }
0x15a: {  	s23 =	simm.s32 $0x13680  }
0x15b: {  	[tilespmem:s23], [sflag:$0x1] =	stream.indirect_vreg.gather [hbm4b:s2+s3], $0x80, v3, vm0, $0xb8;
	[tilespmem:$0x14680] =	vst v63  }
0x15c: {  	s24 =	simm.s32 $0x13E80  }
0x15d: {  	[tilespmem:s24], [sflag:$0x1] =	stream.indirect_vreg.gather [hbm4b:s4+s3], $0x80, v3, vm0, $0xb8;
	[tilespmem:$0x14680] =	vst v63  }
0x15e: {  	_ =	swait.ge [sflag:s21], $0xA000  }
0x15f: {  	[sflag:s21] =	ssyncset.done $0x0  }
0x160: {  	s23 =	rddreg [dreg:$0x7];
	[sflag:s21] =	ssyncadd.s32 $0xFFFF6000  }
0x161: {  	[hbm4b:s23+s3] =	stream.linear.scatter [tilespmem:s10], [sflag:$0x2], $0xA000, $0x38;
	[tilespmem:$0x14680] =	vst v63  }
0x162: {  	_ =	swait.ge [sflag:s22], $0xA000  }
0x163: {  	[sflag:s22] =	ssyncset.done $0x0  }
0x164: {  	[sflag:s22] =	ssyncadd.s32 $0xFFFF6000  }
0x165: {  	v3 =	vld [tilespmem:$0x140];
	_ =	sdelay $0x4  }
0x166: {  	v40 =	vshll.u32 v3, $0x2  }
0x167: {  	v3 =	vand.u32 $0x7, v3;
	v4 =	vand.u32 $0xFFFFFFE0, v40  }
0x168: {  	v3 =	vor.u32 v3, v4  }
0x169: {  	v4 =	vperm.xlane v3, v0;
	_ =	sdelay $0x1  }
0x16a: {  	v4 =	vadd.s32 v1, v4;
	_ =	sdelay $0x1  }
0x16b: {  	v3 =	vperm.xlane v3, v2;
	_ =	sdelay $0x1  }
0x16c: {  	v3 =	vadd.s32 v1, v3  }
0x16d: {  	[tilespmem:s10], [sflag:$0x1] =	stream.indirect_vreg.gather [hbm4b:s2+s3], $0x80, v4, vm0, $0xb8;
	[tilespmem:$0x14680] =	vst v63  }
0x16e: {  	s23 =	simm.s32 $0xE80  }
0x16f: {  	[tilespmem:s23], [sflag:$0x1] =	stream.indirect_vreg.gather [hbm4b:s4+s3], $0x80, v4, vm0, $0xb8;
	[tilespmem:$0x14680] =	vst v63  }
0x170: {  	s23 =	simm.s32 $0x1680  }
0x171: {  	[tilespmem:s23], [sflag:$0x1] =	stream.indirect_vreg.gather [hbm4b:s2+s3], $0x80, v3, vm0, $0xb8;
	[tilespmem:$0x14680] =	vst v63  }
0x172: {  	s23 =	simm.s32 $0x1E80  }
0x173: {  	[tilespmem:s23], [sflag:$0x1] =	stream.indirect_vreg.gather [hbm4b:s4+s3], $0x80, v3, vm0, $0xb8;
	[tilespmem:$0x14680] =	vst v63  }
0x174: {  	v3 =	vld [tilespmem:$0x150];
	_ =	sdelay $0x4  }
0x175: {  	v41 =	vshll.u32 v3, $0x2  }
0x176: {  	v3 =	vand.u32 $0x7, v3;
	v4 =	vand.u32 $0xFFFFFFE0, v41  }
0x177: {  	v3 =	vor.u32 v3, v4  }
0x178: {  	v4 =	vperm.xlane v3, v0;
	_ =	sdelay $0x1  }
0x179: {  	v4 =	vadd.s32 v1, v4;
	_ =	sdelay $0x1  }
0x17a: {  	v3 =	vperm.xlane v3, v2;
	_ =	sdelay $0x1  }
0x17b: {  	s23 =	simm.s32 $0x2680;
	v3 =	vadd.s32 v1, v3  }
0x17c: {  	[tilespmem:s23], [sflag:$0x1] =	stream.indirect_vreg.gather [hbm4b:s2+s3], $0x80, v4, vm0, $0xb8;
	[tilespmem:$0x14680] =	vst v63  }
0x17d: {  	s23 =	simm.s32 $0x2E80  }
0x17e: {  	[tilespmem:s23], [sflag:$0x1] =	stream.indirect_vreg.gather [hbm4b:s4+s3], $0x80, v4, vm0, $0xb8;
	[tilespmem:$0x14680] =	vst v63  }
0x17f: {  	s23 =	simm.s32 $0x3680  }
0x180: {  	[tilespmem:s23], [sflag:$0x1] =	stream.indirect_vreg.gather [hbm4b:s2+s3], $0x80, v3, vm0, $0xb8;
	[tilespmem:$0x14680] =	vst v63  }
0x181: {  	s23 =	simm.s32 $0x3E80  }
0x182: {  	[tilespmem:s23], [sflag:$0x1] =	stream.indirect_vreg.gather [hbm4b:s4+s3], $0x80, v3, vm0, $0xb8;
	[tilespmem:$0x14680] =	vst v63  }
0x183: {  	v3 =	vld [tilespmem:$0x160];
	_ =	sdelay $0x4  }
0x184: {  	v42 =	vshll.u32 v3, $0x2  }
0x185: {  	v3 =	vand.u32 $0x7, v3;
	v4 =	vand.u32 $0xFFFFFFE0, v42  }
0x186: {  	v3 =	vor.u32 v3, v4  }
0x187: {  	v4 =	vperm.xlane v3, v0;
	_ =	sdelay $0x1  }
0x188: {  	v4 =	vadd.s32 v1, v4;
	_ =	sdelay $0x1  }
0x189: {  	v3 =	vperm.xlane v3, v2;
	_ =	sdelay $0x1  }
0x18a: {  	v3 =	vadd.s32 v1, v3  }
0x18b: {  	[tilespmem:s26], [sflag:$0x1] =	stream.indirect_vreg.gather [hbm4b:s2+s3], $0x80, v4, vm0, $0xb8;
	[tilespmem:$0x14680] =	vst v63  }
0x18c: {  	_ = 	snop  }
0x18d: {  	[tilespmem:s29], [sflag:$0x1] =	stream.indirect_vreg.gather [hbm4b:s4+s3], $0x80, v4, vm0, $0xb8;
	[tilespmem:$0x14680] =	vst v63  }
0x18e: {  	_ = 	snop  }
0x18f: {  	[tilespmem:s30], [sflag:$0x1] =	stream.indirect_vreg.gather [hbm4b:s2+s3], $0x80, v3, vm0, $0xb8;
	[tilespmem:$0x14680] =	vst v63  }
0x190: {  	s23 =	simm.s32 $0x5E80  }
0x191: {  	[tilespmem:s23], [sflag:$0x1] =	stream.indirect_vreg.gather [hbm4b:s4+s3], $0x80, v3, vm0, $0xb8;
	[tilespmem:$0x14680] =	vst v63  }
0x192: {  	v3 =	vld [tilespmem:$0x170];
	_ =	sdelay $0x4  }
0x193: {  	v43 =	vshll.u32 v3, $0x2  }
0x194: {  	v3 =	vand.u32 $0x7, v3;
	v4 =	vand.u32 $0xFFFFFFE0, v43  }
0x195: {  	v3 =	vor.u32 v3, v4  }
0x196: {  	v4 =	vperm.xlane v3, v0;
	_ =	sdelay $0x1  }
0x197: {  	v4 =	vadd.s32 v1, v4;
	_ =	sdelay $0x1  }
0x198: {  	v3 =	vperm.xlane v3, v2;
	_ =	sdelay $0x1  }
0x199: {  	v3 =	vadd.s32 v1, v3  }
0x19a: {  	[tilespmem:s31], [sflag:$0x1] =	stream.indirect_vreg.gather [hbm4b:s2+s3], $0x80, v4, vm0, $0xb8;
	[tilespmem:$0x14680] =	vst v63  }
0x19b: {  	_ = 	snop  }
0x19c: {  	[tilespmem:s0], [sflag:$0x1] =	stream.indirect_vreg.gather [hbm4b:s4+s3], $0x80, v4, vm0, $0xb8;
	[tilespmem:$0x14680] =	vst v63  }
0x19d: {  	_ = 	snop  }
0x19e: {  	[tilespmem:s1], [sflag:$0x1] =	stream.indirect_vreg.gather [hbm4b:s2+s3], $0x80, v3, vm0, $0xb8;
	[tilespmem:$0x14680] =	vst v63  }
0x19f: {  	_ = 	snop  }
0x1a0: {  	[tilespmem:s8], [sflag:$0x1] =	stream.indirect_vreg.gather [hbm4b:s4+s3], $0x80, v3, vm0, $0xb8;
	[tilespmem:$0x14680] =	vst v63  }
0x1a1: {  	v3 =	vld [tilespmem:$0x180];
	_ =	sdelay $0x4  }
0x1a2: {  	v44 =	vshll.u32 v3, $0x2  }
0x1a3: {  	v3 =	vand.u32 $0x7, v3;
	v4 =	vand.u32 $0xFFFFFFE0, v44  }
0x1a4: {  	v3 =	vor.u32 v3, v4  }
0x1a5: {  	v4 =	vperm.xlane v3, v0;
	_ =	sdelay $0x1  }
0x1a6: {  	v4 =	vadd.s32 v1, v4;
	_ =	sdelay $0x1  }
0x1a7: {  	v3 =	vperm.xlane v3, v2;
	_ =	sdelay $0x1  }
0x1a8: {  	v3 =	vadd.s32 v1, v3  }
0x1a9: {  	[tilespmem:s5], [sflag:$0x1] =	stream.indirect_vreg.gather [hbm4b:s2+s3], $0x80, v4, vm0, $0xb8;
	[tilespmem:$0x14680] =	vst v63  }
0x1aa: {  	_ = 	snop  }
0x1ab: {  	[tilespmem:s6], [sflag:$0x1] =	stream.indirect_vreg.gather [hbm4b:s4+s3], $0x80, v4, vm0, $0xb8;
	[tilespmem:$0x14680] =	vst v63  }
0x1ac: {  	_ = 	snop  }
0x1ad: {  	[tilespmem:s7], [sflag:$0x1] =	stream.indirect_vreg.gather [hbm4b:s2+s3], $0x80, v3, vm0, $0xb8;
	[tilespmem:$0x14680] =	vst v63  }
0x1ae: {  	_ = 	snop  }
0x1af: {  	[tilespmem:s9], [sflag:$0x1] =	stream.indirect_vreg.gather [hbm4b:s4+s3], $0x80, v3, vm0, $0xb8;
	[tilespmem:$0x14680] =	vst v63  }
0x1b0: {  	_ =	swait.ge [sflag:s21], $0xA000  }
0x1b1: {  	[sflag:s21] =	ssyncset.done $0x0  }
0x1b2: {  	s0 =	rddreg [dreg:$0x8];
	[sflag:s21] =	ssyncadd.s32 $0xFFFF6000  }
0x1b3: {  	[hbm4b:s0+s3] =	stream.linear.scatter [tilespmem:s28], [sflag:$0x2], $0xA000, $0x38;
	[tilespmem:$0x14680] =	vst v63  }
0x1b4: {  	_ =	swait.ge [sflag:s22], $0xA000  }
0x1b5: {  	[sflag:s22] =	ssyncset.done $0x0  }
0x1b6: {  	[sflag:s22] =	ssyncadd.s32 $0xFFFF6000  }
0x1b7: {  	v3 =	vld [tilespmem:$0x190];
	_ =	sdelay $0x4  }
0x1b8: {  	v45 =	vshll.u32 v3, $0x2  }
0x1b9: {  	v3 =	vand.u32 $0x7, v3;
	v4 =	vand.u32 $0xFFFFFFE0, v45  }
0x1ba: {  	v3 =	vor.u32 v3, v4  }
0x1bb: {  	v4 =	vperm.xlane v3, v0;
	_ =	sdelay $0x1  }
0x1bc: {  	v4 =	vadd.s32 v1, v4;
	_ =	sdelay $0x1  }
0x1bd: {  	v3 =	vperm.xlane v3, v2;
	_ =	sdelay $0x1  }
0x1be: {  	v3 =	vadd.s32 v1, v3  }
0x1bf: {  	[tilespmem:s28], [sflag:$0x1] =	stream.indirect_vreg.gather [hbm4b:s2+s3], $0x80, v4, vm0, $0xb8;
	[tilespmem:$0x14680] =	vst v63  }
0x1c0: {  	_ = 	snop  }
0x1c1: {  	[tilespmem:s20], [sflag:$0x1] =	stream.indirect_vreg.gather [hbm4b:s4+s3], $0x80, v4, vm0, $0xb8;
	[tilespmem:$0x14680] =	vst v63  }
0x1c2: {  	_ = 	snop  }
0x1c3: {  	[tilespmem:s16], [sflag:$0x1] =	stream.indirect_vreg.gather [hbm4b:s2+s3], $0x80, v3, vm0, $0xb8;
	[tilespmem:$0x14680] =	vst v63  }
0x1c4: {  	s23 =	simm.s32 $0xBE80  }
0x1c5: {  	[tilespmem:s23], [sflag:$0x1] =	stream.indirect_vreg.gather [hbm4b:s4+s3], $0x80, v3, vm0, $0xb8;
	[tilespmem:$0x14680] =	vst v63  }
0x1c6: {  	v3 =	vld [tilespmem:$0x1A0];
	_ =	sdelay $0x4  }
0x1c7: {  	v46 =	vshll.u32 v3, $0x2  }
0x1c8: {  	v3 =	vand.u32 $0x7, v3;
	v4 =	vand.u32 $0xFFFFFFE0, v46  }
0x1c9: {  	v3 =	vor.u32 v3, v4  }
0x1ca: {  	v4 =	vperm.xlane v3, v0;
	_ =	sdelay $0x1  }
0x1cb: {  	v4 =	vadd.s32 v1, v4;
	_ =	sdelay $0x1  }
0x1cc: {  	v3 =	vperm.xlane v3, v2;
	_ =	sdelay $0x1  }
0x1cd: {  	s11 =	simm.s32 $0xC680;
	v3 =	vadd.s32 v1, v3  }
0x1ce: {  	[tilespmem:s11], [sflag:$0x1] =	stream.indirect_vreg.gather [hbm4b:s2+s3], $0x80, v4, vm0, $0xb8;
	[tilespmem:$0x14680] =	vst v63  }
0x1cf: {  	s12 =	simm.s32 $0xCE80  }
0x1d0: {  	[tilespmem:s12], [sflag:$0x1] =	stream.indirect_vreg.gather [hbm4b:s4+s3], $0x80, v4, vm0, $0xb8;
	[tilespmem:$0x14680] =	vst v63  }
0x1d1: {  	s13 =	simm.s32 $0xD680  }
0x1d2: {  	[tilespmem:s13], [sflag:$0x1] =	stream.indirect_vreg.gather [hbm4b:s2+s3], $0x80, v3, vm0, $0xb8;
	[tilespmem:$0x14680] =	vst v63  }
0x1d3: {  	s23 =	simm.s32 $0xDE80  }
0x1d4: {  	[tilespmem:s23], [sflag:$0x1] =	stream.indirect_vreg.gather [hbm4b:s4+s3], $0x80, v3, vm0, $0xb8;
	[tilespmem:$0x14680] =	vst v63  }
0x1d5: {  	v3 =	vld [tilespmem:$0x1B0];
	_ =	sdelay $0x4  }
0x1d6: {  	v47 =	vshll.u32 v3, $0x2  }
0x1d7: {  	v3 =	vand.u32 $0x7, v3;
	v4 =	vand.u32 $0xFFFFFFE0, v47  }
0x1d8: {  	v3 =	vor.u32 v3, v4  }
0x1d9: {  	v4 =	vperm.xlane v3, v0;
	_ =	sdelay $0x1  }
0x1da: {  	v4 =	vadd.s32 v1, v4;
	_ =	sdelay $0x1  }
0x1db: {  	v3 =	vperm.xlane v3, v2;
	_ =	sdelay $0x1  }
0x1dc: {  	s14 =	simm.s32 $0xE680;
	v3 =	vadd.s32 v1, v3  }
0x1dd: {  	[tilespmem:s14], [sflag:$0x1] =	stream.indirect_vreg.gather [hbm4b:s2+s3], $0x80, v4, vm0, $0xb8;
	[tilespmem:$0x14680] =	vst v63  }
0x1de: {  	s15 =	simm.s32 $0xEE80  }
0x1df: {  	[tilespmem:s15], [sflag:$0x1] =	stream.indirect_vreg.gather [hbm4b:s4+s3], $0x80, v4, vm0, $0xb8;
	[tilespmem:$0x14680] =	vst v63  }
0x1e0: {  	s17 =	simm.s32 $0xF680  }
0x1e1: {  	[tilespmem:s17], [sflag:$0x1] =	stream.indirect_vreg.gather [hbm4b:s2+s3], $0x80, v3, vm0, $0xb8;
	[tilespmem:$0x14680] =	vst v63  }
0x1e2: {  	s23 =	simm.s32 $0xFE80  }
0x1e3: {  	[tilespmem:s23], [sflag:$0x1] =	stream.indirect_vreg.gather [hbm4b:s4+s3], $0x80, v3, vm0, $0xb8;
	[tilespmem:$0x14680] =	vst v63  }
0x1e4: {  	v3 =	vld [tilespmem:$0x1C0];
	_ =	sdelay $0x4  }
0x1e5: {  	v48 =	vshll.u32 v3, $0x2  }
0x1e6: {  	v3 =	vand.u32 $0x7, v3;
	v4 =	vand.u32 $0xFFFFFFE0, v48  }
0x1e7: {  	v3 =	vor.u32 v3, v4  }
0x1e8: {  	v4 =	vperm.xlane v3, v0;
	_ =	sdelay $0x1  }
0x1e9: {  	v4 =	vadd.s32 v1, v4;
	_ =	sdelay $0x1  }
0x1ea: {  	v3 =	vperm.xlane v3, v2;
	_ =	sdelay $0x1  }
0x1eb: {  	s18 =	simm.s32 $0x10680;
	v3 =	vadd.s32 v1, v3  }
0x1ec: {  	[tilespmem:s18], [sflag:$0x1] =	stream.indirect_vreg.gather [hbm4b:s2+s3], $0x80, v4, vm0, $0xb8;
	[tilespmem:$0x14680] =	vst v63  }
0x1ed: {  	s25 =	simm.s32 $0x10E80  }
0x1ee: {  	[tilespmem:s25], [sflag:$0x1] =	stream.indirect_vreg.gather [hbm4b:s4+s3], $0x80, v4, vm0, $0xb8;
	[tilespmem:$0x14680] =	vst v63  }
0x1ef: {  	s25 =	simm.s32 $0x11680  }
0x1f0: {  	[tilespmem:s25], [sflag:$0x1] =	stream.indirect_vreg.gather [hbm4b:s2+s3], $0x80, v3, vm0, $0xb8;
	[tilespmem:$0x14680] =	vst v63  }
0x1f1: {  	s23 =	simm.s32 $0x11E80  }
0x1f2: {  	[tilespmem:s23], [sflag:$0x1] =	stream.indirect_vreg.gather [hbm4b:s4+s3], $0x80, v3, vm0, $0xb8;
	[tilespmem:$0x14680] =	vst v63  }
0x1f3: {  	v3 =	vld [tilespmem:$0x1D0];
	_ =	sdelay $0x4  }
0x1f4: {  	v49 =	vshll.u32 v3, $0x2  }
0x1f5: {  	v3 =	vand.u32 $0x7, v3;
	v4 =	vand.u32 $0xFFFFFFE0, v49  }
0x1f6: {  	v3 =	vor.u32 v3, v4  }
0x1f7: {  	v4 =	vperm.xlane v3, v0;
	_ =	sdelay $0x1  }
0x1f8: {  	v4 =	vadd.s32 v1, v4;
	_ =	sdelay $0x1  }
0x1f9: {  	v3 =	vperm.xlane v3, v2;
	_ =	sdelay $0x1  }
0x1fa: {  	s19 =	simm.s32 $0x12680;
	v3 =	vadd.s32 v1, v3  }
0x1fb: {  	[tilespmem:s19], [sflag:$0x1] =	stream.indirect_vreg.gather [hbm4b:s2+s3], $0x80, v4, vm0, $0xb8;
	[tilespmem:$0x14680] =	vst v63  }
0x1fc: {  	s23 =	simm.s32 $0x12E80  }
0x1fd: {  	[tilespmem:s23], [sflag:$0x1] =	stream.indirect_vreg.gather [hbm4b:s4+s3], $0x80, v4, vm0, $0xb8;
	[tilespmem:$0x14680] =	vst v63  }
0x1fe: {  	s23 =	simm.s32 $0x13680  }
0x1ff: {  	[tilespmem:s23], [sflag:$0x1] =	stream.indirect_vreg.gather [hbm4b:s2+s3], $0x80, v3, vm0, $0xb8;
	[tilespmem:$0x14680] =	vst v63  }
0x200: {  	s24 =	simm.s32 $0x13E80  }
0x201: {  	[tilespmem:s24], [sflag:$0x1] =	stream.indirect_vreg.gather [hbm4b:s4+s3], $0x80, v3, vm0, $0xb8;
	[tilespmem:$0x14680] =	vst v63  }
0x202: {  	_ =	swait.ge [sflag:s21], $0xA000  }
0x203: {  	[sflag:s21] =	ssyncset.done $0x0  }
0x204: {  	s23 =	rddreg [dreg:$0x9];
	[sflag:s21] =	ssyncadd.s32 $0xFFFF6000  }
0x205: {  	[hbm4b:s23+s3] =	stream.linear.scatter [tilespmem:s10], [sflag:$0x2], $0xA000, $0x38;
	[tilespmem:$0x14680] =	vst v63  }
0x206: {  	_ =	swait.ge [sflag:s22], $0xA000  }
0x207: {  	[sflag:s22] =	ssyncset.done $0x0  }
0x208: {  	[sflag:s22] =	ssyncadd.s32 $0xFFFF6000  }
0x209: {  	v3 =	vld [tilespmem:$0x1E0];
	_ =	sdelay $0x4  }
0x20a: {  	v50 =	vshll.u32 v3, $0x2  }
0x20b: {  	v3 =	vand.u32 $0x7, v3;
	v4 =	vand.u32 $0xFFFFFFE0, v50  }
0x20c: {  	v3 =	vor.u32 v3, v4  }
0x20d: {  	v4 =	vperm.xlane v3, v0;
	_ =	sdelay $0x1  }
0x20e: {  	v4 =	vadd.s32 v1, v4;
	_ =	sdelay $0x1  }
0x20f: {  	v3 =	vperm.xlane v3, v2;
	_ =	sdelay $0x1  }
0x210: {  	v3 =	vadd.s32 v1, v3  }
0x211: {  	[tilespmem:s10], [sflag:$0x1] =	stream.indirect_vreg.gather [hbm4b:s2+s3], $0x80, v4, vm0, $0xb8;
	[tilespmem:$0x14680] =	vst v63  }
0x212: {  	s23 =	simm.s32 $0xE80  }
0x213: {  	[tilespmem:s23], [sflag:$0x1] =	stream.indirect_vreg.gather [hbm4b:s4+s3], $0x80, v4, vm0, $0xb8;
	[tilespmem:$0x14680] =	vst v63  }
0x214: {  	s23 =	simm.s32 $0x1680  }
0x215: {  	[tilespmem:s23], [sflag:$0x1] =	stream.indirect_vreg.gather [hbm4b:s2+s3], $0x80, v3, vm0, $0xb8;
	[tilespmem:$0x14680] =	vst v63  }
0x216: {  	s23 =	simm.s32 $0x1E80  }
0x217: {  	[tilespmem:s23], [sflag:$0x1] =	stream.indirect_vreg.gather [hbm4b:s4+s3], $0x80, v3, vm0, $0xb8;
	[tilespmem:$0x14680] =	vst v63  }
0x218: {  	v3 =	vld [tilespmem:$0x1F0];
	_ =	sdelay $0x4  }
0x219: {  	v51 =	vshll.u32 v3, $0x2  }
0x21a: {  	v3 =	vand.u32 $0x7, v3;
	v4 =	vand.u32 $0xFFFFFFE0, v51  }
0x21b: {  	v3 =	vor.u32 v3, v4  }
0x21c: {  	v4 =	vperm.xlane v3, v0;
	_ =	sdelay $0x1  }
0x21d: {  	v4 =	vadd.s32 v1, v4;
	_ =	sdelay $0x1  }
0x21e: {  	v3 =	vperm.xlane v3, v2;
	_ =	sdelay $0x1  }
0x21f: {  	s23 =	simm.s32 $0x2680;
	v3 =	vadd.s32 v1, v3  }
0x220: {  	[tilespmem:s23], [sflag:$0x1] =	stream.indirect_vreg.gather [hbm4b:s2+s3], $0x80, v4, vm0, $0xb8;
	[tilespmem:$0x14680] =	vst v63  }
0x221: {  	s23 =	simm.s32 $0x2E80  }
0x222: {  	[tilespmem:s23], [sflag:$0x1] =	stream.indirect_vreg.gather [hbm4b:s4+s3], $0x80, v4, vm0, $0xb8;
	[tilespmem:$0x14680] =	vst v63  }
0x223: {  	s23 =	simm.s32 $0x3680  }
0x224: {  	[tilespmem:s23], [sflag:$0x1] =	stream.indirect_vreg.gather [hbm4b:s2+s3], $0x80, v3, vm0, $0xb8;
	[tilespmem:$0x14680] =	vst v63  }
0x225: {  	s23 =	simm.s32 $0x3E80  }
0x226: {  	[tilespmem:s23], [sflag:$0x1] =	stream.indirect_vreg.gather [hbm4b:s4+s3], $0x80, v3, vm0, $0xb8;
	[tilespmem:$0x14680] =	vst v63  }
0x227: {  	v3 =	vld [tilespmem:$0x200];
	_ =	sdelay $0x4  }
0x228: {  	v52 =	vshll.u32 v3, $0x2  }
0x229: {  	v3 =	vand.u32 $0x7, v3;
	v4 =	vand.u32 $0xFFFFFFE0, v52  }
0x22a: {  	v3 =	vor.u32 v3, v4  }
0x22b: {  	v4 =	vperm.xlane v3, v0;
	_ =	sdelay $0x1  }
0x22c: {  	v4 =	vadd.s32 v1, v4;
	_ =	sdelay $0x1  }
0x22d: {  	v3 =	vperm.xlane v3, v2;
	_ =	sdelay $0x1  }
0x22e: {  	s26 =	simm.s32 $0x4680;
	v3 =	vadd.s32 v1, v3  }
0x22f: {  	[tilespmem:s26], [sflag:$0x1] =	stream.indirect_vreg.gather [hbm4b:s2+s3], $0x80, v4, vm0, $0xb8;
	[tilespmem:$0x14680] =	vst v63  }
0x230: {  	s29 =	simm.s32 $0x4E80  }
0x231: {  	[tilespmem:s29], [sflag:$0x1] =	stream.indirect_vreg.gather [hbm4b:s4+s3], $0x80, v4, vm0, $0xb8;
	[tilespmem:$0x14680] =	vst v63  }
0x232: {  	s30 =	simm.s32 $0x5680  }
0x233: {  	[tilespmem:s30], [sflag:$0x1] =	stream.indirect_vreg.gather [hbm4b:s2+s3], $0x80, v3, vm0, $0xb8;
	[tilespmem:$0x14680] =	vst v63  }
0x234: {  	s23 =	simm.s32 $0x5E80  }
0x235: {  	[tilespmem:s23], [sflag:$0x1] =	stream.indirect_vreg.gather [hbm4b:s4+s3], $0x80, v3, vm0, $0xb8;
	[tilespmem:$0x14680] =	vst v63  }
0x236: {  	v3 =	vld [tilespmem:$0x210];
	_ =	sdelay $0x4  }
0x237: {  	v53 =	vshll.u32 v3, $0x2  }
0x238: {  	v3 =	vand.u32 $0x7, v3;
	v4 =	vand.u32 $0xFFFFFFE0, v53  }
0x239: {  	v3 =	vor.u32 v3, v4  }
0x23a: {  	v4 =	vperm.xlane v3, v0;
	_ =	sdelay $0x1  }
0x23b: {  	v4 =	vadd.s32 v1, v4;
	_ =	sdelay $0x1  }
0x23c: {  	v3 =	vperm.xlane v3, v2;
	_ =	sdelay $0x1  }
0x23d: {  	s31 =	simm.s32 $0x6680;
	v3 =	vadd.s32 v1, v3  }
0x23e: {  	[tilespmem:s31], [sflag:$0x1] =	stream.indirect_vreg.gather [hbm4b:s2+s3], $0x80, v4, vm0, $0xb8;
	[tilespmem:$0x14680] =	vst v63  }
0x23f: {  	s23 =	simm.s32 $0x6E80  }
0x240: {  	[tilespmem:s23], [sflag:$0x1] =	stream.indirect_vreg.gather [hbm4b:s4+s3], $0x80, v4, vm0, $0xb8;
	[tilespmem:$0x14680] =	vst v63  }
0x241: {  	s1 =	simm.s32 $0x7680  }
0x242: {  	[tilespmem:s1], [sflag:$0x1] =	stream.indirect_vreg.gather [hbm4b:s2+s3], $0x80, v3, vm0, $0xb8;
	[tilespmem:$0x14680] =	vst v63  }
0x243: {  	s8 =	simm.s32 $0x7E80  }
0x244: {  	[tilespmem:s8], [sflag:$0x1] =	stream.indirect_vreg.gather [hbm4b:s4+s3], $0x80, v3, vm0, $0xb8;
	[tilespmem:$0x14680] =	vst v63  }
0x245: {  	v3 =	vld [tilespmem:$0x220];
	_ =	sdelay $0x4  }
0x246: {  	v54 =	vshll.u32 v3, $0x2  }
0x247: {  	v3 =	vand.u32 $0x7, v3;
	v4 =	vand.u32 $0xFFFFFFE0, v54  }
0x248: {  	v3 =	vor.u32 v3, v4  }
0x249: {  	v4 =	vperm.xlane v3, v0;
	_ =	sdelay $0x1  }
0x24a: {  	v4 =	vadd.s32 v1, v4;
	_ =	sdelay $0x1  }
0x24b: {  	v3 =	vperm.xlane v3, v2;
	_ =	sdelay $0x1  }
0x24c: {  	s5 =	simm.s32 $0x8680;
	v3 =	vadd.s32 v1, v3  }
0x24d: {  	[tilespmem:s5], [sflag:$0x1] =	stream.indirect_vreg.gather [hbm4b:s2+s3], $0x80, v4, vm0, $0xb8;
	[tilespmem:$0x14680] =	vst v63  }
0x24e: {  	s6 =	simm.s32 $0x8E80  }
0x24f: {  	[tilespmem:s6], [sflag:$0x1] =	stream.indirect_vreg.gather [hbm4b:s4+s3], $0x80, v4, vm0, $0xb8;
	[tilespmem:$0x14680] =	vst v63  }
0x250: {  	s7 =	simm.s32 $0x9680  }
0x251: {  	[tilespmem:s7], [sflag:$0x1] =	stream.indirect_vreg.gather [hbm4b:s2+s3], $0x80, v3, vm0, $0xb8;
	[tilespmem:$0x14680] =	vst v63  }
0x252: {  	s9 =	simm.s32 $0x9E80  }
0x253: {  	[tilespmem:s9], [sflag:$0x1] =	stream.indirect_vreg.gather [hbm4b:s4+s3], $0x80, v3, vm0, $0xb8;
	[tilespmem:$0x14680] =	vst v63  }
0x254: {  	_ =	swait.ge [sflag:s21], $0xA000  }
0x255: {  	[sflag:s21] =	ssyncset.done $0x0  }
0x256: {  	s23 =	rddreg [dreg:$0xa];
	[sflag:s21] =	ssyncadd.s32 $0xFFFF6000  }
0x257: {  	[hbm4b:s23+s3] =	stream.linear.scatter [tilespmem:s28], [sflag:$0x2], $0xA000, $0x38;
	[tilespmem:$0x14680] =	vst v63  }
0x258: {  	_ =	swait.ge [sflag:s22], $0xA000  }
0x259: {  	[sflag:s22] =	ssyncset.done $0x0  }
0x25a: {  	[sflag:s22] =	ssyncadd.s32 $0xFFFF6000  }
0x25b: {  	v3 =	vld [tilespmem:$0x230];
	_ =	sdelay $0x4  }
0x25c: {  	v55 =	vshll.u32 v3, $0x2  }
0x25d: {  	v3 =	vand.u32 $0x7, v3;
	v4 =	vand.u32 $0xFFFFFFE0, v55  }
0x25e: {  	v3 =	vor.u32 v3, v4  }
0x25f: {  	v4 =	vperm.xlane v3, v0;
	_ =	sdelay $0x1  }
0x260: {  	v4 =	vadd.s32 v1, v4;
	_ =	sdelay $0x1  }
0x261: {  	v3 =	vperm.xlane v3, v2;
	_ =	sdelay $0x1  }
0x262: {  	v3 =	vadd.s32 v1, v3  }
0x263: {  	[tilespmem:s28], [sflag:$0x1] =	stream.indirect_vreg.gather [hbm4b:s2+s3], $0x80, v4, vm0, $0xb8;
	[tilespmem:$0x14680] =	vst v63  }
0x264: {  	s0 =	simm.s32 $0xAE80  }
0x265: {  	[tilespmem:s0], [sflag:$0x1] =	stream.indirect_vreg.gather [hbm4b:s4+s3], $0x80, v4, vm0, $0xb8;
	[tilespmem:$0x14680] =	vst v63  }
0x266: {  	s20 =	simm.s32 $0xB680  }
0x267: {  	[tilespmem:s20], [sflag:$0x1] =	stream.indirect_vreg.gather [hbm4b:s2+s3], $0x80, v3, vm0, $0xb8;
	[tilespmem:$0x14680] =	vst v63  }
0x268: {  	s23 =	simm.s32 $0xBE80  }
0x269: {  	[tilespmem:s23], [sflag:$0x1] =	stream.indirect_vreg.gather [hbm4b:s4+s3], $0x80, v3, vm0, $0xb8;
	[tilespmem:$0x14680] =	vst v63  }
0x26a: {  	v3 =	vld [tilespmem:$0x240];
	_ =	sdelay $0x4  }
0x26b: {  	v56 =	vshll.u32 v3, $0x2  }
0x26c: {  	v3 =	vand.u32 $0x7, v3;
	v4 =	vand.u32 $0xFFFFFFE0, v56  }
0x26d: {  	v3 =	vor.u32 v3, v4  }
0x26e: {  	v4 =	vperm.xlane v3, v0;
	_ =	sdelay $0x1  }
0x26f: {  	v4 =	vadd.s32 v1, v4;
	_ =	sdelay $0x1  }
0x270: {  	v3 =	vperm.xlane v3, v2;
	_ =	sdelay $0x1  }
0x271: {  	s11 =	simm.s32 $0xC680;
	v3 =	vadd.s32 v1, v3  }
0x272: {  	[tilespmem:s11], [sflag:$0x1] =	stream.indirect_vreg.gather [hbm4b:s2+s3], $0x80, v4, vm0, $0xb8;
	[tilespmem:$0x14680] =	vst v63  }
0x273: {  	s12 =	simm.s32 $0xCE80  }
0x274: {  	[tilespmem:s12], [sflag:$0x1] =	stream.indirect_vreg.gather [hbm4b:s4+s3], $0x80, v4, vm0, $0xb8;
	[tilespmem:$0x14680] =	vst v63  }
0x275: {  	s13 =	simm.s32 $0xD680  }
0x276: {  	[tilespmem:s13], [sflag:$0x1] =	stream.indirect_vreg.gather [hbm4b:s2+s3], $0x80, v3, vm0, $0xb8;
	[tilespmem:$0x14680] =	vst v63  }
0x277: {  	s23 =	simm.s32 $0xDE80  }
0x278: {  	[tilespmem:s23], [sflag:$0x1] =	stream.indirect_vreg.gather [hbm4b:s4+s3], $0x80, v3, vm0, $0xb8;
	[tilespmem:$0x14680] =	vst v63  }
0x279: {  	v3 =	vld [tilespmem:$0x250];
	_ =	sdelay $0x4  }
0x27a: {  	v57 =	vshll.u32 v3, $0x2  }
0x27b: {  	v3 =	vand.u32 $0x7, v3;
	v4 =	vand.u32 $0xFFFFFFE0, v57  }
0x27c: {  	v3 =	vor.u32 v3, v4  }
0x27d: {  	v4 =	vperm.xlane v3, v0;
	_ =	sdelay $0x1  }
0x27e: {  	v4 =	vadd.s32 v1, v4;
	_ =	sdelay $0x1  }
0x27f: {  	v3 =	vperm.xlane v3, v2;
	_ =	sdelay $0x1  }
0x280: {  	s14 =	simm.s32 $0xE680;
	v3 =	vadd.s32 v1, v3  }
0x281: {  	[tilespmem:s14], [sflag:$0x1] =	stream.indirect_vreg.gather [hbm4b:s2+s3], $0x80, v4, vm0, $0xb8;
	[tilespmem:$0x14680] =	vst v63  }
0x282: {  	s15 =	simm.s32 $0xEE80  }
0x283: {  	[tilespmem:s15], [sflag:$0x1] =	stream.indirect_vreg.gather [hbm4b:s4+s3], $0x80, v4, vm0, $0xb8;
	[tilespmem:$0x14680] =	vst v63  }
0x284: {  	s16 =	simm.s32 $0xF680  }
0x285: {  	[tilespmem:s16], [sflag:$0x1] =	stream.indirect_vreg.gather [hbm4b:s2+s3], $0x80, v3, vm0, $0xb8;
	[tilespmem:$0x14680] =	vst v63  }
0x286: {  	s23 =	simm.s32 $0xFE80  }
0x287: {  	[tilespmem:s23], [sflag:$0x1] =	stream.indirect_vreg.gather [hbm4b:s4+s3], $0x80, v3, vm0, $0xb8;
	[tilespmem:$0x14680] =	vst v63  }
0x288: {  	v3 =	vld [tilespmem:$0x260];
	_ =	sdelay $0x4  }
0x289: {  	v58 =	vshll.u32 v3, $0x2  }
0x28a: {  	v3 =	vand.u32 $0x7, v3;
	v4 =	vand.u32 $0xFFFFFFE0, v58  }
0x28b: {  	v3 =	vor.u32 v3, v4  }
0x28c: {  	v4 =	vperm.xlane v3, v0;
	_ =	sdelay $0x1  }
0x28d: {  	v4 =	vadd.s32 v1, v4;
	_ =	sdelay $0x1  }
0x28e: {  	v3 =	vperm.xlane v3, v2;
	_ =	sdelay $0x1  }
0x28f: {  	s17 =	simm.s32 $0x10680;
	v3 =	vadd.s32 v1, v3  }
0x290: {  	[tilespmem:s17], [sflag:$0x1] =	stream.indirect_vreg.gather [hbm4b:s2+s3], $0x80, v4, vm0, $0xb8;
	[tilespmem:$0x14680] =	vst v63  }
0x291: {  	s18 =	simm.s32 $0x10E80  }
0x292: {  	[tilespmem:s18], [sflag:$0x1] =	stream.indirect_vreg.gather [hbm4b:s4+s3], $0x80, v4, vm0, $0xb8;
	[tilespmem:$0x14680] =	vst v63  }
0x293: {  	s25 =	simm.s32 $0x11680  }
0x294: {  	[tilespmem:s25], [sflag:$0x1] =	stream.indirect_vreg.gather [hbm4b:s2+s3], $0x80, v3, vm0, $0xb8;
	[tilespmem:$0x14680] =	vst v63  }
0x295: {  	s23 =	simm.s32 $0x11E80  }
0x296: {  	[tilespmem:s23], [sflag:$0x1] =	stream.indirect_vreg.gather [hbm4b:s4+s3], $0x80, v3, vm0, $0xb8;
	[tilespmem:$0x14680] =	vst v63  }
0x297: {  	v3 =	vld [tilespmem:$0x270];
	_ =	sdelay $0x4  }
0x298: {  	v59 =	vshll.u32 v3, $0x2  }
0x299: {  	v3 =	vand.u32 $0x7, v3;
	v4 =	vand.u32 $0xFFFFFFE0, v59  }
0x29a: {  	v3 =	vor.u32 v3, v4  }
0x29b: {  	v4 =	vperm.xlane v3, v0;
	_ =	sdelay $0x1  }
0x29c: {  	v4 =	vadd.s32 v1, v4;
	_ =	sdelay $0x1  }
0x29d: {  	v3 =	vperm.xlane v3, v2;
	_ =	sdelay $0x1  }
0x29e: {  	s19 =	simm.s32 $0x12680;
	v3 =	vadd.s32 v1, v3  }
0x29f: {  	[tilespmem:s19], [sflag:$0x1] =	stream.indirect_vreg.gather [hbm4b:s2+s3], $0x80, v4, vm0, $0xb8;
	[tilespmem:$0x14680] =	vst v63  }
0x2a0: {  	s23 =	simm.s32 $0x12E80  }
0x2a1: {  	[tilespmem:s23], [sflag:$0x1] =	stream.indirect_vreg.gather [hbm4b:s4+s3], $0x80, v4, vm0, $0xb8;
	[tilespmem:$0x14680] =	vst v63  }
0x2a2: {  	s23 =	simm.s32 $0x13680  }
0x2a3: {  	[tilespmem:s23], [sflag:$0x1] =	stream.indirect_vreg.gather [hbm4b:s2+s3], $0x80, v3, vm0, $0xb8;
	[tilespmem:$0x14680] =	vst v63  }
0x2a4: {  	s24 =	simm.s32 $0x13E80  }
0x2a5: {  	[tilespmem:s24], [sflag:$0x1] =	stream.indirect_vreg.gather [hbm4b:s4+s3], $0x80, v3, vm0, $0xb8;
	[tilespmem:$0x14680] =	vst v63  }
0x2a6: {  	_ =	swait.ge [sflag:s21], $0xA000  }
0x2a7: {  	[sflag:s21] =	ssyncset.done $0x0  }
0x2a8: {  	s23 =	rddreg [dreg:$0xb];
	[sflag:s21] =	ssyncadd.s32 $0xFFFF6000  }
0x2a9: {  	[hbm4b:s23+s3] =	stream.linear.scatter [tilespmem:s10], [sflag:$0x2], $0xA000, $0x38;
	[tilespmem:$0x14680] =	vst v63  }
0x2aa: {  	_ =	swait.ge [sflag:s22], $0xA000  }
0x2ab: {  	[sflag:s22] =	ssyncset.done $0x0  }
0x2ac: {  	[sflag:s22] =	ssyncadd.s32 $0xFFFF6000  }
0x2ad: {  	v3 =	vld [tilespmem:$0x280];
	_ =	sdelay $0x4  }
0x2ae: {  	v60 =	vshll.u32 v3, $0x2  }
0x2af: {  	v3 =	vand.u32 $0x7, v3;
	v4 =	vand.u32 $0xFFFFFFE0, v60  }
0x2b0: {  	v3 =	vor.u32 v3, v4  }
0x2b1: {  	v4 =	vperm.xlane v3, v0;
	_ =	sdelay $0x1  }
0x2b2: {  	v4 =	vadd.s32 v1, v4;
	_ =	sdelay $0x1  }
0x2b3: {  	v3 =	vperm.xlane v3, v2;
	_ =	sdelay $0x1  }
0x2b4: {  	v3 =	vadd.s32 v1, v3  }
0x2b5: {  	[tilespmem:s10], [sflag:$0x1] =	stream.indirect_vreg.gather [hbm4b:s2+s3], $0x80, v4, vm0, $0xb8;
	[tilespmem:$0x14680] =	vst v63  }
0x2b6: {  	s23 =	simm.s32 $0xE80  }
0x2b7: {  	[tilespmem:s23], [sflag:$0x1] =	stream.indirect_vreg.gather [hbm4b:s4+s3], $0x80, v4, vm0, $0xb8;
	[tilespmem:$0x14680] =	vst v63  }
0x2b8: {  	s23 =	simm.s32 $0x1680  }
0x2b9: {  	[tilespmem:s23], [sflag:$0x1] =	stream.indirect_vreg.gather [hbm4b:s2+s3], $0x80, v3, vm0, $0xb8;
	[tilespmem:$0x14680] =	vst v63  }
0x2ba: {  	s23 =	simm.s32 $0x1E80  }
0x2bb: {  	[tilespmem:s23], [sflag:$0x1] =	stream.indirect_vreg.gather [hbm4b:s4+s3], $0x80, v3, vm0, $0xb8;
	[tilespmem:$0x14680] =	vst v63  }
0x2bc: {  	v3 =	vld [tilespmem:$0x290];
	_ =	sdelay $0x4  }
0x2bd: {  	v61 =	vshll.u32 v3, $0x2  }
0x2be: {  	v3 =	vand.u32 $0x7, v3;
	v4 =	vand.u32 $0xFFFFFFE0, v61  }
0x2bf: {  	v3 =	vor.u32 v3, v4  }
0x2c0: {  	v4 =	vperm.xlane v3, v0;
	_ =	sdelay $0x1  }
0x2c1: {  	v4 =	vadd.s32 v1, v4;
	_ =	sdelay $0x1  }
0x2c2: {  	v3 =	vperm.xlane v3, v2;
	_ =	sdelay $0x1  }
0x2c3: {  	s23 =	simm.s32 $0x2680;
	v3 =	vadd.s32 v1, v3  }
0x2c4: {  	[tilespmem:s23], [sflag:$0x1] =	stream.indirect_vreg.gather [hbm4b:s2+s3], $0x80, v4, vm0, $0xb8;
	[tilespmem:$0x14680] =	vst v63  }
0x2c5: {  	s23 =	simm.s32 $0x2E80  }
0x2c6: {  	[tilespmem:s23], [sflag:$0x1] =	stream.indirect_vreg.gather [hbm4b:s4+s3], $0x80, v4, vm0, $0xb8;
	[tilespmem:$0x14680] =	vst v63  }
0x2c7: {  	s23 =	simm.s32 $0x3680  }
0x2c8: {  	[tilespmem:s23], [sflag:$0x1] =	stream.indirect_vreg.gather [hbm4b:s2+s3], $0x80, v3, vm0, $0xb8;
	[tilespmem:$0x14680] =	vst v63  }
0x2c9: {  	s23 =	simm.s32 $0x3E80  }
0x2ca: {  	[tilespmem:s23], [sflag:$0x1] =	stream.indirect_vreg.gather [hbm4b:s4+s3], $0x80, v3, vm0, $0xb8;
	[tilespmem:$0x14680] =	vst v63  }
0x2cb: {  	v3 =	vld [tilespmem:$0x2A0];
	_ =	sdelay $0x4  }
0x2cc: {  	v62 =	vshll.u32 v3, $0x2  }
0x2cd: {  	v3 =	vand.u32 $0x7, v3;
	v4 =	vand.u32 $0xFFFFFFE0, v62  }
0x2ce: {  	v3 =	vor.u32 v3, v4  }
0x2cf: {  	v4 =	vperm.xlane v3, v0;
	_ =	sdelay $0x1  }
0x2d0: {  	v4 =	vadd.s32 v1, v4;
	_ =	sdelay $0x1  }
0x2d1: {  	v3 =	vperm.xlane v3, v2;
	_ =	sdelay $0x1  }
0x2d2: {  	s26 =	simm.s32 $0x4680;
	v3 =	vadd.s32 v1, v3  }
0x2d3: {  	[tilespmem:s26], [sflag:$0x1] =	stream.indirect_vreg.gather [hbm4b:s2+s3], $0x80, v4, vm0, $0xb8;
	[tilespmem:$0x14680] =	vst v63  }
0x2d4: {  	s29 =	simm.s32 $0x4E80  }
0x2d5: {  	[tilespmem:s29], [sflag:$0x1] =	stream.indirect_vreg.gather [hbm4b:s4+s3], $0x80, v4, vm0, $0xb8;
	[tilespmem:$0x14680] =	vst v63  }
0x2d6: {  	s30 =	simm.s32 $0x5680  }
0x2d7: {  	[tilespmem:s30], [sflag:$0x1] =	stream.indirect_vreg.gather [hbm4b:s2+s3], $0x80, v3, vm0, $0xb8;
	[tilespmem:$0x14680] =	vst v63  }
0x2d8: {  	s23 =	simm.s32 $0x5E80  }
0x2d9: {  	[tilespmem:s23], [sflag:$0x1] =	stream.indirect_vreg.gather [hbm4b:s4+s3], $0x80, v3, vm0, $0xb8;
	[tilespmem:$0x14680] =	vst v63  }
0x2da: {  	v3 =	vld [tilespmem:$0x2B0];
	_ =	sdelay $0x4  }
0x2db: {  	v63 =	vshll.u32 v3, $0x2  }
0x2dc: {  	v3 =	vand.u32 $0x7, v3;
	v4 =	vand.u32 $0xFFFFFFE0, v63  }
0x2dd: {  	v3 =	vor.u32 v3, v4  }
0x2de: {  	v4 =	vperm.xlane v3, v0;
	_ =	sdelay $0x1  }
0x2df: {  	v4 =	vadd.s32 v1, v4;
	_ =	sdelay $0x1  }
0x2e0: {  	v3 =	vperm.xlane v3, v2;
	_ =	sdelay $0x1  }
0x2e1: {  	s31 =	simm.s32 $0x6680;
	v3 =	vadd.s32 v1, v3  }
0x2e2: {  	[tilespmem:s31], [sflag:$0x1] =	stream.indirect_vreg.gather [hbm4b:s2+s3], $0x80, v4, vm0, $0xb8;
	[tilespmem:$0x14680] =	vst v63  }
0x2e3: {  	s23 =	simm.s32 $0x6E80  }
0x2e4: {  	[tilespmem:s23], [sflag:$0x1] =	stream.indirect_vreg.gather [hbm4b:s4+s3], $0x80, v4, vm0, $0xb8;
	[tilespmem:$0x14680] =	vst v63  }
0x2e5: {  	s1 =	simm.s32 $0x7680  }
0x2e6: {  	[tilespmem:s1], [sflag:$0x1] =	stream.indirect_vreg.gather [hbm4b:s2+s3], $0x80, v3, vm0, $0xb8;
	[tilespmem:$0x14680] =	vst v63  }
0x2e7: {  	s8 =	simm.s32 $0x7E80  }
0x2e8: {  	[tilespmem:s8], [sflag:$0x1] =	stream.indirect_vreg.gather [hbm4b:s4+s3], $0x80, v3, vm0, $0xb8;
	[tilespmem:$0x14680] =	vst v63  }
0x2e9: {  	v3 =	vld [tilespmem:$0x2C0];
	_ =	sdelay $0x4  }
0x2ea: {  	v8 =	vshll.u32 v3, $0x2  }
0x2eb: {  	v3 =	vand.u32 $0x7, v3;
	v4 =	vand.u32 $0xFFFFFFE0, v8  }
0x2ec: {  	v3 =	vor.u32 v3, v4  }
0x2ed: {  	v4 =	vperm.xlane v3, v0;
	_ =	sdelay $0x1  }
0x2ee: {  	v4 =	vadd.s32 v1, v4;
	_ =	sdelay $0x1  }
0x2ef: {  	v3 =	vperm.xlane v3, v2;
	_ =	sdelay $0x1  }
0x2f0: {  	s5 =	simm.s32 $0x8680;
	v3 =	vadd.s32 v1, v3  }
0x2f1: {  	[tilespmem:s5], [sflag:$0x1] =	stream.indirect_vreg.gather [hbm4b:s2+s3], $0x80, v4, vm0, $0xb8;
	[tilespmem:$0x14680] =	vst v63  }
0x2f2: {  	s6 =	simm.s32 $0x8E80  }
0x2f3: {  	[tilespmem:s6], [sflag:$0x1] =	stream.indirect_vreg.gather [hbm4b:s4+s3], $0x80, v4, vm0, $0xb8;
	[tilespmem:$0x14680] =	vst v63  }
0x2f4: {  	s7 =	simm.s32 $0x9680  }
0x2f5: {  	[tilespmem:s7], [sflag:$0x1] =	stream.indirect_vreg.gather [hbm4b:s2+s3], $0x80, v3, vm0, $0xb8;
	[tilespmem:$0x14680] =	vst v63  }
0x2f6: {  	s9 =	simm.s32 $0x9E80  }
0x2f7: {  	[tilespmem:s9], [sflag:$0x1] =	stream.indirect_vreg.gather [hbm4b:s4+s3], $0x80, v3, vm0, $0xb8;
	[tilespmem:$0x14680] =	vst v63  }
0x2f8: {  	_ =	swait.ge [sflag:s21], $0xA000  }
0x2f9: {  	[sflag:s21] =	ssyncset.done $0x0  }
0x2fa: {  	s23 =	rddreg [dreg:$0xc];
	[sflag:s21] =	ssyncadd.s32 $0xFFFF6000  }
0x2fb: {  	[hbm4b:s23+s3] =	stream.linear.scatter [tilespmem:s28], [sflag:$0x2], $0xA000, $0x38;
	[tilespmem:$0x14680] =	vst v63  }
0x2fc: {  	_ =	swait.ge [sflag:s22], $0xA000  }
0x2fd: {  	[sflag:s22] =	ssyncset.done $0x0  }
0x2fe: {  	[sflag:s22] =	ssyncadd.s32 $0xFFFF6000  }
0x2ff: {  	v3 =	vld [tilespmem:$0x2D0];
	_ =	sdelay $0x4  }
0x300: {  	v9 =	vshll.u32 v3, $0x2  }
0x301: {  	v3 =	vand.u32 $0x7, v3;
	v4 =	vand.u32 $0xFFFFFFE0, v9  }
0x302: {  	v3 =	vor.u32 v3, v4  }
0x303: {  	v4 =	vperm.xlane v3, v0;
	_ =	sdelay $0x1  }
0x304: {  	v4 =	vadd.s32 v1, v4;
	_ =	sdelay $0x1  }
0x305: {  	v3 =	vperm.xlane v3, v2;
	_ =	sdelay $0x1  }
0x306: {  	v3 =	vadd.s32 v1, v3  }
0x307: {  	[tilespmem:s28], [sflag:$0x1] =	stream.indirect_vreg.gather [hbm4b:s2+s3], $0x80, v4, vm0, $0xb8;
	[tilespmem:$0x14680] =	vst v63  }
0x308: {  	s0 =	simm.s32 $0xAE80  }
0x309: {  	[tilespmem:s0], [sflag:$0x1] =	stream.indirect_vreg.gather [hbm4b:s4+s3], $0x80, v4, vm0, $0xb8;
	[tilespmem:$0x14680] =	vst v63  }
0x30a: {  	s20 =	simm.s32 $0xB680  }
0x30b: {  	[tilespmem:s20], [sflag:$0x1] =	stream.indirect_vreg.gather [hbm4b:s2+s3], $0x80, v3, vm0, $0xb8;
	[tilespmem:$0x14680] =	vst v63  }
0x30c: {  	s23 =	simm.s32 $0xBE80  }
0x30d: {  	[tilespmem:s23], [sflag:$0x1] =	stream.indirect_vreg.gather [hbm4b:s4+s3], $0x80, v3, vm0, $0xb8;
	[tilespmem:$0x14680] =	vst v63  }
0x30e: {  	v3 =	vld [tilespmem:$0x2E0];
	_ =	sdelay $0x4  }
0x30f: {  	v10 =	vshll.u32 v3, $0x2  }
0x310: {  	v3 =	vand.u32 $0x7, v3;
	v4 =	vand.u32 $0xFFFFFFE0, v10  }
0x311: {  	v3 =	vor.u32 v3, v4  }
0x312: {  	v4 =	vperm.xlane v3, v0;
	_ =	sdelay $0x1  }
0x313: {  	v4 =	vadd.s32 v1, v4;
	_ =	sdelay $0x1  }
0x314: {  	v3 =	vperm.xlane v3, v2;
	_ =	sdelay $0x1  }
0x315: {  	s11 =	simm.s32 $0xC680;
	v3 =	vadd.s32 v1, v3  }
0x316: {  	[tilespmem:s11], [sflag:$0x1] =	stream.indirect_vreg.gather [hbm4b:s2+s3], $0x80, v4, vm0, $0xb8;
	[tilespmem:$0x14680] =	vst v63  }
0x317: {  	s12 =	simm.s32 $0xCE80  }
0x318: {  	[tilespmem:s12], [sflag:$0x1] =	stream.indirect_vreg.gather [hbm4b:s4+s3], $0x80, v4, vm0, $0xb8;
	[tilespmem:$0x14680] =	vst v63  }
0x319: {  	s13 =	simm.s32 $0xD680  }
0x31a: {  	[tilespmem:s13], [sflag:$0x1] =	stream.indirect_vreg.gather [hbm4b:s2+s3], $0x80, v3, vm0, $0xb8;
	[tilespmem:$0x14680] =	vst v63  }
0x31b: {  	s23 =	simm.s32 $0xDE80  }
0x31c: {  	[tilespmem:s23], [sflag:$0x1] =	stream.indirect_vreg.gather [hbm4b:s4+s3], $0x80, v3, vm0, $0xb8;
	[tilespmem:$0x14680] =	vst v63  }
0x31d: {  	v3 =	vld [tilespmem:$0x2F0];
	_ =	sdelay $0x4  }
0x31e: {  	v11 =	vshll.u32 v3, $0x2  }
0x31f: {  	v3 =	vand.u32 $0x7, v3;
	v4 =	vand.u32 $0xFFFFFFE0, v11  }
0x320: {  	v3 =	vor.u32 v3, v4  }
0x321: {  	v4 =	vperm.xlane v3, v0;
	_ =	sdelay $0x1  }
0x322: {  	v4 =	vadd.s32 v1, v4;
	_ =	sdelay $0x1  }
0x323: {  	v3 =	vperm.xlane v3, v2;
	_ =	sdelay $0x1  }
0x324: {  	s14 =	simm.s32 $0xE680;
	v3 =	vadd.s32 v1, v3  }
0x325: {  	[tilespmem:s14], [sflag:$0x1] =	stream.indirect_vreg.gather [hbm4b:s2+s3], $0x80, v4, vm0, $0xb8;
	[tilespmem:$0x14680] =	vst v63  }
0x326: {  	s15 =	simm.s32 $0xEE80  }
0x327: {  	[tilespmem:s15], [sflag:$0x1] =	stream.indirect_vreg.gather [hbm4b:s4+s3], $0x80, v4, vm0, $0xb8;
	[tilespmem:$0x14680] =	vst v63  }
0x328: {  	s16 =	simm.s32 $0xF680  }
0x329: {  	[tilespmem:s16], [sflag:$0x1] =	stream.indirect_vreg.gather [hbm4b:s2+s3], $0x80, v3, vm0, $0xb8;
	[tilespmem:$0x14680] =	vst v63  }
0x32a: {  	s23 =	simm.s32 $0xFE80  }
0x32b: {  	[tilespmem:s23], [sflag:$0x1] =	stream.indirect_vreg.gather [hbm4b:s4+s3], $0x80, v3, vm0, $0xb8;
	[tilespmem:$0x14680] =	vst v63  }
0x32c: {  	v3 =	vld [tilespmem:$0x300];
	_ =	sdelay $0x4  }
0x32d: {  	v12 =	vshll.u32 v3, $0x2  }
0x32e: {  	v3 =	vand.u32 $0x7, v3;
	v4 =	vand.u32 $0xFFFFFFE0, v12  }
0x32f: {  	v3 =	vor.u32 v3, v4  }
0x330: {  	v4 =	vperm.xlane v3, v0;
	_ =	sdelay $0x1  }
0x331: {  	v4 =	vadd.s32 v1, v4;
	_ =	sdelay $0x1  }
0x332: {  	v3 =	vperm.xlane v3, v2;
	_ =	sdelay $0x1  }
0x333: {  	s17 =	simm.s32 $0x10680;
	v3 =	vadd.s32 v1, v3  }
0x334: {  	[tilespmem:s17], [sflag:$0x1] =	stream.indirect_vreg.gather [hbm4b:s2+s3], $0x80, v4, vm0, $0xb8;
	[tilespmem:$0x14680] =	vst v63  }
0x335: {  	s18 =	simm.s32 $0x10E80  }
0x336: {  	[tilespmem:s18], [sflag:$0x1] =	stream.indirect_vreg.gather [hbm4b:s4+s3], $0x80, v4, vm0, $0xb8;
	[tilespmem:$0x14680] =	vst v63  }
0x337: {  	s25 =	simm.s32 $0x11680  }
0x338: {  	[tilespmem:s25], [sflag:$0x1] =	stream.indirect_vreg.gather [hbm4b:s2+s3], $0x80, v3, vm0, $0xb8;
	[tilespmem:$0x14680] =	vst v63  }
0x339: {  	s23 =	simm.s32 $0x11E80  }
0x33a: {  	[tilespmem:s23], [sflag:$0x1] =	stream.indirect_vreg.gather [hbm4b:s4+s3], $0x80, v3, vm0, $0xb8;
	[tilespmem:$0x14680] =	vst v63  }
0x33b: {  	v3 =	vld [tilespmem:$0x310];
	_ =	sdelay $0x4  }
0x33c: {  	v13 =	vshll.u32 v3, $0x2  }
0x33d: {  	v3 =	vand.u32 $0x7, v3;
	v4 =	vand.u32 $0xFFFFFFE0, v13  }
0x33e: {  	v3 =	vor.u32 v3, v4  }
0x33f: {  	v4 =	vperm.xlane v3, v0;
	_ =	sdelay $0x1  }
0x340: {  	v4 =	vadd.s32 v1, v4;
	_ =	sdelay $0x1  }
0x341: {  	v3 =	vperm.xlane v3, v2;
	_ =	sdelay $0x1  }
0x342: {  	s19 =	simm.s32 $0x12680;
	v3 =	vadd.s32 v1, v3  }
0x343: {  	[tilespmem:s19], [sflag:$0x1] =	stream.indirect_vreg.gather [hbm4b:s2+s3], $0x80, v4, vm0, $0xb8;
	[tilespmem:$0x14680] =	vst v63  }
0x344: {  	s23 =	simm.s32 $0x12E80  }
0x345: {  	[tilespmem:s23], [sflag:$0x1] =	stream.indirect_vreg.gather [hbm4b:s4+s3], $0x80, v4, vm0, $0xb8;
	[tilespmem:$0x14680] =	vst v63  }
0x346: {  	s23 =	simm.s32 $0x13680  }
0x347: {  	[tilespmem:s23], [sflag:$0x1] =	stream.indirect_vreg.gather [hbm4b:s2+s3], $0x80, v3, vm0, $0xb8;
	[tilespmem:$0x14680] =	vst v63  }
0x348: {  	s24 =	simm.s32 $0x13E80  }
0x349: {  	[tilespmem:s24], [sflag:$0x1] =	stream.indirect_vreg.gather [hbm4b:s4+s3], $0x80, v3, vm0, $0xb8;
	[tilespmem:$0x14680] =	vst v63  }
0x34a: {  	_ =	swait.ge [sflag:s21], $0xA000  }
0x34b: {  	[sflag:s21] =	ssyncset.done $0x0  }
0x34c: {  	s23 =	rddreg [dreg:$0xd];
	[sflag:s21] =	ssyncadd.s32 $0xFFFF6000  }
0x34d: {  	[hbm4b:s23+s3] =	stream.linear.scatter [tilespmem:s10], [sflag:$0x2], $0xA000, $0x38;
	[tilespmem:$0x14680] =	vst v63  }
0x34e: {  	_ =	swait.ge [sflag:s22], $0xA000  }
0x34f: {  	[sflag:s22] =	ssyncset.done $0x0  }
0x350: {  	[sflag:s22] =	ssyncadd.s32 $0xFFFF6000  }
0x351: {  	v3 =	vld [tilespmem:$0x320];
	_ =	sdelay $0x4  }
0x352: {  	v14 =	vshll.u32 v3, $0x2  }
0x353: {  	v3 =	vand.u32 $0x7, v3;
	v4 =	vand.u32 $0xFFFFFFE0, v14  }
0x354: {  	v3 =	vor.u32 v3, v4  }
0x355: {  	v4 =	vperm.xlane v3, v0;
	_ =	sdelay $0x1  }
0x356: {  	v4 =	vadd.s32 v1, v4;
	_ =	sdelay $0x1  }
0x357: {  	v3 =	vperm.xlane v3, v2;
	_ =	sdelay $0x1  }
0x358: {  	v3 =	vadd.s32 v1, v3  }
0x359: {  	[tilespmem:s10], [sflag:$0x1] =	stream.indirect_vreg.gather [hbm4b:s2+s3], $0x80, v4, vm0, $0xb8;
	[tilespmem:$0x14680] =	vst v63  }
0x35a: {  	s23 =	simm.s32 $0xE80  }
0x35b: {  	[tilespmem:s23], [sflag:$0x1] =	stream.indirect_vreg.gather [hbm4b:s4+s3], $0x80, v4, vm0, $0xb8;
	[tilespmem:$0x14680] =	vst v63  }
0x35c: {  	s23 =	simm.s32 $0x1680  }
0x35d: {  	[tilespmem:s23], [sflag:$0x1] =	stream.indirect_vreg.gather [hbm4b:s2+s3], $0x80, v3, vm0, $0xb8;
	[tilespmem:$0x14680] =	vst v63  }
0x35e: {  	s23 =	simm.s32 $0x1E80  }
0x35f: {  	[tilespmem:s23], [sflag:$0x1] =	stream.indirect_vreg.gather [hbm4b:s4+s3], $0x80, v3, vm0, $0xb8;
	[tilespmem:$0x14680] =	vst v63  }
0x360: {  	v3 =	vld [tilespmem:$0x330];
	_ =	sdelay $0x4  }
0x361: {  	v15 =	vshll.u32 v3, $0x2  }
0x362: {  	v3 =	vand.u32 $0x7, v3;
	v4 =	vand.u32 $0xFFFFFFE0, v15  }
0x363: {  	v3 =	vor.u32 v3, v4  }
0x364: {  	v4 =	vperm.xlane v3, v0;
	_ =	sdelay $0x1  }
0x365: {  	v4 =	vadd.s32 v1, v4;
	_ =	sdelay $0x1  }
0x366: {  	v3 =	vperm.xlane v3, v2;
	_ =	sdelay $0x1  }
0x367: {  	s23 =	simm.s32 $0x2680;
	v3 =	vadd.s32 v1, v3  }
0x368: {  	[tilespmem:s23], [sflag:$0x1] =	stream.indirect_vreg.gather [hbm4b:s2+s3], $0x80, v4, vm0, $0xb8;
	[tilespmem:$0x14680] =	vst v63  }
0x369: {  	s23 =	simm.s32 $0x2E80  }
0x36a: {  	[tilespmem:s23], [sflag:$0x1] =	stream.indirect_vreg.gather [hbm4b:s4+s3], $0x80, v4, vm0, $0xb8;
	[tilespmem:$0x14680] =	vst v63  }
0x36b: {  	s23 =	simm.s32 $0x3680  }
0x36c: {  	[tilespmem:s23], [sflag:$0x1] =	stream.indirect_vreg.gather [hbm4b:s2+s3], $0x80, v3, vm0, $0xb8;
	[tilespmem:$0x14680] =	vst v63  }
0x36d: {  	s23 =	simm.s32 $0x3E80  }
0x36e: {  	[tilespmem:s23], [sflag:$0x1] =	stream.indirect_vreg.gather [hbm4b:s4+s3], $0x80, v3, vm0, $0xb8;
	[tilespmem:$0x14680] =	vst v63  }
0x36f: {  	v3 =	vld [tilespmem:$0x340];
	_ =	sdelay $0x4  }
0x370: {  	v16 =	vshll.u32 v3, $0x2  }
0x371: {  	v3 =	vand.u32 $0x7, v3;
	v4 =	vand.u32 $0xFFFFFFE0, v16  }
0x372: {  	v3 =	vor.u32 v3, v4  }
0x373: {  	v4 =	vperm.xlane v3, v0;
	_ =	sdelay $0x1  }
0x374: {  	v4 =	vadd.s32 v1, v4;
	_ =	sdelay $0x1  }
0x375: {  	v3 =	vperm.xlane v3, v2;
	_ =	sdelay $0x1  }
0x376: {  	s26 =	simm.s32 $0x4680;
	v3 =	vadd.s32 v1, v3  }
0x377: {  	[tilespmem:s26], [sflag:$0x1] =	stream.indirect_vreg.gather [hbm4b:s2+s3], $0x80, v4, vm0, $0xb8;
	[tilespmem:$0x14680] =	vst v63  }
0x378: {  	s29 =	simm.s32 $0x4E80  }
0x379: {  	[tilespmem:s29], [sflag:$0x1] =	stream.indirect_vreg.gather [hbm4b:s4+s3], $0x80, v4, vm0, $0xb8;
	[tilespmem:$0x14680] =	vst v63  }
0x37a: {  	s30 =	simm.s32 $0x5680  }
0x37b: {  	[tilespmem:s30], [sflag:$0x1] =	stream.indirect_vreg.gather [hbm4b:s2+s3], $0x80, v3, vm0, $0xb8;
	[tilespmem:$0x14680] =	vst v63  }
0x37c: {  	s23 =	simm.s32 $0x5E80  }
0x37d: {  	[tilespmem:s23], [sflag:$0x1] =	stream.indirect_vreg.gather [hbm4b:s4+s3], $0x80, v3, vm0, $0xb8;
	[tilespmem:$0x14680] =	vst v63  }
0x37e: {  	v3 =	vld [tilespmem:$0x350];
	_ =	sdelay $0x4  }
0x37f: {  	v17 =	vshll.u32 v3, $0x2  }
0x380: {  	v3 =	vand.u32 $0x7, v3;
	v4 =	vand.u32 $0xFFFFFFE0, v17  }
0x381: {  	v3 =	vor.u32 v3, v4  }
0x382: {  	v4 =	vperm.xlane v3, v0;
	_ =	sdelay $0x1  }
0x383: {  	v4 =	vadd.s32 v1, v4;
	_ =	sdelay $0x1  }
0x384: {  	v3 =	vperm.xlane v3, v2;
	_ =	sdelay $0x1  }
0x385: {  	s31 =	simm.s32 $0x6680;
	v3 =	vadd.s32 v1, v3  }
0x386: {  	[tilespmem:s31], [sflag:$0x1] =	stream.indirect_vreg.gather [hbm4b:s2+s3], $0x80, v4, vm0, $0xb8;
	[tilespmem:$0x14680] =	vst v63  }
0x387: {  	s23 =	simm.s32 $0x6E80  }
0x388: {  	[tilespmem:s23], [sflag:$0x1] =	stream.indirect_vreg.gather [hbm4b:s4+s3], $0x80, v4, vm0, $0xb8;
	[tilespmem:$0x14680] =	vst v63  }
0x389: {  	s1 =	simm.s32 $0x7680  }
0x38a: {  	[tilespmem:s1], [sflag:$0x1] =	stream.indirect_vreg.gather [hbm4b:s2+s3], $0x80, v3, vm0, $0xb8;
	[tilespmem:$0x14680] =	vst v63  }
0x38b: {  	s8 =	simm.s32 $0x7E80  }
0x38c: {  	[tilespmem:s8], [sflag:$0x1] =	stream.indirect_vreg.gather [hbm4b:s4+s3], $0x80, v3, vm0, $0xb8;
	[tilespmem:$0x14680] =	vst v63  }
0x38d: {  	v3 =	vld [tilespmem:$0x360];
	_ =	sdelay $0x4  }
0x38e: {  	v18 =	vshll.u32 v3, $0x2  }
0x38f: {  	v3 =	vand.u32 $0x7, v3;
	v4 =	vand.u32 $0xFFFFFFE0, v18  }
0x390: {  	v3 =	vor.u32 v3, v4  }
0x391: {  	v4 =	vperm.xlane v3, v0;
	_ =	sdelay $0x1  }
0x392: {  	v4 =	vadd.s32 v1, v4;
	_ =	sdelay $0x1  }
0x393: {  	v3 =	vperm.xlane v3, v2;
	_ =	sdelay $0x1  }
0x394: {  	s5 =	simm.s32 $0x8680;
	v3 =	vadd.s32 v1, v3  }
0x395: {  	[tilespmem:s5], [sflag:$0x1] =	stream.indirect_vreg.gather [hbm4b:s2+s3], $0x80, v4, vm0, $0xb8;
	[tilespmem:$0x14680] =	vst v63  }
0x396: {  	s6 =	simm.s32 $0x8E80  }
0x397: {  	[tilespmem:s6], [sflag:$0x1] =	stream.indirect_vreg.gather [hbm4b:s4+s3], $0x80, v4, vm0, $0xb8;
	[tilespmem:$0x14680] =	vst v63  }
0x398: {  	s7 =	simm.s32 $0x9680  }
0x399: {  	[tilespmem:s7], [sflag:$0x1] =	stream.indirect_vreg.gather [hbm4b:s2+s3], $0x80, v3, vm0, $0xb8;
	[tilespmem:$0x14680] =	vst v63  }
0x39a: {  	s9 =	simm.s32 $0x9E80  }
0x39b: {  	[tilespmem:s9], [sflag:$0x1] =	stream.indirect_vreg.gather [hbm4b:s4+s3], $0x80, v3, vm0, $0xb8;
	[tilespmem:$0x14680] =	vst v63  }
0x39c: {  	_ =	swait.ge [sflag:s21], $0xA000  }
0x39d: {  	[sflag:s21] =	ssyncset.done $0x0  }
0x39e: {  	s23 =	rddreg [dreg:$0xe];
	[sflag:s21] =	ssyncadd.s32 $0xFFFF6000  }
0x39f: {  	[hbm4b:s23+s3] =	stream.linear.scatter [tilespmem:s28], [sflag:$0x2], $0xA000, $0x38;
	[tilespmem:$0x14680] =	vst v63  }
0x3a0: {  	_ =	swait.ge [sflag:s22], $0xA000  }
0x3a1: {  	[sflag:s22] =	ssyncset.done $0x0  }
0x3a2: {  	[sflag:s22] =	ssyncadd.s32 $0xFFFF6000  }
0x3a3: {  	v3 =	vld [tilespmem:$0x370];
	_ =	sdelay $0x4  }
0x3a4: {  	v19 =	vshll.u32 v3, $0x2  }
0x3a5: {  	v3 =	vand.u32 $0x7, v3;
	v4 =	vand.u32 $0xFFFFFFE0, v19  }
0x3a6: {  	v3 =	vor.u32 v3, v4  }
0x3a7: {  	v4 =	vperm.xlane v3, v0;
	_ =	sdelay $0x1  }
0x3a8: {  	v4 =	vadd.s32 v1, v4;
	_ =	sdelay $0x1  }
0x3a9: {  	v3 =	vperm.xlane v3, v2;
	_ =	sdelay $0x1  }
0x3aa: {  	v3 =	vadd.s32 v1, v3  }
0x3ab: {  	[tilespmem:s28], [sflag:$0x1] =	stream.indirect_vreg.gather [hbm4b:s2+s3], $0x80, v4, vm0, $0xb8;
	[tilespmem:$0x14680] =	vst v63  }
0x3ac: {  	s0 =	simm.s32 $0xAE80  }
0x3ad: {  	[tilespmem:s0], [sflag:$0x1] =	stream.indirect_vreg.gather [hbm4b:s4+s3], $0x80, v4, vm0, $0xb8;
	[tilespmem:$0x14680] =	vst v63  }
0x3ae: {  	s20 =	simm.s32 $0xB680  }
0x3af: {  	[tilespmem:s20], [sflag:$0x1] =	stream.indirect_vreg.gather [hbm4b:s2+s3], $0x80, v3, vm0, $0xb8;
	[tilespmem:$0x14680] =	vst v63  }
0x3b0: {  	s23 =	simm.s32 $0xBE80  }
0x3b1: {  	[tilespmem:s23], [sflag:$0x1] =	stream.indirect_vreg.gather [hbm4b:s4+s3], $0x80, v3, vm0, $0xb8;
	[tilespmem:$0x14680] =	vst v63  }
0x3b2: {  	v3 =	vld [tilespmem:$0x380];
	_ =	sdelay $0x4  }
0x3b3: {  	v20 =	vshll.u32 v3, $0x2  }
0x3b4: {  	v3 =	vand.u32 $0x7, v3;
	v4 =	vand.u32 $0xFFFFFFE0, v20  }
0x3b5: {  	v3 =	vor.u32 v3, v4  }
0x3b6: {  	v4 =	vperm.xlane v3, v0;
	_ =	sdelay $0x1  }
0x3b7: {  	v4 =	vadd.s32 v1, v4;
	_ =	sdelay $0x1  }
0x3b8: {  	v3 =	vperm.xlane v3, v2;
	_ =	sdelay $0x1  }
0x3b9: {  	s11 =	simm.s32 $0xC680;
	v3 =	vadd.s32 v1, v3  }
0x3ba: {  	[tilespmem:s11], [sflag:$0x1] =	stream.indirect_vreg.gather [hbm4b:s2+s3], $0x80, v4, vm0, $0xb8;
	[tilespmem:$0x14680] =	vst v63  }
0x3bb: {  	s12 =	simm.s32 $0xCE80  }
0x3bc: {  	[tilespmem:s12], [sflag:$0x1] =	stream.indirect_vreg.gather [hbm4b:s4+s3], $0x80, v4, vm0, $0xb8;
	[tilespmem:$0x14680] =	vst v63  }
0x3bd: {  	s13 =	simm.s32 $0xD680  }
0x3be: {  	[tilespmem:s13], [sflag:$0x1] =	stream.indirect_vreg.gather [hbm4b:s2+s3], $0x80, v3, vm0, $0xb8;
	[tilespmem:$0x14680] =	vst v63  }
0x3bf: {  	s23 =	simm.s32 $0xDE80  }
0x3c0: {  	[tilespmem:s23], [sflag:$0x1] =	stream.indirect_vreg.gather [hbm4b:s4+s3], $0x80, v3, vm0, $0xb8;
	[tilespmem:$0x14680] =	vst v63  }
0x3c1: {  	v3 =	vld [tilespmem:$0x390];
	_ =	sdelay $0x4  }
0x3c2: {  	v21 =	vshll.u32 v3, $0x2  }
0x3c3: {  	v3 =	vand.u32 $0x7, v3;
	v4 =	vand.u32 $0xFFFFFFE0, v21  }
0x3c4: {  	v3 =	vor.u32 v3, v4  }
0x3c5: {  	v4 =	vperm.xlane v3, v0;
	_ =	sdelay $0x1  }
0x3c6: {  	v4 =	vadd.s32 v1, v4;
	_ =	sdelay $0x1  }
0x3c7: {  	v3 =	vperm.xlane v3, v2;
	_ =	sdelay $0x1  }
0x3c8: {  	s14 =	simm.s32 $0xE680;
	v3 =	vadd.s32 v1, v3  }
0x3c9: {  	[tilespmem:s14], [sflag:$0x1] =	stream.indirect_vreg.gather [hbm4b:s2+s3], $0x80, v4, vm0, $0xb8;
	[tilespmem:$0x14680] =	vst v63  }
0x3ca: {  	s15 =	simm.s32 $0xEE80  }
0x3cb: {  	[tilespmem:s15], [sflag:$0x1] =	stream.indirect_vreg.gather [hbm4b:s4+s3], $0x80, v4, vm0, $0xb8;
	[tilespmem:$0x14680] =	vst v63  }
0x3cc: {  	s16 =	simm.s32 $0xF680  }
0x3cd: {  	[tilespmem:s16], [sflag:$0x1] =	stream.indirect_vreg.gather [hbm4b:s2+s3], $0x80, v3, vm0, $0xb8;
	[tilespmem:$0x14680] =	vst v63  }
0x3ce: {  	s23 =	simm.s32 $0xFE80  }
0x3cf: {  	[tilespmem:s23], [sflag:$0x1] =	stream.indirect_vreg.gather [hbm4b:s4+s3], $0x80, v3, vm0, $0xb8;
	[tilespmem:$0x14680] =	vst v63  }
0x3d0: {  	v3 =	vld [tilespmem:$0x3A0];
	_ =	sdelay $0x4  }
0x3d1: {  	v22 =	vshll.u32 v3, $0x2  }
0x3d2: {  	v3 =	vand.u32 $0x7, v3;
	v4 =	vand.u32 $0xFFFFFFE0, v22  }
0x3d3: {  	v3 =	vor.u32 v3, v4  }
0x3d4: {  	v4 =	vperm.xlane v3, v0;
	_ =	sdelay $0x1  }
0x3d5: {  	v4 =	vadd.s32 v1, v4;
	_ =	sdelay $0x1  }
0x3d6: {  	v3 =	vperm.xlane v3, v2;
	_ =	sdelay $0x1  }
0x3d7: {  	s17 =	simm.s32 $0x10680;
	v3 =	vadd.s32 v1, v3  }
0x3d8: {  	[tilespmem:s17], [sflag:$0x1] =	stream.indirect_vreg.gather [hbm4b:s2+s3], $0x80, v4, vm0, $0xb8;
	[tilespmem:$0x14680] =	vst v63  }
0x3d9: {  	s18 =	simm.s32 $0x10E80  }
0x3da: {  	[tilespmem:s18], [sflag:$0x1] =	stream.indirect_vreg.gather [hbm4b:s4+s3], $0x80, v4, vm0, $0xb8;
	[tilespmem:$0x14680] =	vst v63  }
0x3db: {  	s25 =	simm.s32 $0x11680  }
0x3dc: {  	[tilespmem:s25], [sflag:$0x1] =	stream.indirect_vreg.gather [hbm4b:s2+s3], $0x80, v3, vm0, $0xb8;
	[tilespmem:$0x14680] =	vst v63  }
0x3dd: {  	s23 =	simm.s32 $0x11E80  }
0x3de: {  	[tilespmem:s23], [sflag:$0x1] =	stream.indirect_vreg.gather [hbm4b:s4+s3], $0x80, v3, vm0, $0xb8;
	[tilespmem:$0x14680] =	vst v63  }
0x3df: {  	v3 =	vld [tilespmem:$0x3B0];
	_ =	sdelay $0x4  }
0x3e0: {  	v23 =	vshll.u32 v3, $0x2  }
0x3e1: {  	v3 =	vand.u32 $0x7, v3;
	v4 =	vand.u32 $0xFFFFFFE0, v23  }
0x3e2: {  	v3 =	vor.u32 v3, v4  }
0x3e3: {  	v4 =	vperm.xlane v3, v0;
	_ =	sdelay $0x1  }
0x3e4: {  	v4 =	vadd.s32 v1, v4;
	_ =	sdelay $0x1  }
0x3e5: {  	v3 =	vperm.xlane v3, v2;
	_ =	sdelay $0x1  }
0x3e6: {  	s19 =	simm.s32 $0x12680;
	v3 =	vadd.s32 v1, v3  }
0x3e7: {  	[tilespmem:s19], [sflag:$0x1] =	stream.indirect_vreg.gather [hbm4b:s2+s3], $0x80, v4, vm0, $0xb8;
	[tilespmem:$0x14680] =	vst v63  }
0x3e8: {  	s23 =	simm.s32 $0x12E80  }
0x3e9: {  	[tilespmem:s23], [sflag:$0x1] =	stream.indirect_vreg.gather [hbm4b:s4+s3], $0x80, v4, vm0, $0xb8;
	[tilespmem:$0x14680] =	vst v63  }
0x3ea: {  	s23 =	simm.s32 $0x13680  }
0x3eb: {  	[tilespmem:s23], [sflag:$0x1] =	stream.indirect_vreg.gather [hbm4b:s2+s3], $0x80, v3, vm0, $0xb8;
	[tilespmem:$0x14680] =	vst v63  }
0x3ec: {  	s24 =	simm.s32 $0x13E80  }
0x3ed: {  	[tilespmem:s24], [sflag:$0x1] =	stream.indirect_vreg.gather [hbm4b:s4+s3], $0x80, v3, vm0, $0xb8;
	[tilespmem:$0x14680] =	vst v63  }
0x3ee: {  	_ =	swait.ge [sflag:s21], $0xA000  }
0x3ef: {  	[sflag:s21] =	ssyncset.done $0x0  }
0x3f0: {  	s23 =	rddreg [dreg:$0xf];
	[sflag:s21] =	ssyncadd.s32 $0xFFFF6000  }
0x3f1: {  	[hbm4b:s23+s3] =	stream.linear.scatter [tilespmem:s10], [sflag:$0x2], $0xA000, $0x38;
	[tilespmem:$0x14680] =	vst v63  }
0x3f2: {  	_ =	swait.ge [sflag:s22], $0xA000  }
0x3f3: {  	[sflag:s22] =	ssyncset.done $0x0  }
0x3f4: {  	[sflag:s22] =	ssyncadd.s32 $0xFFFF6000  }
0x3f5: {  	v3 =	vld [tilespmem:$0x3C0];
	_ =	sdelay $0x4  }
0x3f6: {  	v24 =	vshll.u32 v3, $0x2  }
0x3f7: {  	v3 =	vand.u32 $0x7, v3;
	v4 =	vand.u32 $0xFFFFFFE0, v24  }
0x3f8: {  	v3 =	vor.u32 v3, v4  }
0x3f9: {  	v4 =	vperm.xlane v3, v0;
	_ =	sdelay $0x1  }
0x3fa: {  	v4 =	vadd.s32 v1, v4;
	_ =	sdelay $0x1  }
0x3fb: {  	v3 =	vperm.xlane v3, v2;
	_ =	sdelay $0x1  }
0x3fc: {  	v3 =	vadd.s32 v1, v3  }
0x3fd: {  	[tilespmem:s10], [sflag:$0x1] =	stream.indirect_vreg.gather [hbm4b:s2+s3], $0x80, v4, vm0, $0xb8;
	[tilespmem:$0x14680] =	vst v63  }
0x3fe: {  	s23 =	simm.s32 $0xE80  }
0x3ff: {  	[tilespmem:s23], [sflag:$0x1] =	stream.indirect_vreg.gather [hbm4b:s4+s3], $0x80, v4, vm0, $0xb8;
	[tilespmem:$0x14680] =	vst v63  }
0x400: {  	s23 =	simm.s32 $0x1680  }
0x401: {  	[tilespmem:s23], [sflag:$0x1] =	stream.indirect_vreg.gather [hbm4b:s2+s3], $0x80, v3, vm0, $0xb8;
	[tilespmem:$0x14680] =	vst v63  }
0x402: {  	s23 =	simm.s32 $0x1E80  }
0x403: {  	[tilespmem:s23], [sflag:$0x1] =	stream.indirect_vreg.gather [hbm4b:s4+s3], $0x80, v3, vm0, $0xb8;
	[tilespmem:$0x14680] =	vst v63  }
0x404: {  	v3 =	vld [tilespmem:$0x3D0];
	_ =	sdelay $0x4  }
0x405: {  	v25 =	vshll.u32 v3, $0x2  }
0x406: {  	v3 =	vand.u32 $0x7, v3;
	v4 =	vand.u32 $0xFFFFFFE0, v25  }
0x407: {  	v3 =	vor.u32 v3, v4  }
0x408: {  	v4 =	vperm.xlane v3, v0;
	_ =	sdelay $0x1  }
0x409: {  	v4 =	vadd.s32 v1, v4;
	_ =	sdelay $0x1  }
0x40a: {  	v3 =	vperm.xlane v3, v2;
	_ =	sdelay $0x1  }
0x40b: {  	s23 =	simm.s32 $0x2680;
	v3 =	vadd.s32 v1, v3  }
0x40c: {  	[tilespmem:s23], [sflag:$0x1] =	stream.indirect_vreg.gather [hbm4b:s2+s3], $0x80, v4, vm0, $0xb8;
	[tilespmem:$0x14680] =	vst v63  }
0x40d: {  	s23 =	simm.s32 $0x2E80  }
0x40e: {  	[tilespmem:s23], [sflag:$0x1] =	stream.indirect_vreg.gather [hbm4b:s4+s3], $0x80, v4, vm0, $0xb8;
	[tilespmem:$0x14680] =	vst v63  }
0x40f: {  	s23 =	simm.s32 $0x3680  }
0x410: {  	[tilespmem:s23], [sflag:$0x1] =	stream.indirect_vreg.gather [hbm4b:s2+s3], $0x80, v3, vm0, $0xb8;
	[tilespmem:$0x14680] =	vst v63  }
0x411: {  	s23 =	simm.s32 $0x3E80  }
0x412: {  	[tilespmem:s23], [sflag:$0x1] =	stream.indirect_vreg.gather [hbm4b:s4+s3], $0x80, v3, vm0, $0xb8;
	[tilespmem:$0x14680] =	vst v63  }
0x413: {  	v3 =	vld [tilespmem:$0x3E0];
	_ =	sdelay $0x4  }
0x414: {  	v26 =	vshll.u32 v3, $0x2  }
0x415: {  	v3 =	vand.u32 $0x7, v3;
	v4 =	vand.u32 $0xFFFFFFE0, v26  }
0x416: {  	v3 =	vor.u32 v3, v4  }
0x417: {  	v4 =	vperm.xlane v3, v0;
	_ =	sdelay $0x1  }
0x418: {  	v4 =	vadd.s32 v1, v4;
	_ =	sdelay $0x1  }
0x419: {  	v3 =	vperm.xlane v3, v2;
	_ =	sdelay $0x1  }
0x41a: {  	s26 =	simm.s32 $0x4680;
	v3 =	vadd.s32 v1, v3  }
0x41b: {  	[tilespmem:s26], [sflag:$0x1] =	stream.indirect_vreg.gather [hbm4b:s2+s3], $0x80, v4, vm0, $0xb8;
	[tilespmem:$0x14680] =	vst v63  }
0x41c: {  	s29 =	simm.s32 $0x4E80  }
0x41d: {  	[tilespmem:s29], [sflag:$0x1] =	stream.indirect_vreg.gather [hbm4b:s4+s3], $0x80, v4, vm0, $0xb8;
	[tilespmem:$0x14680] =	vst v63  }
0x41e: {  	s30 =	simm.s32 $0x5680  }
0x41f: {  	[tilespmem:s30], [sflag:$0x1] =	stream.indirect_vreg.gather [hbm4b:s2+s3], $0x80, v3, vm0, $0xb8;
	[tilespmem:$0x14680] =	vst v63  }
0x420: {  	s23 =	simm.s32 $0x5E80  }
0x421: {  	[tilespmem:s23], [sflag:$0x1] =	stream.indirect_vreg.gather [hbm4b:s4+s3], $0x80, v3, vm0, $0xb8;
	[tilespmem:$0x14680] =	vst v63  }
0x422: {  	v3 =	vld [tilespmem:$0x3F0];
	_ =	sdelay $0x4  }
0x423: {  	v27 =	vshll.u32 v3, $0x2  }
0x424: {  	v3 =	vand.u32 $0x7, v3;
	v4 =	vand.u32 $0xFFFFFFE0, v27  }
0x425: {  	v3 =	vor.u32 v3, v4  }
0x426: {  	v4 =	vperm.xlane v3, v0;
	_ =	sdelay $0x1  }
0x427: {  	v4 =	vadd.s32 v1, v4;
	_ =	sdelay $0x1  }
0x428: {  	v3 =	vperm.xlane v3, v2;
	_ =	sdelay $0x1  }
0x429: {  	s31 =	simm.s32 $0x6680;
	v3 =	vadd.s32 v1, v3  }
0x42a: {  	[tilespmem:s31], [sflag:$0x1] =	stream.indirect_vreg.gather [hbm4b:s2+s3], $0x80, v4, vm0, $0xb8;
	[tilespmem:$0x14680] =	vst v63  }
0x42b: {  	s23 =	simm.s32 $0x6E80  }
0x42c: {  	[tilespmem:s23], [sflag:$0x1] =	stream.indirect_vreg.gather [hbm4b:s4+s3], $0x80, v4, vm0, $0xb8;
	[tilespmem:$0x14680] =	vst v63  }
0x42d: {  	s1 =	simm.s32 $0x7680  }
0x42e: {  	[tilespmem:s1], [sflag:$0x1] =	stream.indirect_vreg.gather [hbm4b:s2+s3], $0x80, v3, vm0, $0xb8;
	[tilespmem:$0x14680] =	vst v63  }
0x42f: {  	s8 =	simm.s32 $0x7E80  }
0x430: {  	[tilespmem:s8], [sflag:$0x1] =	stream.indirect_vreg.gather [hbm4b:s4+s3], $0x80, v3, vm0, $0xb8;
	[tilespmem:$0x14680] =	vst v63  }
0x431: {  	v3 =	vld [tilespmem:$0x400];
	_ =	sdelay $0x4  }
0x432: {  	v28 =	vshll.u32 v3, $0x2  }
0x433: {  	v3 =	vand.u32 $0x7, v3;
	v4 =	vand.u32 $0xFFFFFFE0, v28  }
0x434: {  	v3 =	vor.u32 v3, v4  }
0x435: {  	v4 =	vperm.xlane v3, v0;
	_ =	sdelay $0x1  }
0x436: {  	v4 =	vadd.s32 v1, v4;
	_ =	sdelay $0x1  }
0x437: {  	v3 =	vperm.xlane v3, v2;
	_ =	sdelay $0x1  }
0x438: {  	s5 =	simm.s32 $0x8680;
	v3 =	vadd.s32 v1, v3  }
0x439: {  	[tilespmem:s5], [sflag:$0x1] =	stream.indirect_vreg.gather [hbm4b:s2+s3], $0x80, v4, vm0, $0xb8;
	[tilespmem:$0x14680] =	vst v63  }
0x43a: {  	s6 =	simm.s32 $0x8E80  }
0x43b: {  	[tilespmem:s6], [sflag:$0x1] =	stream.indirect_vreg.gather [hbm4b:s4+s3], $0x80, v4, vm0, $0xb8;
	[tilespmem:$0x14680] =	vst v63  }
0x43c: {  	s7 =	simm.s32 $0x9680  }
0x43d: {  	[tilespmem:s7], [sflag:$0x1] =	stream.indirect_vreg.gather [hbm4b:s2+s3], $0x80, v3, vm0, $0xb8;
	[tilespmem:$0x14680] =	vst v63  }
0x43e: {  	s9 =	simm.s32 $0x9E80  }
0x43f: {  	[tilespmem:s9], [sflag:$0x1] =	stream.indirect_vreg.gather [hbm4b:s4+s3], $0x80, v3, vm0, $0xb8;
	[tilespmem:$0x14680] =	vst v63  }
0x440: {  	_ =	swait.ge [sflag:s21], $0xA000  }
0x441: {  	[sflag:s21] =	ssyncset.done $0x0  }
0x442: {  	s23 =	rddreg [dreg:$0x10];
	[sflag:s21] =	ssyncadd.s32 $0xFFFF6000  }
0x443: {  	[hbm4b:s23+s3] =	stream.linear.scatter [tilespmem:s28], [sflag:$0x2], $0xA000, $0x38;
	[tilespmem:$0x14680] =	vst v63  }
0x444: {  	_ =	swait.ge [sflag:s22], $0xA000  }
0x445: {  	[sflag:s22] =	ssyncset.done $0x0  }
0x446: {  	[sflag:s22] =	ssyncadd.s32 $0xFFFF6000  }
0x447: {  	v3 =	vld [tilespmem:$0x410];
	_ =	sdelay $0x4  }
0x448: {  	v29 =	vshll.u32 v3, $0x2  }
0x449: {  	v3 =	vand.u32 $0x7, v3;
	v4 =	vand.u32 $0xFFFFFFE0, v29  }
0x44a: {  	v3 =	vor.u32 v3, v4  }
0x44b: {  	v4 =	vperm.xlane v3, v0;
	_ =	sdelay $0x1  }
0x44c: {  	v4 =	vadd.s32 v1, v4;
	_ =	sdelay $0x1  }
0x44d: {  	v3 =	vperm.xlane v3, v2;
	_ =	sdelay $0x1  }
0x44e: {  	v3 =	vadd.s32 v1, v3  }
0x44f: {  	[tilespmem:s28], [sflag:$0x1] =	stream.indirect_vreg.gather [hbm4b:s2+s3], $0x80, v4, vm0, $0xb8;
	[tilespmem:$0x14680] =	vst v63  }
0x450: {  	s0 =	simm.s32 $0xAE80  }
0x451: {  	[tilespmem:s0], [sflag:$0x1] =	stream.indirect_vreg.gather [hbm4b:s4+s3], $0x80, v4, vm0, $0xb8;
	[tilespmem:$0x14680] =	vst v63  }
0x452: {  	s20 =	simm.s32 $0xB680  }
0x453: {  	[tilespmem:s20], [sflag:$0x1] =	stream.indirect_vreg.gather [hbm4b:s2+s3], $0x80, v3, vm0, $0xb8;
	[tilespmem:$0x14680] =	vst v63  }
0x454: {  	s23 =	simm.s32 $0xBE80  }
0x455: {  	[tilespmem:s23], [sflag:$0x1] =	stream.indirect_vreg.gather [hbm4b:s4+s3], $0x80, v3, vm0, $0xb8;
	[tilespmem:$0x14680] =	vst v63  }
0x456: {  	v3 =	vld [tilespmem:$0x420];
	_ =	sdelay $0x4  }
0x457: {  	v30 =	vshll.u32 v3, $0x2  }
0x458: {  	v3 =	vand.u32 $0x7, v3;
	v4 =	vand.u32 $0xFFFFFFE0, v30  }
0x459: {  	v3 =	vor.u32 v3, v4  }
0x45a: {  	v4 =	vperm.xlane v3, v0;
	_ =	sdelay $0x1  }
0x45b: {  	v4 =	vadd.s32 v1, v4;
	_ =	sdelay $0x1  }
0x45c: {  	v3 =	vperm.xlane v3, v2;
	_ =	sdelay $0x1  }
0x45d: {  	s11 =	simm.s32 $0xC680;
	v3 =	vadd.s32 v1, v3  }
0x45e: {  	[tilespmem:s11], [sflag:$0x1] =	stream.indirect_vreg.gather [hbm4b:s2+s3], $0x80, v4, vm0, $0xb8;
	[tilespmem:$0x14680] =	vst v63  }
0x45f: {  	s12 =	simm.s32 $0xCE80  }
0x460: {  	[tilespmem:s12], [sflag:$0x1] =	stream.indirect_vreg.gather [hbm4b:s4+s3], $0x80, v4, vm0, $0xb8;
	[tilespmem:$0x14680] =	vst v63  }
0x461: {  	s13 =	simm.s32 $0xD680  }
0x462: {  	[tilespmem:s13], [sflag:$0x1] =	stream.indirect_vreg.gather [hbm4b:s2+s3], $0x80, v3, vm0, $0xb8;
	[tilespmem:$0x14680] =	vst v63  }
0x463: {  	s23 =	simm.s32 $0xDE80  }
0x464: {  	[tilespmem:s23], [sflag:$0x1] =	stream.indirect_vreg.gather [hbm4b:s4+s3], $0x80, v3, vm0, $0xb8;
	[tilespmem:$0x14680] =	vst v63  }
0x465: {  	v3 =	vld [tilespmem:$0x430];
	_ =	sdelay $0x4  }
0x466: {  	v31 =	vshll.u32 v3, $0x2  }
0x467: {  	v3 =	vand.u32 $0x7, v3;
	v4 =	vand.u32 $0xFFFFFFE0, v31  }
0x468: {  	v3 =	vor.u32 v3, v4  }
0x469: {  	v4 =	vperm.xlane v3, v0;
	_ =	sdelay $0x1  }
0x46a: {  	v4 =	vadd.s32 v1, v4;
	_ =	sdelay $0x1  }
0x46b: {  	v3 =	vperm.xlane v3, v2;
	_ =	sdelay $0x1  }
0x46c: {  	s14 =	simm.s32 $0xE680;
	v3 =	vadd.s32 v1, v3  }
0x46d: {  	[tilespmem:s14], [sflag:$0x1] =	stream.indirect_vreg.gather [hbm4b:s2+s3], $0x80, v4, vm0, $0xb8;
	[tilespmem:$0x14680] =	vst v63  }
0x46e: {  	s15 =	simm.s32 $0xEE80  }
0x46f: {  	[tilespmem:s15], [sflag:$0x1] =	stream.indirect_vreg.gather [hbm4b:s4+s3], $0x80, v4, vm0, $0xb8;
	[tilespmem:$0x14680] =	vst v63  }
0x470: {  	s16 =	simm.s32 $0xF680  }
0x471: {  	[tilespmem:s16], [sflag:$0x1] =	stream.indirect_vreg.gather [hbm4b:s2+s3], $0x80, v3, vm0, $0xb8;
	[tilespmem:$0x14680] =	vst v63  }
0x472: {  	s23 =	simm.s32 $0xFE80  }
0x473: {  	[tilespmem:s23], [sflag:$0x1] =	stream.indirect_vreg.gather [hbm4b:s4+s3], $0x80, v3, vm0, $0xb8;
	[tilespmem:$0x14680] =	vst v63  }
0x474: {  	v3 =	vld [tilespmem:$0x440];
	_ =	sdelay $0x4  }
0x475: {  	v32 =	vshll.u32 v3, $0x2  }
0x476: {  	v3 =	vand.u32 $0x7, v3;
	v4 =	vand.u32 $0xFFFFFFE0, v32  }
0x477: {  	v3 =	vor.u32 v3, v4  }
0x478: {  	v4 =	vperm.xlane v3, v0;
	_ =	sdelay $0x1  }
0x479: {  	v4 =	vadd.s32 v1, v4;
	_ =	sdelay $0x1  }
0x47a: {  	v3 =	vperm.xlane v3, v2;
	_ =	sdelay $0x1  }
0x47b: {  	s17 =	simm.s32 $0x10680;
	v3 =	vadd.s32 v1, v3  }
0x47c: {  	[tilespmem:s17], [sflag:$0x1] =	stream.indirect_vreg.gather [hbm4b:s2+s3], $0x80, v4, vm0, $0xb8;
	[tilespmem:$0x14680] =	vst v63  }
0x47d: {  	s18 =	simm.s32 $0x10E80  }
0x47e: {  	[tilespmem:s18], [sflag:$0x1] =	stream.indirect_vreg.gather [hbm4b:s4+s3], $0x80, v4, vm0, $0xb8;
	[tilespmem:$0x14680] =	vst v63  }
0x47f: {  	s25 =	simm.s32 $0x11680  }
0x480: {  	[tilespmem:s25], [sflag:$0x1] =	stream.indirect_vreg.gather [hbm4b:s2+s3], $0x80, v3, vm0, $0xb8;
	[tilespmem:$0x14680] =	vst v63  }
0x481: {  	s23 =	simm.s32 $0x11E80  }
0x482: {  	[tilespmem:s23], [sflag:$0x1] =	stream.indirect_vreg.gather [hbm4b:s4+s3], $0x80, v3, vm0, $0xb8;
	[tilespmem:$0x14680] =	vst v63  }
0x483: {  	v3 =	vld [tilespmem:$0x450];
	_ =	sdelay $0x4  }
0x484: {  	v33 =	vshll.u32 v3, $0x2  }
0x485: {  	v3 =	vand.u32 $0x7, v3;
	v4 =	vand.u32 $0xFFFFFFE0, v33  }
0x486: {  	v3 =	vor.u32 v3, v4  }
0x487: {  	v4 =	vperm.xlane v3, v0;
	_ =	sdelay $0x1  }
0x488: {  	v4 =	vadd.s32 v1, v4;
	_ =	sdelay $0x1  }
0x489: {  	v3 =	vperm.xlane v3, v2;
	_ =	sdelay $0x1  }
0x48a: {  	s19 =	simm.s32 $0x12680;
	v3 =	vadd.s32 v1, v3  }
0x48b: {  	[tilespmem:s19], [sflag:$0x1] =	stream.indirect_vreg.gather [hbm4b:s2+s3], $0x80, v4, vm0, $0xb8;
	[tilespmem:$0x14680] =	vst v63  }
0x48c: {  	s23 =	simm.s32 $0x12E80  }
0x48d: {  	[tilespmem:s23], [sflag:$0x1] =	stream.indirect_vreg.gather [hbm4b:s4+s3], $0x80, v4, vm0, $0xb8;
	[tilespmem:$0x14680] =	vst v63  }
0x48e: {  	s23 =	simm.s32 $0x13680  }
0x48f: {  	[tilespmem:s23], [sflag:$0x1] =	stream.indirect_vreg.gather [hbm4b:s2+s3], $0x80, v3, vm0, $0xb8;
	[tilespmem:$0x14680] =	vst v63  }
0x490: {  	s24 =	simm.s32 $0x13E80  }
0x491: {  	[tilespmem:s24], [sflag:$0x1] =	stream.indirect_vreg.gather [hbm4b:s4+s3], $0x80, v3, vm0, $0xb8;
	[tilespmem:$0x14680] =	vst v63  }
0x492: {  	_ =	swait.ge [sflag:s21], $0xA000  }
0x493: {  	[sflag:s21] =	ssyncset.done $0x0  }
0x494: {  	s23 =	rddreg [dreg:$0x11];
	[sflag:s21] =	ssyncadd.s32 $0xFFFF6000  }
0x495: {  	[hbm4b:s23+s3] =	stream.linear.scatter [tilespmem:s10], [sflag:$0x2], $0xA000, $0x38;
	[tilespmem:$0x14680] =	vst v63  }
0x496: {  	_ =	swait.ge [sflag:s22], $0xA000  }
0x497: {  	[sflag:s22] =	ssyncset.done $0x0  }
0x498: {  	[sflag:s22] =	ssyncadd.s32 $0xFFFF6000  }
0x499: {  	v3 =	vld [tilespmem:$0x460];
	_ =	sdelay $0x4  }
0x49a: {  	v34 =	vshll.u32 v3, $0x2  }
0x49b: {  	v3 =	vand.u32 $0x7, v3;
	v4 =	vand.u32 $0xFFFFFFE0, v34  }
0x49c: {  	v3 =	vor.u32 v3, v4  }
0x49d: {  	v4 =	vperm.xlane v3, v0;
	_ =	sdelay $0x1  }
0x49e: {  	v4 =	vadd.s32 v1, v4;
	_ =	sdelay $0x1  }
0x49f: {  	v3 =	vperm.xlane v3, v2;
	_ =	sdelay $0x1  }
0x4a0: {  	v3 =	vadd.s32 v1, v3  }
0x4a1: {  	[tilespmem:s10], [sflag:$0x1] =	stream.indirect_vreg.gather [hbm4b:s2+s3], $0x80, v4, vm0, $0xb8;
	[tilespmem:$0x14680] =	vst v63  }
0x4a2: {  	s23 =	simm.s32 $0xE80  }
0x4a3: {  	[tilespmem:s23], [sflag:$0x1] =	stream.indirect_vreg.gather [hbm4b:s4+s3], $0x80, v4, vm0, $0xb8;
	[tilespmem:$0x14680] =	vst v63  }
0x4a4: {  	s23 =	simm.s32 $0x1680  }
0x4a5: {  	[tilespmem:s23], [sflag:$0x1] =	stream.indirect_vreg.gather [hbm4b:s2+s3], $0x80, v3, vm0, $0xb8;
	[tilespmem:$0x14680] =	vst v63  }
0x4a6: {  	s23 =	simm.s32 $0x1E80  }
0x4a7: {  	[tilespmem:s23], [sflag:$0x1] =	stream.indirect_vreg.gather [hbm4b:s4+s3], $0x80, v3, vm0, $0xb8;
	[tilespmem:$0x14680] =	vst v63  }
0x4a8: {  	v3 =	vld [tilespmem:$0x470];
	_ =	sdelay $0x4  }
0x4a9: {  	v35 =	vshll.u32 v3, $0x2  }
0x4aa: {  	v3 =	vand.u32 $0x7, v3;
	v4 =	vand.u32 $0xFFFFFFE0, v35  }
0x4ab: {  	v3 =	vor.u32 v3, v4  }
0x4ac: {  	v4 =	vperm.xlane v3, v0;
	_ =	sdelay $0x1  }
0x4ad: {  	v4 =	vadd.s32 v1, v4;
	_ =	sdelay $0x1  }
0x4ae: {  	v3 =	vperm.xlane v3, v2;
	_ =	sdelay $0x1  }
0x4af: {  	s23 =	simm.s32 $0x2680;
	v3 =	vadd.s32 v1, v3  }
0x4b0: {  	[tilespmem:s23], [sflag:$0x1] =	stream.indirect_vreg.gather [hbm4b:s2+s3], $0x80, v4, vm0, $0xb8;
	[tilespmem:$0x14680] =	vst v63  }
0x4b1: {  	s23 =	simm.s32 $0x2E80  }
0x4b2: {  	[tilespmem:s23], [sflag:$0x1] =	stream.indirect_vreg.gather [hbm4b:s4+s3], $0x80, v4, vm0, $0xb8;
	[tilespmem:$0x14680] =	vst v63  }
0x4b3: {  	s23 =	simm.s32 $0x3680  }
0x4b4: {  	[tilespmem:s23], [sflag:$0x1] =	stream.indirect_vreg.gather [hbm4b:s2+s3], $0x80, v3, vm0, $0xb8;
	[tilespmem:$0x14680] =	vst v63  }
0x4b5: {  	s23 =	simm.s32 $0x3E80  }
0x4b6: {  	[tilespmem:s23], [sflag:$0x1] =	stream.indirect_vreg.gather [hbm4b:s4+s3], $0x80, v3, vm0, $0xb8;
	[tilespmem:$0x14680] =	vst v63  }
0x4b7: {  	v3 =	vld [tilespmem:$0x480];
	_ =	sdelay $0x4  }
0x4b8: {  	v36 =	vshll.u32 v3, $0x2  }
0x4b9: {  	v3 =	vand.u32 $0x7, v3;
	v4 =	vand.u32 $0xFFFFFFE0, v36  }
0x4ba: {  	v3 =	vor.u32 v3, v4  }
0x4bb: {  	v4 =	vperm.xlane v3, v0;
	_ =	sdelay $0x1  }
0x4bc: {  	v4 =	vadd.s32 v1, v4;
	_ =	sdelay $0x1  }
0x4bd: {  	v3 =	vperm.xlane v3, v2;
	_ =	sdelay $0x1  }
0x4be: {  	s26 =	simm.s32 $0x4680;
	v3 =	vadd.s32 v1, v3  }
0x4bf: {  	[tilespmem:s26], [sflag:$0x1] =	stream.indirect_vreg.gather [hbm4b:s2+s3], $0x80, v4, vm0, $0xb8;
	[tilespmem:$0x14680] =	vst v63  }
0x4c0: {  	s29 =	simm.s32 $0x4E80  }
0x4c1: {  	[tilespmem:s29], [sflag:$0x1] =	stream.indirect_vreg.gather [hbm4b:s4+s3], $0x80, v4, vm0, $0xb8;
	[tilespmem:$0x14680] =	vst v63  }
0x4c2: {  	s30 =	simm.s32 $0x5680  }
0x4c3: {  	[tilespmem:s30], [sflag:$0x1] =	stream.indirect_vreg.gather [hbm4b:s2+s3], $0x80, v3, vm0, $0xb8;
	[tilespmem:$0x14680] =	vst v63  }
0x4c4: {  	s23 =	simm.s32 $0x5E80  }
0x4c5: {  	[tilespmem:s23], [sflag:$0x1] =	stream.indirect_vreg.gather [hbm4b:s4+s3], $0x80, v3, vm0, $0xb8;
	[tilespmem:$0x14680] =	vst v63  }
0x4c6: {  	v3 =	vld [tilespmem:$0x490];
	_ =	sdelay $0x4  }
0x4c7: {  	v37 =	vshll.u32 v3, $0x2  }
0x4c8: {  	v3 =	vand.u32 $0x7, v3;
	v4 =	vand.u32 $0xFFFFFFE0, v37  }
0x4c9: {  	v3 =	vor.u32 v3, v4  }
0x4ca: {  	v4 =	vperm.xlane v3, v0;
	_ =	sdelay $0x1  }
0x4cb: {  	v4 =	vadd.s32 v1, v4;
	_ =	sdelay $0x1  }
0x4cc: {  	v3 =	vperm.xlane v3, v2;
	_ =	sdelay $0x1  }
0x4cd: {  	s31 =	simm.s32 $0x6680;
	v3 =	vadd.s32 v1, v3  }
0x4ce: {  	[tilespmem:s31], [sflag:$0x1] =	stream.indirect_vreg.gather [hbm4b:s2+s3], $0x80, v4, vm0, $0xb8;
	[tilespmem:$0x14680] =	vst v63  }
0x4cf: {  	s23 =	simm.s32 $0x6E80  }
0x4d0: {  	[tilespmem:s23], [sflag:$0x1] =	stream.indirect_vreg.gather [hbm4b:s4+s3], $0x80, v4, vm0, $0xb8;
	[tilespmem:$0x14680] =	vst v63  }
0x4d1: {  	s1 =	simm.s32 $0x7680  }
0x4d2: {  	[tilespmem:s1], [sflag:$0x1] =	stream.indirect_vreg.gather [hbm4b:s2+s3], $0x80, v3, vm0, $0xb8;
	[tilespmem:$0x14680] =	vst v63  }
0x4d3: {  	s8 =	simm.s32 $0x7E80  }
0x4d4: {  	[tilespmem:s8], [sflag:$0x1] =	stream.indirect_vreg.gather [hbm4b:s4+s3], $0x80, v3, vm0, $0xb8;
	[tilespmem:$0x14680] =	vst v63  }
0x4d5: {  	v3 =	vld [tilespmem:$0x4A0];
	_ =	sdelay $0x4  }
0x4d6: {  	v38 =	vshll.u32 v3, $0x2  }
0x4d7: {  	v3 =	vand.u32 $0x7, v3;
	v4 =	vand.u32 $0xFFFFFFE0, v38  }
0x4d8: {  	v3 =	vor.u32 v3, v4  }
0x4d9: {  	v4 =	vperm.xlane v3, v0;
	_ =	sdelay $0x1  }
0x4da: {  	v4 =	vadd.s32 v1, v4;
	_ =	sdelay $0x1  }
0x4db: {  	v3 =	vperm.xlane v3, v2;
	_ =	sdelay $0x1  }
0x4dc: {  	s5 =	simm.s32 $0x8680;
	v3 =	vadd.s32 v1, v3  }
0x4dd: {  	[tilespmem:s5], [sflag:$0x1] =	stream.indirect_vreg.gather [hbm4b:s2+s3], $0x80, v4, vm0, $0xb8;
	[tilespmem:$0x14680] =	vst v63  }
0x4de: {  	s6 =	simm.s32 $0x8E80  }
0x4df: {  	[tilespmem:s6], [sflag:$0x1] =	stream.indirect_vreg.gather [hbm4b:s4+s3], $0x80, v4, vm0, $0xb8;
	[tilespmem:$0x14680] =	vst v63  }
0x4e0: {  	s7 =	simm.s32 $0x9680  }
0x4e1: {  	[tilespmem:s7], [sflag:$0x1] =	stream.indirect_vreg.gather [hbm4b:s2+s3], $0x80, v3, vm0, $0xb8;
	[tilespmem:$0x14680] =	vst v63  }
0x4e2: {  	s9 =	simm.s32 $0x9E80  }
0x4e3: {  	[tilespmem:s9], [sflag:$0x1] =	stream.indirect_vreg.gather [hbm4b:s4+s3], $0x80, v3, vm0, $0xb8;
	[tilespmem:$0x14680] =	vst v63  }
0x4e4: {  	_ =	swait.ge [sflag:s21], $0xA000  }
0x4e5: {  	[sflag:s21] =	ssyncset.done $0x0  }
0x4e6: {  	s1 =	rddreg [dreg:$0x12];
	[sflag:s21] =	ssyncadd.s32 $0xFFFF6000  }
0x4e7: {  	[hbm4b:s1+s3] =	stream.linear.scatter [tilespmem:s28], [sflag:$0x2], $0xA000, $0x38;
	[tilespmem:$0x14680] =	vst v63  }
0x4e8: {  	_ =	swait.ge [sflag:s22], $0xA000  }
0x4e9: {  	[sflag:s22] =	ssyncset.done $0x0  }
0x4ea: {  	[sflag:s22] =	ssyncadd.s32 $0xFFFF6000  }
0x4eb: {  	v3 =	vld [tilespmem:$0x4B0];
	_ =	sdelay $0x4  }
0x4ec: {  	v39 =	vshll.u32 v3, $0x2  }
0x4ed: {  	v3 =	vand.u32 $0x7, v3;
	v4 =	vand.u32 $0xFFFFFFE0, v39  }
0x4ee: {  	v3 =	vor.u32 v3, v4  }
0x4ef: {  	v4 =	vperm.xlane v3, v0;
	_ =	sdelay $0x1  }
0x4f0: {  	v4 =	vadd.s32 v1, v4;
	_ =	sdelay $0x1  }
0x4f1: {  	v3 =	vperm.xlane v3, v2;
	_ =	sdelay $0x1  }
0x4f2: {  	v3 =	vadd.s32 v1, v3  }
0x4f3: {  	[tilespmem:s28], [sflag:$0x1] =	stream.indirect_vreg.gather [hbm4b:s2+s3], $0x80, v4, vm0, $0xb8;
	[tilespmem:$0x14680] =	vst v63  }
0x4f4: {  	s0 =	simm.s32 $0xAE80  }
0x4f5: {  	[tilespmem:s0], [sflag:$0x1] =	stream.indirect_vreg.gather [hbm4b:s4+s3], $0x80, v4, vm0, $0xb8;
	[tilespmem:$0x14680] =	vst v63  }
0x4f6: {  	s20 =	simm.s32 $0xB680  }
0x4f7: {  	[tilespmem:s20], [sflag:$0x1] =	stream.indirect_vreg.gather [hbm4b:s2+s3], $0x80, v3, vm0, $0xb8;
	[tilespmem:$0x14680] =	vst v63  }
0x4f8: {  	s5 =	simm.s32 $0xBE80  }
0x4f9: {  	[tilespmem:s5], [sflag:$0x1] =	stream.indirect_vreg.gather [hbm4b:s4+s3], $0x80, v3, vm0, $0xb8;
	[tilespmem:$0x14680] =	vst v63  }
0x4fa: {  	v3 =	vld [tilespmem:$0x4C0];
	_ =	sdelay $0x4  }
0x4fb: {  	v40 =	vshll.u32 v3, $0x2  }
0x4fc: {  	v3 =	vand.u32 $0x7, v3;
	v4 =	vand.u32 $0xFFFFFFE0, v40  }
0x4fd: {  	v3 =	vor.u32 v3, v4  }
0x4fe: {  	v4 =	vperm.xlane v3, v0;
	_ =	sdelay $0x1  }
0x4ff: {  	v4 =	vadd.s32 v1, v4;
	_ =	sdelay $0x1  }
0x500: {  	v3 =	vperm.xlane v3, v2;
	_ =	sdelay $0x1  }
0x501: {  	s11 =	simm.s32 $0xC680;
	v3 =	vadd.s32 v1, v3  }
0x502: {  	[tilespmem:s11], [sflag:$0x1] =	stream.indirect_vreg.gather [hbm4b:s2+s3], $0x80, v4, vm0, $0xb8;
	[tilespmem:$0x14680] =	vst v63  }
0x503: {  	s12 =	simm.s32 $0xCE80  }
0x504: {  	[tilespmem:s12], [sflag:$0x1] =	stream.indirect_vreg.gather [hbm4b:s4+s3], $0x80, v4, vm0, $0xb8;
	[tilespmem:$0x14680] =	vst v63  }
0x505: {  	s13 =	simm.s32 $0xD680  }
0x506: {  	[tilespmem:s13], [sflag:$0x1] =	stream.indirect_vreg.gather [hbm4b:s2+s3], $0x80, v3, vm0, $0xb8;
	[tilespmem:$0x14680] =	vst v63  }
0x507: {  	s6 =	simm.s32 $0xDE80  }
0x508: {  	[tilespmem:s6], [sflag:$0x1] =	stream.indirect_vreg.gather [hbm4b:s4+s3], $0x80, v3, vm0, $0xb8;
	[tilespmem:$0x14680] =	vst v63  }
0x509: {  	v3 =	vld [tilespmem:$0x4D0];
	_ =	sdelay $0x4  }
0x50a: {  	v41 =	vshll.u32 v3, $0x2  }
0x50b: {  	v3 =	vand.u32 $0x7, v3;
	v4 =	vand.u32 $0xFFFFFFE0, v41  }
0x50c: {  	v3 =	vor.u32 v3, v4  }
0x50d: {  	v4 =	vperm.xlane v3, v0;
	_ =	sdelay $0x1  }
0x50e: {  	v4 =	vadd.s32 v1, v4;
	_ =	sdelay $0x1  }
0x50f: {  	v3 =	vperm.xlane v3, v2;
	_ =	sdelay $0x1  }
0x510: {  	s14 =	simm.s32 $0xE680;
	v3 =	vadd.s32 v1, v3  }
0x511: {  	[tilespmem:s14], [sflag:$0x1] =	stream.indirect_vreg.gather [hbm4b:s2+s3], $0x80, v4, vm0, $0xb8;
	[tilespmem:$0x14680] =	vst v63  }
0x512: {  	s15 =	simm.s32 $0xEE80  }
0x513: {  	[tilespmem:s15], [sflag:$0x1] =	stream.indirect_vreg.gather [hbm4b:s4+s3], $0x80, v4, vm0, $0xb8;
	[tilespmem:$0x14680] =	vst v63  }
0x514: {  	s16 =	simm.s32 $0xF680  }
0x515: {  	[tilespmem:s16], [sflag:$0x1] =	stream.indirect_vreg.gather [hbm4b:s2+s3], $0x80, v3, vm0, $0xb8;
	[tilespmem:$0x14680] =	vst v63  }
0x516: {  	s9 =	simm.s32 $0xFE80  }
0x517: {  	[tilespmem:s9], [sflag:$0x1] =	stream.indirect_vreg.gather [hbm4b:s4+s3], $0x80, v3, vm0, $0xb8;
	[tilespmem:$0x14680] =	vst v63  }
0x518: {  	v3 =	vld [tilespmem:$0x4E0];
	_ =	sdelay $0x4  }
0x519: {  	v42 =	vshll.u32 v3, $0x2  }
0x51a: {  	v3 =	vand.u32 $0x7, v3;
	v4 =	vand.u32 $0xFFFFFFE0, v42  }
0x51b: {  	v3 =	vor.u32 v3, v4  }
0x51c: {  	v4 =	vperm.xlane v3, v0;
	_ =	sdelay $0x1  }
0x51d: {  	v4 =	vadd.s32 v1, v4;
	_ =	sdelay $0x1  }
0x51e: {  	v3 =	vperm.xlane v3, v2;
	_ =	sdelay $0x1  }
0x51f: {  	s17 =	simm.s32 $0x10680;
	v3 =	vadd.s32 v1, v3  }
0x520: {  	[tilespmem:s17], [sflag:$0x1] =	stream.indirect_vreg.gather [hbm4b:s2+s3], $0x80, v4, vm0, $0xb8;
	[tilespmem:$0x14680] =	vst v63  }
0x521: {  	s18 =	simm.s32 $0x10E80  }
0x522: {  	[tilespmem:s18], [sflag:$0x1] =	stream.indirect_vreg.gather [hbm4b:s4+s3], $0x80, v4, vm0, $0xb8;
	[tilespmem:$0x14680] =	vst v63  }
0x523: {  	s25 =	simm.s32 $0x11680  }
0x524: {  	[tilespmem:s25], [sflag:$0x1] =	stream.indirect_vreg.gather [hbm4b:s2+s3], $0x80, v3, vm0, $0xb8;
	[tilespmem:$0x14680] =	vst v63  }
0x525: {  	s11 =	simm.s32 $0x11E80  }
0x526: {  	[tilespmem:s11], [sflag:$0x1] =	stream.indirect_vreg.gather [hbm4b:s4+s3], $0x80, v3, vm0, $0xb8;
	[tilespmem:$0x14680] =	vst v63  }
0x527: {  	v3 =	vld [tilespmem:$0x4F0];
	_ =	sdelay $0x4  }
0x528: {  	v43 =	vshll.u32 v3, $0x2  }
0x529: {  	v3 =	vand.u32 $0x7, v3;
	v4 =	vand.u32 $0xFFFFFFE0, v43  }
0x52a: {  	v3 =	vor.u32 v3, v4  }
0x52b: {  	v4 =	vperm.xlane v3, v0;
	_ =	sdelay $0x1  }
0x52c: {  	v4 =	vadd.s32 v1, v4;
	_ =	sdelay $0x1  }
0x52d: {  	v3 =	vperm.xlane v3, v2;
	_ =	sdelay $0x1  }
0x52e: {  	s19 =	simm.s32 $0x12680;
	v3 =	vadd.s32 v1, v3  }
0x52f: {  	[tilespmem:s19], [sflag:$0x1] =	stream.indirect_vreg.gather [hbm4b:s2+s3], $0x80, v4, vm0, $0xb8;
	[tilespmem:$0x14680] =	vst v63  }
0x530: {  	s19 =	simm.s32 $0x12E80  }
0x531: {  	[tilespmem:s19], [sflag:$0x1] =	stream.indirect_vreg.gather [hbm4b:s4+s3], $0x80, v4, vm0, $0xb8;
	[tilespmem:$0x14680] =	vst v63  }
0x532: {  	s23 =	simm.s32 $0x13680  }
0x533: {  	[tilespmem:s23], [sflag:$0x1] =	stream.indirect_vreg.gather [hbm4b:s2+s3], $0x80, v3, vm0, $0xb8;
	[tilespmem:$0x14680] =	vst v63  }
0x534: {  	s24 =	simm.s32 $0x13E80  }
0x535: {  	[tilespmem:s24], [sflag:$0x1] =	stream.indirect_vreg.gather [hbm4b:s4+s3], $0x80, v3, vm0, $0xb8;
	[tilespmem:$0x14680] =	vst v63  }
0x536: {  	_ =	swait.ge [sflag:s21], $0xA000  }
0x537: {  	[sflag:s21] =	ssyncset.done $0x0  }
0x538: {  	s1 =	rddreg [dreg:$0x13];
	[sflag:s21] =	ssyncadd.s32 $0xFFFF6000  }
0x539: {  	[hbm4b:s1+s3] =	stream.linear.scatter [tilespmem:s10], [sflag:$0x2], $0xA000, $0x38;
	[tilespmem:$0x14680] =	vst v63  }
0x53a: {  	_ =	swait.ge [sflag:s22], $0xA000  }
0x53b: {  	[sflag:s22] =	ssyncset.done $0x0  }
0x53c: {  	[sflag:s22] =	ssyncadd.s32 $0xFFFF6000  }
0x53d: {  	v3 =	vld [tilespmem:$0x500];
	_ =	sdelay $0x4  }
0x53e: {  	v44 =	vshll.u32 v3, $0x2  }
0x53f: {  	v3 =	vand.u32 $0x7, v3;
	v4 =	vand.u32 $0xFFFFFFE0, v44  }
0x540: {  	v3 =	vor.u32 v3, v4  }
0x541: {  	v4 =	vperm.xlane v3, v0;
	_ =	sdelay $0x1  }
0x542: {  	v4 =	vadd.s32 v1, v4;
	_ =	sdelay $0x1  }
0x543: {  	v3 =	vperm.xlane v3, v2;
	_ =	sdelay $0x1  }
0x544: {  	v3 =	vadd.s32 v1, v3  }
0x545: {  	[tilespmem:s10], [sflag:$0x1] =	stream.indirect_vreg.gather [hbm4b:s2+s3], $0x80, v4, vm0, $0xb8;
	[tilespmem:$0x14680] =	vst v63  }
0x546: {  	s5 =	simm.s32 $0xE80  }
0x547: {  	[tilespmem:s5], [sflag:$0x1] =	stream.indirect_vreg.gather [hbm4b:s4+s3], $0x80, v4, vm0, $0xb8;
	[tilespmem:$0x14680] =	vst v63  }
0x548: {  	s6 =	simm.s32 $0x1680  }
0x549: {  	[tilespmem:s6], [sflag:$0x1] =	stream.indirect_vreg.gather [hbm4b:s2+s3], $0x80, v3, vm0, $0xb8;
	[tilespmem:$0x14680] =	vst v63  }
0x54a: {  	s9 =	simm.s32 $0x1E80  }
0x54b: {  	[tilespmem:s9], [sflag:$0x1] =	stream.indirect_vreg.gather [hbm4b:s4+s3], $0x80, v3, vm0, $0xb8;
	[tilespmem:$0x14680] =	vst v63  }
0x54c: {  	v3 =	vld [tilespmem:$0x510];
	_ =	sdelay $0x4  }
0x54d: {  	v45 =	vshll.u32 v3, $0x2  }
0x54e: {  	v3 =	vand.u32 $0x7, v3;
	v4 =	vand.u32 $0xFFFFFFE0, v45  }
0x54f: {  	v3 =	vor.u32 v3, v4  }
0x550: {  	v4 =	vperm.xlane v3, v0;
	_ =	sdelay $0x1  }
0x551: {  	v4 =	vadd.s32 v1, v4;
	_ =	sdelay $0x1  }
0x552: {  	v3 =	vperm.xlane v3, v2;
	_ =	sdelay $0x1  }
0x553: {  	s11 =	simm.s32 $0x2680;
	v3 =	vadd.s32 v1, v3  }
0x554: {  	[tilespmem:s11], [sflag:$0x1] =	stream.indirect_vreg.gather [hbm4b:s2+s3], $0x80, v4, vm0, $0xb8;
	[tilespmem:$0x14680] =	vst v63  }
0x555: {  	s19 =	simm.s32 $0x2E80  }
0x556: {  	[tilespmem:s19], [sflag:$0x1] =	stream.indirect_vreg.gather [hbm4b:s4+s3], $0x80, v4, vm0, $0xb8;
	[tilespmem:$0x14680] =	vst v63  }
0x557: {  	s23 =	simm.s32 $0x3680  }
0x558: {  	[tilespmem:s23], [sflag:$0x1] =	stream.indirect_vreg.gather [hbm4b:s2+s3], $0x80, v3, vm0, $0xb8;
	[tilespmem:$0x14680] =	vst v63  }
0x559: {  	s24 =	simm.s32 $0x3E80  }
0x55a: {  	[tilespmem:s24], [sflag:$0x1] =	stream.indirect_vreg.gather [hbm4b:s4+s3], $0x80, v3, vm0, $0xb8;
	[tilespmem:$0x14680] =	vst v63  }
0x55b: {  	v3 =	vld [tilespmem:$0x520];
	_ =	sdelay $0x4  }
0x55c: {  	v46 =	vshll.u32 v3, $0x2  }
0x55d: {  	v3 =	vand.u32 $0x7, v3;
	v4 =	vand.u32 $0xFFFFFFE0, v46  }
0x55e: {  	v3 =	vor.u32 v3, v4  }
0x55f: {  	v4 =	vperm.xlane v3, v0;
	_ =	sdelay $0x1  }
0x560: {  	v4 =	vadd.s32 v1, v4;
	_ =	sdelay $0x1  }
0x561: {  	v3 =	vperm.xlane v3, v2;
	_ =	sdelay $0x1  }
0x562: {  	s26 =	simm.s32 $0x4680;
	v3 =	vadd.s32 v1, v3  }
0x563: {  	[tilespmem:s26], [sflag:$0x1] =	stream.indirect_vreg.gather [hbm4b:s2+s3], $0x80, v4, vm0, $0xb8;
	[tilespmem:$0x14680] =	vst v63  }
0x564: {  	s29 =	simm.s32 $0x4E80  }
0x565: {  	[tilespmem:s29], [sflag:$0x1] =	stream.indirect_vreg.gather [hbm4b:s4+s3], $0x80, v4, vm0, $0xb8;
	[tilespmem:$0x14680] =	vst v63  }
0x566: {  	s30 =	simm.s32 $0x5680  }
0x567: {  	[tilespmem:s30], [sflag:$0x1] =	stream.indirect_vreg.gather [hbm4b:s2+s3], $0x80, v3, vm0, $0xb8;
	[tilespmem:$0x14680] =	vst v63  }
0x568: {  	s30 =	simm.s32 $0x5E80  }
0x569: {  	[tilespmem:s30], [sflag:$0x1] =	stream.indirect_vreg.gather [hbm4b:s4+s3], $0x80, v3, vm0, $0xb8;
	[tilespmem:$0x14680] =	vst v63  }
0x56a: {  	v3 =	vld [tilespmem:$0x530];
	_ =	sdelay $0x4  }
0x56b: {  	v47 =	vshll.u32 v3, $0x2  }
0x56c: {  	v3 =	vand.u32 $0x7, v3;
	v4 =	vand.u32 $0xFFFFFFE0, v47  }
0x56d: {  	v3 =	vor.u32 v3, v4  }
0x56e: {  	v4 =	vperm.xlane v3, v0;
	_ =	sdelay $0x1  }
0x56f: {  	v4 =	vadd.s32 v1, v4;
	_ =	sdelay $0x1  }
0x570: {  	v3 =	vperm.xlane v3, v2;
	_ =	sdelay $0x1  }
0x571: {  	s31 =	simm.s32 $0x6680;
	v3 =	vadd.s32 v1, v3  }
0x572: {  	[tilespmem:s31], [sflag:$0x1] =	stream.indirect_vreg.gather [hbm4b:s2+s3], $0x80, v4, vm0, $0xb8;
	[tilespmem:$0x14680] =	vst v63  }
0x573: {  	s6 =	simm.s32 $0x6E80  }
0x574: {  	[tilespmem:s6], [sflag:$0x1] =	stream.indirect_vreg.gather [hbm4b:s4+s3], $0x80, v4, vm0, $0xb8;
	[tilespmem:$0x14680] =	vst v63  }
0x575: {  	s9 =	simm.s32 $0x7680  }
0x576: {  	[tilespmem:s9], [sflag:$0x1] =	stream.indirect_vreg.gather [hbm4b:s2+s3], $0x80, v3, vm0, $0xb8;
	[tilespmem:$0x14680] =	vst v63  }
0x577: {  	s11 =	simm.s32 $0x7E80  }
0x578: {  	[tilespmem:s11], [sflag:$0x1] =	stream.indirect_vreg.gather [hbm4b:s4+s3], $0x80, v3, vm0, $0xb8;
	[tilespmem:$0x14680] =	vst v63  }
0x579: {  	v3 =	vld [tilespmem:$0x540];
	_ =	sdelay $0x4  }
0x57a: {  	v48 =	vshll.u32 v3, $0x2  }
0x57b: {  	v3 =	vand.u32 $0x7, v3;
	v4 =	vand.u32 $0xFFFFFFE0, v48  }
0x57c: {  	v3 =	vor.u32 v3, v4  }
0x57d: {  	v4 =	vperm.xlane v3, v0;
	_ =	sdelay $0x1  }
0x57e: {  	v4 =	vadd.s32 v1, v4;
	_ =	sdelay $0x1  }
0x57f: {  	v3 =	vperm.xlane v3, v2;
	_ =	sdelay $0x1  }
0x580: {  	s8 =	simm.s32 $0x8680;
	v3 =	vadd.s32 v1, v3  }
0x581: {  	[tilespmem:s8], [sflag:$0x1] =	stream.indirect_vreg.gather [hbm4b:s2+s3], $0x80, v4, vm0, $0xb8;
	[tilespmem:$0x14680] =	vst v63  }
0x582: {  	s19 =	simm.s32 $0x8E80  }
0x583: {  	[tilespmem:s19], [sflag:$0x1] =	stream.indirect_vreg.gather [hbm4b:s4+s3], $0x80, v4, vm0, $0xb8;
	[tilespmem:$0x14680] =	vst v63  }
0x584: {  	s7 =	simm.s32 $0x9680  }
0x585: {  	[tilespmem:s7], [sflag:$0x1] =	stream.indirect_vreg.gather [hbm4b:s2+s3], $0x80, v3, vm0, $0xb8;
	[tilespmem:$0x14680] =	vst v63  }
0x586: {  	s23 =	simm.s32 $0x9E80  }
0x587: {  	[tilespmem:s23], [sflag:$0x1] =	stream.indirect_vreg.gather [hbm4b:s4+s3], $0x80, v3, vm0, $0xb8;
	[tilespmem:$0x14680] =	vst v63  }
0x588: {  	_ =	swait.ge [sflag:s21], $0xA000  }
0x589: {  	[sflag:s21] =	ssyncset.done $0x0  }
0x58a: {  	s24 =	rddreg [dreg:$0x14];
	[sflag:s21] =	ssyncadd.s32 $0xFFFF6000  }
0x58b: {  	[hbm4b:s24+s3] =	stream.linear.scatter [tilespmem:s28], [sflag:$0x2], $0xA000, $0x38;
	[tilespmem:$0x14680] =	vst v63  }
0x58c: {  	_ =	swait.ge [sflag:s22], $0xA000  }
0x58d: {  	[sflag:s22] =	ssyncset.done $0x0  }
0x58e: {  	[sflag:s22] =	ssyncadd.s32 $0xFFFF6000  }
0x58f: {  	v3 =	vld [tilespmem:$0x550];
	_ =	sdelay $0x4  }
0x590: {  	v49 =	vshll.u32 v3, $0x2  }
0x591: {  	v3 =	vand.u32 $0x7, v3;
	v4 =	vand.u32 $0xFFFFFFE0, v49  }
0x592: {  	v3 =	vor.u32 v3, v4  }
0x593: {  	v4 =	vperm.xlane v3, v0;
	_ =	sdelay $0x1  }
0x594: {  	v4 =	vadd.s32 v1, v4;
	_ =	sdelay $0x1  }
0x595: {  	v3 =	vperm.xlane v3, v2;
	_ =	sdelay $0x1  }
0x596: {  	v3 =	vadd.s32 v1, v3  }
0x597: {  	[tilespmem:s28], [sflag:$0x1] =	stream.indirect_vreg.gather [hbm4b:s2+s3], $0x80, v4, vm0, $0xb8;
	[tilespmem:$0x14680] =	vst v63  }
0x598: {  	s0 =	simm.s32 $0xAE80  }
0x599: {  	[tilespmem:s0], [sflag:$0x1] =	stream.indirect_vreg.gather [hbm4b:s4+s3], $0x80, v4, vm0, $0xb8;
	[tilespmem:$0x14680] =	vst v63  }
0x59a: {  	s19 =	simm.s32 $0xB680  }
0x59b: {  	[tilespmem:s19], [sflag:$0x1] =	stream.indirect_vreg.gather [hbm4b:s2+s3], $0x80, v3, vm0, $0xb8;
	[tilespmem:$0x14680] =	vst v63  }
0x59c: {  	s23 =	simm.s32 $0xBE80  }
0x59d: {  	[tilespmem:s23], [sflag:$0x1] =	stream.indirect_vreg.gather [hbm4b:s4+s3], $0x80, v3, vm0, $0xb8;
	[tilespmem:$0x14680] =	vst v63  }
0x59e: {  	v3 =	vld [tilespmem:$0x560];
	_ =	sdelay $0x4  }
0x59f: {  	v50 =	vshll.u32 v3, $0x2  }
0x5a0: {  	v3 =	vand.u32 $0x7, v3;
	v4 =	vand.u32 $0xFFFFFFE0, v50  }
0x5a1: {  	v3 =	vor.u32 v3, v4  }
0x5a2: {  	v4 =	vperm.xlane v3, v0;
	_ =	sdelay $0x1  }
0x5a3: {  	v4 =	vadd.s32 v1, v4;
	_ =	sdelay $0x1  }
0x5a4: {  	v3 =	vperm.xlane v3, v2;
	_ =	sdelay $0x1  }
0x5a5: {  	s20 =	simm.s32 $0xC680;
	v3 =	vadd.s32 v1, v3  }
0x5a6: {  	[tilespmem:s20], [sflag:$0x1] =	stream.indirect_vreg.gather [hbm4b:s2+s3], $0x80, v4, vm0, $0xb8;
	[tilespmem:$0x14680] =	vst v63  }
0x5a7: {  	s12 =	simm.s32 $0xCE80  }
0x5a8: {  	[tilespmem:s12], [sflag:$0x1] =	stream.indirect_vreg.gather [hbm4b:s4+s3], $0x80, v4, vm0, $0xb8;
	[tilespmem:$0x14680] =	vst v63  }
0x5a9: {  	s13 =	simm.s32 $0xD680  }
0x5aa: {  	[tilespmem:s13], [sflag:$0x1] =	stream.indirect_vreg.gather [hbm4b:s2+s3], $0x80, v3, vm0, $0xb8;
	[tilespmem:$0x14680] =	vst v63  }
0x5ab: {  	s23 =	simm.s32 $0xDE80  }
0x5ac: {  	[tilespmem:s23], [sflag:$0x1] =	stream.indirect_vreg.gather [hbm4b:s4+s3], $0x80, v3, vm0, $0xb8;
	[tilespmem:$0x14680] =	vst v63  }
0x5ad: {  	v3 =	vld [tilespmem:$0x570];
	_ =	sdelay $0x4  }
0x5ae: {  	v51 =	vshll.u32 v3, $0x2  }
0x5af: {  	v3 =	vand.u32 $0x7, v3;
	v4 =	vand.u32 $0xFFFFFFE0, v51  }
0x5b0: {  	v3 =	vor.u32 v3, v4  }
0x5b1: {  	v4 =	vperm.xlane v3, v0;
	_ =	sdelay $0x1  }
0x5b2: {  	v4 =	vadd.s32 v1, v4;
	_ =	sdelay $0x1  }
0x5b3: {  	v3 =	vperm.xlane v3, v2;
	_ =	sdelay $0x1  }
0x5b4: {  	s14 =	simm.s32 $0xE680;
	v3 =	vadd.s32 v1, v3  }
0x5b5: {  	[tilespmem:s14], [sflag:$0x1] =	stream.indirect_vreg.gather [hbm4b:s2+s3], $0x80, v4, vm0, $0xb8;
	[tilespmem:$0x14680] =	vst v63  }
0x5b6: {  	s15 =	simm.s32 $0xEE80  }
0x5b7: {  	[tilespmem:s15], [sflag:$0x1] =	stream.indirect_vreg.gather [hbm4b:s4+s3], $0x80, v4, vm0, $0xb8;
	[tilespmem:$0x14680] =	vst v63  }
0x5b8: {  	s16 =	simm.s32 $0xF680  }
0x5b9: {  	[tilespmem:s16], [sflag:$0x1] =	stream.indirect_vreg.gather [hbm4b:s2+s3], $0x80, v3, vm0, $0xb8;
	[tilespmem:$0x14680] =	vst v63  }
0x5ba: {  	s23 =	simm.s32 $0xFE80  }
0x5bb: {  	[tilespmem:s23], [sflag:$0x1] =	stream.indirect_vreg.gather [hbm4b:s4+s3], $0x80, v3, vm0, $0xb8;
	[tilespmem:$0x14680] =	vst v63  }
0x5bc: {  	v3 =	vld [tilespmem:$0x580];
	_ =	sdelay $0x4  }
0x5bd: {  	v52 =	vshll.u32 v3, $0x2  }
0x5be: {  	v3 =	vand.u32 $0x7, v3;
	v4 =	vand.u32 $0xFFFFFFE0, v52  }
0x5bf: {  	v3 =	vor.u32 v3, v4  }
0x5c0: {  	v4 =	vperm.xlane v3, v0;
	_ =	sdelay $0x1  }
0x5c1: {  	v4 =	vadd.s32 v1, v4;
	_ =	sdelay $0x1  }
0x5c2: {  	v3 =	vperm.xlane v3, v2;
	_ =	sdelay $0x1  }
0x5c3: {  	s17 =	simm.s32 $0x10680;
	v3 =	vadd.s32 v1, v3  }
0x5c4: {  	[tilespmem:s17], [sflag:$0x1] =	stream.indirect_vreg.gather [hbm4b:s2+s3], $0x80, v4, vm0, $0xb8;
	[tilespmem:$0x14680] =	vst v63  }
0x5c5: {  	s18 =	simm.s32 $0x10E80  }
0x5c6: {  	[tilespmem:s18], [sflag:$0x1] =	stream.indirect_vreg.gather [hbm4b:s4+s3], $0x80, v4, vm0, $0xb8;
	[tilespmem:$0x14680] =	vst v63  }
0x5c7: {  	s25 =	simm.s32 $0x11680  }
0x5c8: {  	[tilespmem:s25], [sflag:$0x1] =	stream.indirect_vreg.gather [hbm4b:s2+s3], $0x80, v3, vm0, $0xb8;
	[tilespmem:$0x14680] =	vst v63  }
0x5c9: {  	s25 =	simm.s32 $0x11E80  }
0x5ca: {  	[tilespmem:s25], [sflag:$0x1] =	stream.indirect_vreg.gather [hbm4b:s4+s3], $0x80, v3, vm0, $0xb8;
	[tilespmem:$0x14680] =	vst v63  }
0x5cb: {  	v3 =	vld [tilespmem:$0x590];
	_ =	sdelay $0x4  }
0x5cc: {  	v53 =	vshll.u32 v3, $0x2  }
0x5cd: {  	v3 =	vand.u32 $0x7, v3;
	v4 =	vand.u32 $0xFFFFFFE0, v53  }
0x5ce: {  	v3 =	vor.u32 v3, v4  }
0x5cf: {  	v4 =	vperm.xlane v3, v0;
	_ =	sdelay $0x1  }
0x5d0: {  	v4 =	vadd.s32 v1, v4;
	_ =	sdelay $0x1  }
0x5d1: {  	v3 =	vperm.xlane v3, v2;
	_ =	sdelay $0x1  }
0x5d2: {  	s25 =	simm.s32 $0x12680;
	v3 =	vadd.s32 v1, v3  }
0x5d3: {  	[tilespmem:s25], [sflag:$0x1] =	stream.indirect_vreg.gather [hbm4b:s2+s3], $0x80, v4, vm0, $0xb8;
	[tilespmem:$0x14680] =	vst v63  }
0x5d4: {  	s23 =	simm.s32 $0x12E80  }
0x5d5: {  	[tilespmem:s23], [sflag:$0x1] =	stream.indirect_vreg.gather [hbm4b:s4+s3], $0x80, v4, vm0, $0xb8;
	[tilespmem:$0x14680] =	vst v63  }
0x5d6: {  	s23 =	simm.s32 $0x13680  }
0x5d7: {  	[tilespmem:s23], [sflag:$0x1] =	stream.indirect_vreg.gather [hbm4b:s2+s3], $0x80, v3, vm0, $0xb8;
	[tilespmem:$0x14680] =	vst v63  }
0x5d8: {  	s23 =	simm.s32 $0x13E80  }
0x5d9: {  	[tilespmem:s23], [sflag:$0x1] =	stream.indirect_vreg.gather [hbm4b:s4+s3], $0x80, v3, vm0, $0xb8;
	[tilespmem:$0x14680] =	vst v63  }
0x5da: {  	_ =	swait.ge [sflag:s21], $0xA000  }
0x5db: {  	[sflag:s21] =	ssyncset.done $0x0  }
0x5dc: {  	s23 =	rddreg [dreg:$0x15];
	[sflag:s21] =	ssyncadd.s32 $0xFFFF6000  }
0x5dd: {  	[hbm4b:s23+s3] =	stream.linear.scatter [tilespmem:s10], [sflag:$0x2], $0xA000, $0x38;
	[tilespmem:$0x14680] =	vst v63  }
0x5de: {  	_ =	swait.ge [sflag:s22], $0xA000  }
0x5df: {  	[sflag:s22] =	ssyncset.done $0x0  }
0x5e0: {  	[sflag:s22] =	ssyncadd.s32 $0xFFFF6000  }
0x5e1: {  	v3 =	vld [tilespmem:$0x5A0];
	_ =	sdelay $0x4  }
0x5e2: {  	v54 =	vshll.u32 v3, $0x2  }
0x5e3: {  	v3 =	vand.u32 $0x7, v3;
	v4 =	vand.u32 $0xFFFFFFE0, v54  }
0x5e4: {  	v3 =	vor.u32 v3, v4  }
0x5e5: {  	v4 =	vperm.xlane v3, v0;
	_ =	sdelay $0x1  }
0x5e6: {  	v4 =	vadd.s32 v1, v4;
	_ =	sdelay $0x1  }
0x5e7: {  	v3 =	vperm.xlane v3, v2;
	_ =	sdelay $0x1  }
0x5e8: {  	v3 =	vadd.s32 v1, v3  }
0x5e9: {  	[tilespmem:s10], [sflag:$0x1] =	stream.indirect_vreg.gather [hbm4b:s2+s3], $0x80, v4, vm0, $0xb8;
	[tilespmem:$0x14680] =	vst v63  }
0x5ea: {  	s23 =	simm.s32 $0xE80  }
0x5eb: {  	[tilespmem:s23], [sflag:$0x1] =	stream.indirect_vreg.gather [hbm4b:s4+s3], $0x80, v4, vm0, $0xb8;
	[tilespmem:$0x14680] =	vst v63  }
0x5ec: {  	s23 =	simm.s32 $0x1680  }
0x5ed: {  	[tilespmem:s23], [sflag:$0x1] =	stream.indirect_vreg.gather [hbm4b:s2+s3], $0x80, v3, vm0, $0xb8;
	[tilespmem:$0x14680] =	vst v63  }
0x5ee: {  	s23 =	simm.s32 $0x1E80  }
0x5ef: {  	[tilespmem:s23], [sflag:$0x1] =	stream.indirect_vreg.gather [hbm4b:s4+s3], $0x80, v3, vm0, $0xb8;
	[tilespmem:$0x14680] =	vst v63  }
0x5f0: {  	v3 =	vld [tilespmem:$0x5B0];
	_ =	sdelay $0x4  }
0x5f1: {  	v55 =	vshll.u32 v3, $0x2  }
0x5f2: {  	v3 =	vand.u32 $0x7, v3;
	v4 =	vand.u32 $0xFFFFFFE0, v55  }
0x5f3: {  	v3 =	vor.u32 v3, v4  }
0x5f4: {  	v4 =	vperm.xlane v3, v0;
	_ =	sdelay $0x1  }
0x5f5: {  	v4 =	vadd.s32 v1, v4;
	_ =	sdelay $0x1  }
0x5f6: {  	v3 =	vperm.xlane v3, v2;
	_ =	sdelay $0x1  }
0x5f7: {  	s23 =	simm.s32 $0x2680;
	v3 =	vadd.s32 v1, v3  }
0x5f8: {  	[tilespmem:s23], [sflag:$0x1] =	stream.indirect_vreg.gather [hbm4b:s2+s3], $0x80, v4, vm0, $0xb8;
	[tilespmem:$0x14680] =	vst v63  }
0x5f9: {  	s23 =	simm.s32 $0x2E80  }
0x5fa: {  	[tilespmem:s23], [sflag:$0x1] =	stream.indirect_vreg.gather [hbm4b:s4+s3], $0x80, v4, vm0, $0xb8;
	[tilespmem:$0x14680] =	vst v63  }
0x5fb: {  	s23 =	simm.s32 $0x3680  }
0x5fc: {  	[tilespmem:s23], [sflag:$0x1] =	stream.indirect_vreg.gather [hbm4b:s2+s3], $0x80, v3, vm0, $0xb8;
	[tilespmem:$0x14680] =	vst v63  }
0x5fd: {  	s23 =	simm.s32 $0x3E80  }
0x5fe: {  	[tilespmem:s23], [sflag:$0x1] =	stream.indirect_vreg.gather [hbm4b:s4+s3], $0x80, v3, vm0, $0xb8;
	[tilespmem:$0x14680] =	vst v63  }
0x5ff: {  	v3 =	vld [tilespmem:$0x5C0];
	_ =	sdelay $0x4  }
0x600: {  	v56 =	vshll.u32 v3, $0x2  }
0x601: {  	v3 =	vand.u32 $0x7, v3;
	v4 =	vand.u32 $0xFFFFFFE0, v56  }
0x602: {  	v3 =	vor.u32 v3, v4  }
0x603: {  	v4 =	vperm.xlane v3, v0;
	_ =	sdelay $0x1  }
0x604: {  	v4 =	vadd.s32 v1, v4;
	_ =	sdelay $0x1  }
0x605: {  	v3 =	vperm.xlane v3, v2;
	_ =	sdelay $0x1  }
0x606: {  	s1 =	simm.s32 $0x4680;
	v3 =	vadd.s32 v1, v3  }
0x607: {  	[tilespmem:s1], [sflag:$0x1] =	stream.indirect_vreg.gather [hbm4b:s2+s3], $0x80, v4, vm0, $0xb8;
	[tilespmem:$0x14680] =	vst v63  }
0x608: {  	s26 =	simm.s32 $0x4E80  }
0x609: {  	[tilespmem:s26], [sflag:$0x1] =	stream.indirect_vreg.gather [hbm4b:s4+s3], $0x80, v4, vm0, $0xb8;
	[tilespmem:$0x14680] =	vst v63  }
0x60a: {  	s29 =	simm.s32 $0x5680  }
0x60b: {  	[tilespmem:s29], [sflag:$0x1] =	stream.indirect_vreg.gather [hbm4b:s2+s3], $0x80, v3, vm0, $0xb8;
	[tilespmem:$0x14680] =	vst v63  }
0x60c: {  	s29 =	simm.s32 $0x5E80  }
0x60d: {  	[tilespmem:s29], [sflag:$0x1] =	stream.indirect_vreg.gather [hbm4b:s4+s3], $0x80, v3, vm0, $0xb8;
	[tilespmem:$0x14680] =	vst v63  }
0x60e: {  	v3 =	vld [tilespmem:$0x5D0];
	_ =	sdelay $0x4  }
0x60f: {  	v57 =	vshll.u32 v3, $0x2  }
0x610: {  	v3 =	vand.u32 $0x7, v3;
	v4 =	vand.u32 $0xFFFFFFE0, v57  }
0x611: {  	v3 =	vor.u32 v3, v4  }
0x612: {  	v4 =	vperm.xlane v3, v0;
	_ =	sdelay $0x1  }
0x613: {  	v4 =	vadd.s32 v1, v4;
	_ =	sdelay $0x1  }
0x614: {  	v3 =	vperm.xlane v3, v2;
	_ =	sdelay $0x1  }
0x615: {  	s30 =	simm.s32 $0x6680;
	v3 =	vadd.s32 v1, v3  }
0x616: {  	[tilespmem:s30], [sflag:$0x1] =	stream.indirect_vreg.gather [hbm4b:s2+s3], $0x80, v4, vm0, $0xb8;
	[tilespmem:$0x14680] =	vst v63  }
0x617: {  	s31 =	simm.s32 $0x6E80  }
0x618: {  	[tilespmem:s31], [sflag:$0x1] =	stream.indirect_vreg.gather [hbm4b:s4+s3], $0x80, v4, vm0, $0xb8;
	[tilespmem:$0x14680] =	vst v63  }
0x619: {  	s5 =	simm.s32 $0x7680  }
0x61a: {  	[tilespmem:s5], [sflag:$0x1] =	stream.indirect_vreg.gather [hbm4b:s2+s3], $0x80, v3, vm0, $0xb8;
	[tilespmem:$0x14680] =	vst v63  }
0x61b: {  	s9 =	simm.s32 $0x7E80  }
0x61c: {  	[tilespmem:s9], [sflag:$0x1] =	stream.indirect_vreg.gather [hbm4b:s4+s3], $0x80, v3, vm0, $0xb8;
	[tilespmem:$0x14680] =	vst v63  }
0x61d: {  	v3 =	vld [tilespmem:$0x5E0];
	_ =	sdelay $0x4  }
0x61e: {  	v58 =	vshll.u32 v3, $0x2  }
0x61f: {  	v3 =	vand.u32 $0x7, v3;
	v4 =	vand.u32 $0xFFFFFFE0, v58  }
0x620: {  	v3 =	vor.u32 v3, v4  }
0x621: {  	v4 =	vperm.xlane v3, v0;
	_ =	sdelay $0x1  }
0x622: {  	v4 =	vadd.s32 v1, v4;
	_ =	sdelay $0x1  }
0x623: {  	v3 =	vperm.xlane v3, v2;
	_ =	sdelay $0x1  }
0x624: {  	s6 =	simm.s32 $0x8680;
	v3 =	vadd.s32 v1, v3  }
0x625: {  	[tilespmem:s6], [sflag:$0x1] =	stream.indirect_vreg.gather [hbm4b:s2+s3], $0x80, v4, vm0, $0xb8;
	[tilespmem:$0x14680] =	vst v63  }
0x626: {  	s8 =	simm.s32 $0x8E80  }
0x627: {  	[tilespmem:s8], [sflag:$0x1] =	stream.indirect_vreg.gather [hbm4b:s4+s3], $0x80, v4, vm0, $0xb8;
	[tilespmem:$0x14680] =	vst v63  }
0x628: {  	s7 =	simm.s32 $0x9680  }
0x629: {  	[tilespmem:s7], [sflag:$0x1] =	stream.indirect_vreg.gather [hbm4b:s2+s3], $0x80, v3, vm0, $0xb8;
	[tilespmem:$0x14680] =	vst v63  }
0x62a: {  	s11 =	simm.s32 $0x9E80  }
0x62b: {  	[tilespmem:s11], [sflag:$0x1] =	stream.indirect_vreg.gather [hbm4b:s4+s3], $0x80, v3, vm0, $0xb8;
	[tilespmem:$0x14680] =	vst v63  }
0x62c: {  	_ =	swait.ge [sflag:s21], $0xA000  }
0x62d: {  	[sflag:s21] =	ssyncset.done $0x0  }
0x62e: {  	s9 =	rddreg [dreg:$0x16];
	[sflag:s21] =	ssyncadd.s32 $0xFFFF6000  }
0x62f: {  	[hbm4b:s9+s3] =	stream.linear.scatter [tilespmem:s28], [sflag:$0x2], $0xA000, $0x38;
	[tilespmem:$0x14680] =	vst v63  }
0x630: {  	_ =	swait.ge [sflag:s22], $0xA000  }
0x631: {  	[sflag:s22] =	ssyncset.done $0x0  }
0x632: {  	[sflag:s22] =	ssyncadd.s32 $0xFFFF6000  }
0x633: {  	v3 =	vld [tilespmem:$0x5F0];
	_ =	sdelay $0x4  }
0x634: {  	v59 =	vshll.u32 v3, $0x2  }
0x635: {  	v3 =	vand.u32 $0x7, v3;
	v4 =	vand.u32 $0xFFFFFFE0, v59  }
0x636: {  	v3 =	vor.u32 v3, v4  }
0x637: {  	v4 =	vperm.xlane v3, v0;
	_ =	sdelay $0x1  }
0x638: {  	v4 =	vadd.s32 v1, v4;
	_ =	sdelay $0x1  }
0x639: {  	v3 =	vperm.xlane v3, v2;
	_ =	sdelay $0x1  }
0x63a: {  	v3 =	vadd.s32 v1, v3  }
0x63b: {  	[tilespmem:s28], [sflag:$0x1] =	stream.indirect_vreg.gather [hbm4b:s2+s3], $0x80, v4, vm0, $0xb8;
	[tilespmem:$0x14680] =	vst v63  }
0x63c: {  	s24 =	simm.s32 $0xAE80  }
0x63d: {  	[tilespmem:s24], [sflag:$0x1] =	stream.indirect_vreg.gather [hbm4b:s4+s3], $0x80, v4, vm0, $0xb8;
	[tilespmem:$0x14680] =	vst v63  }
0x63e: {  	s19 =	simm.s32 $0xB680  }
0x63f: {  	[tilespmem:s19], [sflag:$0x1] =	stream.indirect_vreg.gather [hbm4b:s2+s3], $0x80, v3, vm0, $0xb8;
	[tilespmem:$0x14680] =	vst v63  }
0x640: {  	s11 =	simm.s32 $0xBE80  }
0x641: {  	[tilespmem:s11], [sflag:$0x1] =	stream.indirect_vreg.gather [hbm4b:s4+s3], $0x80, v3, vm0, $0xb8;
	[tilespmem:$0x14680] =	vst v63  }
0x642: {  	v3 =	vld [tilespmem:$0x600];
	_ =	sdelay $0x4  }
0x643: {  	v60 =	vshll.u32 v3, $0x2  }
0x644: {  	v3 =	vand.u32 $0x7, v3;
	v4 =	vand.u32 $0xFFFFFFE0, v60  }
0x645: {  	v3 =	vor.u32 v3, v4  }
0x646: {  	v4 =	vperm.xlane v3, v0;
	_ =	sdelay $0x1  }
0x647: {  	v4 =	vadd.s32 v1, v4;
	_ =	sdelay $0x1  }
0x648: {  	v3 =	vperm.xlane v3, v2;
	_ =	sdelay $0x1  }
0x649: {  	s0 =	simm.s32 $0xC680;
	v3 =	vadd.s32 v1, v3  }
0x64a: {  	[tilespmem:s0], [sflag:$0x1] =	stream.indirect_vreg.gather [hbm4b:s2+s3], $0x80, v4, vm0, $0xb8;
	[tilespmem:$0x14680] =	vst v63  }
0x64b: {  	s20 =	simm.s32 $0xCE80  }
0x64c: {  	[tilespmem:s20], [sflag:$0x1] =	stream.indirect_vreg.gather [hbm4b:s4+s3], $0x80, v4, vm0, $0xb8;
	[tilespmem:$0x14680] =	vst v63  }
0x64d: {  	s12 =	simm.s32 $0xD680  }
0x64e: {  	[tilespmem:s12], [sflag:$0x1] =	stream.indirect_vreg.gather [hbm4b:s2+s3], $0x80, v3, vm0, $0xb8;
	[tilespmem:$0x14680] =	vst v63  }
0x64f: {  	s20 =	simm.s32 $0xDE80  }
0x650: {  	[tilespmem:s20], [sflag:$0x1] =	stream.indirect_vreg.gather [hbm4b:s4+s3], $0x80, v3, vm0, $0xb8;
	[tilespmem:$0x14680] =	vst v63  }
0x651: {  	v3 =	vld [tilespmem:$0x610];
	_ =	sdelay $0x4  }
0x652: {  	v61 =	vshll.u32 v3, $0x2  }
0x653: {  	v3 =	vand.u32 $0x7, v3;
	v4 =	vand.u32 $0xFFFFFFE0, v61  }
0x654: {  	v3 =	vor.u32 v3, v4  }
0x655: {  	v4 =	vperm.xlane v3, v0;
	_ =	sdelay $0x1  }
0x656: {  	v4 =	vadd.s32 v1, v4;
	_ =	sdelay $0x1  }
0x657: {  	v3 =	vperm.xlane v3, v2;
	_ =	sdelay $0x1  }
0x658: {  	s13 =	simm.s32 $0xE680;
	v3 =	vadd.s32 v1, v3  }
0x659: {  	[tilespmem:s13], [sflag:$0x1] =	stream.indirect_vreg.gather [hbm4b:s2+s3], $0x80, v4, vm0, $0xb8;
	[tilespmem:$0x14680] =	vst v63  }
0x65a: {  	s14 =	simm.s32 $0xEE80  }
0x65b: {  	[tilespmem:s14], [sflag:$0x1] =	stream.indirect_vreg.gather [hbm4b:s4+s3], $0x80, v4, vm0, $0xb8;
	[tilespmem:$0x14680] =	vst v63  }
0x65c: {  	s15 =	simm.s32 $0xF680  }
0x65d: {  	[tilespmem:s15], [sflag:$0x1] =	stream.indirect_vreg.gather [hbm4b:s2+s3], $0x80, v3, vm0, $0xb8;
	[tilespmem:$0x14680] =	vst v63  }
0x65e: {  	s23 =	simm.s32 $0xFE80  }
0x65f: {  	[tilespmem:s23], [sflag:$0x1] =	stream.indirect_vreg.gather [hbm4b:s4+s3], $0x80, v3, vm0, $0xb8;
	[tilespmem:$0x14680] =	vst v63  }
0x660: {  	v3 =	vld [tilespmem:$0x620];
	_ =	sdelay $0x4  }
0x661: {  	v62 =	vshll.u32 v3, $0x2  }
0x662: {  	v3 =	vand.u32 $0x7, v3;
	v4 =	vand.u32 $0xFFFFFFE0, v62  }
0x663: {  	v3 =	vor.u32 v3, v4  }
0x664: {  	v4 =	vperm.xlane v3, v0;
	_ =	sdelay $0x1  }
0x665: {  	v4 =	vadd.s32 v1, v4;
	_ =	sdelay $0x1  }
0x666: {  	v3 =	vperm.xlane v3, v2;
	_ =	sdelay $0x1  }
0x667: {  	s16 =	simm.s32 $0x10680;
	v3 =	vadd.s32 v1, v3  }
0x668: {  	[tilespmem:s16], [sflag:$0x1] =	stream.indirect_vreg.gather [hbm4b:s2+s3], $0x80, v4, vm0, $0xb8;
	[tilespmem:$0x14680] =	vst v63  }
0x669: {  	s17 =	simm.s32 $0x10E80  }
0x66a: {  	[tilespmem:s17], [sflag:$0x1] =	stream.indirect_vreg.gather [hbm4b:s4+s3], $0x80, v4, vm0, $0xb8;
	[tilespmem:$0x14680] =	vst v63  }
0x66b: {  	s18 =	simm.s32 $0x11680  }
0x66c: {  	[tilespmem:s18], [sflag:$0x1] =	stream.indirect_vreg.gather [hbm4b:s2+s3], $0x80, v3, vm0, $0xb8;
	[tilespmem:$0x14680] =	vst v63  }
0x66d: {  	s24 =	simm.s32 $0x11E80  }
0x66e: {  	[tilespmem:s24], [sflag:$0x1] =	stream.indirect_vreg.gather [hbm4b:s4+s3], $0x80, v3, vm0, $0xb8;
	[tilespmem:$0x14680] =	vst v63  }
0x66f: {  	v3 =	vld [tilespmem:$0x630];
	_ =	sdelay $0x4  }
0x670: {  	v63 =	vshll.u32 v3, $0x2  }
0x671: {  	v3 =	vand.u32 $0x7, v3;
	v4 =	vand.u32 $0xFFFFFFE0, v63  }
0x672: {  	v3 =	vor.u32 v3, v4  }
0x673: {  	v4 =	vperm.xlane v3, v0;
	_ =	sdelay $0x1  }
0x674: {  	v4 =	vadd.s32 v1, v4;
	_ =	sdelay $0x1  }
0x675: {  	v3 =	vperm.xlane v3, v2;
	_ =	sdelay $0x1  }
0x676: {  	s25 =	simm.s32 $0x12680;
	v3 =	vadd.s32 v1, v3  }
0x677: {  	[tilespmem:s25], [sflag:$0x1] =	stream.indirect_vreg.gather [hbm4b:s2+s3], $0x80, v4, vm0, $0xb8;
	[tilespmem:$0x14680] =	vst v63  }
0x678: {  	s25 =	simm.s32 $0x12E80  }
0x679: {  	[tilespmem:s25], [sflag:$0x1] =	stream.indirect_vreg.gather [hbm4b:s4+s3], $0x80, v4, vm0, $0xb8;
	[tilespmem:$0x14680] =	vst v63  }
0x67a: {  	s26 =	simm.s32 $0x13680  }
0x67b: {  	[tilespmem:s26], [sflag:$0x1] =	stream.indirect_vreg.gather [hbm4b:s2+s3], $0x80, v3, vm0, $0xb8;
	[tilespmem:$0x14680] =	vst v63  }
0x67c: {  	s29 =	simm.s32 $0x13E80  }
0x67d: {  	[tilespmem:s29], [sflag:$0x1] =	stream.indirect_vreg.gather [hbm4b:s4+s3], $0x80, v3, vm0, $0xb8;
	[tilespmem:$0x14680] =	vst v63  }
0x67e: {  	s19 =	rddreg [dreg:$0x19];
	_ =	swait.ge [sflag:s21], $0xA000  }
0x67f: {  	[sflag:s21] =	ssyncset.done $0x0  }
0x680: {  	s30 =	rddreg [dreg:$0x17];
	[sflag:s21] =	ssyncadd.s32 $0xFFFF6000  }
0x681: {  	[hbm4b:s30+s3] =	stream.linear.scatter [tilespmem:s10], [sflag:$0x2], $0xA000, $0x38;
	[tilespmem:$0x14680] =	vst v63  }
0x682: {  	_ =	swait.ge [sflag:s21], $0xA000  }
0x683: {  	[sflag:s21] =	ssyncset.done $0x0  }
0x684: {  	s31 =	rddreg [dreg:$0x18];
	[sflag:s21] =	ssyncadd.s32 $0xFFFF6000  }
0x685: {  	[hbm4b:s31+s3] =	stream.linear.scatter [tilespmem:s28], [sflag:$0x2], $0xA000, $0x38;
	[tilespmem:$0x14680] =	vst v63  }
0x686: {  	p0 =	sne.s32 s19, $0x1;
	_ =	swait.ge [sflag:s22], $0xA000  }
.Ltmp0:
0x687: {  	[sflag:s22] =	ssyncset.done $0x0;
	(pc) =	sbr.rel @p0 .LBB2_1-.Ltmp0, $4  }
0x688: {  	[sflag:s22] =	ssyncadd.s32 $0xFFFF6000  }
0x689: {  	_ =	swait.ge [sflag:s22], $0xA000  }
0x68a: {  	[sflag:s22] =	ssyncset.done $0x0  }
0x68b: {  	s0 =	sadd.s32 $0xFFFFFFFF, s19;
	[sflag:s22] =	ssyncadd.s32 $0xFFFF6000  }
0x68c: {  	_ =	sfence.sel $0x180000  }
0x68d: {  	[bflag:$0x0] =	sbarrier.arrive $0xFFFF  }
0x68e: {  	_ =	strace $0x90000047  }
0x68f: {  	s0 =	stileid.u32;
	[bflag:$0x2] =	sbarrier.arrive $0xFFFF  }
0x690: {  	p0 =	sne.s32 s0, $0x0;
	s0 =	rddreg [dreg:$0x3]  }
0x691: {  	s0 =	sadd.s32 @!p0 $0x100000, s0  }
0x692: {  	[sflag:s0] =	ssyncadd.tile.s32 @!p0 $0x1;
	_ =	shalt  }
.Lfunc_end2:
_tile_overlayer_lowered:
.L_overlay_start_2:
0x693: {  	(tag) =	ssettag $0x2  }
0x694: {  	s0 =	rddreg [dreg:$0x0];
	s2 =	stileid.u32  }
0x695: {  	s1 =	rddreg [dreg:$0x1];
	p0 =	sne.s32 s2, $0x0  }
0x696: {  	s3 =	rddreg [dreg:$0x2];
	[bflag:$0x3] =	sbarrier.arrive $0xFFFF;
	s2 =	simm.s32 @!p0 $0x1C03  }
0x697: {  	[timem:s3], [sflag:s2] =	dma.local @!p0 [hbm:s0], s1  }
0x698: {  	s0 =	simm.s32 @!p0 $0x3  }
0x699: {  	_ =	swait.ge @!p0 [sflag:s0], s1  }
0x69a: {  	s1 =	ssub.s32 @!p0 $0x0, s1;
	[sflag:s0] =	ssyncset.done @!p0 $0x0  }
0x69b: {  	[sflag:s0] =	ssyncadd.s32 @!p0 s1  }
0x69c: {  	[bflag:$0x3] =	sbarrier.arrive $0xFFFF  }
0x69d: {  	_ =	shalt  }

</sc_bundles>
